<compile_context>
chip_gen: v7x
topology: tpu7x:2x2x1
jax: 0.10.2.dev20260603
libtpu: 0.0.44.dev20260713+nightly
codegen_flags: <defaults>
</compile_context>

<pallas_src>
import functools

import jax
import jax.numpy as jnp
from jax import lax
from jax.experimental import pallas as pl
from jax.experimental.pallas import tpu as pltpu
from jax.experimental.pallas import tpu_sc as plsc

_NC, _NS, _L = 2, 16, 16
_NW = _NC * _NS


def _make_sc_gather_max(BN, C, K, N):
    PW = BN // _NW
    G = 5
    NCH = PW // G
    IPC = G * K
    NPC = BN // _NC
    ST = 10
    SR = N // ST

    mesh = plsc.VectorSubcoreMesh(core_axis_name="c", subcore_axis_name="s")

    @functools.partial(
        pl.kernel,
        mesh=mesh,
        out_type=jax.ShapeDtypeStruct((BN * C,), jnp.float32),
        scratch_types=[
            pltpu.VMEM((PW * K,), jnp.int32),
            pltpu.VMEM((IPC, C), jnp.float32),
            pltpu.VMEM((IPC, C), jnp.float32),
            pltpu.VMEM((G * C,), jnp.float32),
            pltpu.VMEM_SHARED((N, C), jnp.float32),
            pltpu.SemaphoreType.DMA,
            pltpu.SemaphoreType.DMA,
        ],
    )
    def sc_kernel(x_hbm, idx_hbm, out_hbm, idx_v, rows0, rows1, outb, xs,
                  sem0, sem1):
        core = lax.axis_index("c")
        s = lax.axis_index("s")
        node0 = core * NPC + s * PW
        pltpu.sync_copy(idx_hbm.at[pl.ds(node0 * K, PW * K)], idx_v)

        @pl.when(s < ST)
        def _():
            pltpu.sync_copy(
                x_hbm.at[pl.ds(core * N + s * SR, SR)],
                xs.at[pl.ds(s * SR, SR)],
            )

        plsc.subcore_barrier()

        def start(c, buf, sem):
            pltpu.async_copy(xs.at[idx_v.at[pl.ds(c * IPC, IPC)]], buf, sem)

        def wait(buf, sem):
            pltpu.make_async_copy(
                xs.at[idx_v.at[pl.ds(0, IPC)]], buf, sem
            ).wait()

        CG = C // _L

        def compute(c, buf):
            def node_body(g, carry):
                base = g * K
                accs = [buf[base, pl.ds(cg * _L, _L)] for cg in range(CG)]
                for k in range(1, K):
                    for cg in range(CG):
                        accs[cg] = jnp.maximum(
                            accs[cg], buf[base + k, pl.ds(cg * _L, _L)]
                        )
                for cg in range(CG):
                    outb[pl.ds(g * C + cg * _L, _L)] = accs[cg]
                return carry

            lax.fori_loop(0, G, node_body, 0)
            pltpu.sync_copy(outb, out_hbm.at[pl.ds((node0 + c * G) * C, G * C)])

        start(0, rows0, sem0)

        def body(i, carry):
            c0 = i * 2
            start(c0 + 1, rows1, sem1)
            wait(rows0, sem0)
            compute(c0, rows0)
            start(c0 + 2, rows0, sem0)
            wait(rows1, sem1)
            compute(c0 + 1, rows1)
            return carry

        lax.fori_loop(0, (NCH - 1) // 2, body, 0)
        wait(rows0, sem0)
        compute(NCH - 1, rows0)

    return sc_kernel


def _mm_bn_kernel(a_ref, w_ref, gamma_ref, beta_ref, out_ref, y_ref, st_ref,
                  *, bkr, inv_n):
    p = pl.program_id(0)
    i = pl.program_id(1)

    @pl.when(p == 0)
    def _():
        a = jnp.maximum(a_ref[...], 0.0)
        y = lax.dot_general(
            a, w_ref[...], (((1,), (1,)), ((), ())),
            preferred_element_type=jnp.float32,
        )
        y_ref[pl.ds(i * bkr, bkr), :] = y

        @pl.when(i == 0)
        def _():
            st_ref[...] = jnp.zeros_like(st_ref)

        st_ref[0:1, :] += jnp.sum(y, axis=0, keepdims=True)
        st_ref[1:2, :] += jnp.sum(y * y, axis=0, keepdims=True)

    @pl.when(p == 1)
    def _():
        mean = st_ref[0:1, :] * inv_n
        var = st_ref[1:2, :] * inv_n - mean * mean
        scale = lax.rsqrt(var + 1e-5) * gamma_ref[...]
        yb = y_ref[pl.ds(i * bkr, bkr), :]
        out_ref[...] = (yb - mean) * scale + beta_ref[...]


def kernel(x, idx, W, gamma, beta):
    B, N, C = x.shape
    K = idx.shape[-1]
    CO = W.shape[0]
    BN = B * N

    x2 = x.reshape(BN, C)
    idxf = idx.astype(jnp.int32).reshape(BN * K)

    agg = _make_sc_gather_max(BN, C, K, N)(x2, idxf).reshape(BN, C)

    BKR = 2000
    nblk = BN // BKR
    out = pl.pallas_call(
        functools.partial(_mm_bn_kernel, bkr=BKR, inv_n=1.0 / BN),
        grid=(2, nblk),
        in_specs=[
            pl.BlockSpec((BKR, C), lambda p, i: (i * (1 - p), 0)),
            pl.BlockSpec((CO, C), lambda p, i: (0, 0)),
            pl.BlockSpec((1, CO), lambda p, i: (0, 0)),
            pl.BlockSpec((1, CO), lambda p, i: (0, 0)),
        ],
        out_specs=pl.BlockSpec((BKR, CO), lambda p, i: (i * p, 0)),
        out_shape=jax.ShapeDtypeStruct((BN, CO), jnp.float32),
        scratch_shapes=[
            pltpu.VMEM((BN, CO), jnp.float32),
            pltpu.VMEM((8, CO), jnp.float32),
        ],
    )(agg, W, gamma.reshape(1, CO), beta.reshape(1, CO))

    return out.reshape(B, N, CO)

# --- scband reference (transcript-rebuilt; emitter-appended) ---
"""Pipeline reference for scband-graph-max-pool-85169201479757 (READ-ONLY COPY).

The authoritative reference and input builder live on the scoring server;
editing this copy changes nothing except your own understanding.
"""

import jax, jax.numpy as jnp
import numpy as np


def setup_inputs(seed: int = 0) -> dict:
    key = jax.random.key(seed)
    k1, k2, k3, k4, k5 = jax.random.split(key, 5)
    B, N, C, K = 2, 10000, 128, 16
    out_channels = 128
    x = jax.random.normal(k1, (B, N, C), dtype=jnp.float32)
    idx = jax.random.randint(k2, (B, N, K), 0, N, dtype=jnp.int64)
    # Linear (bias=False) weight, torch layout [out, in]
    bound = 1.0 / np.sqrt(C)
    W = jax.random.uniform(k3, (out_channels, C), dtype=jnp.float32, minval=-bound, maxval=bound)
    # BatchNorm1d affine params
    gamma = jnp.ones((out_channels,), dtype=jnp.float32)
    beta = jnp.zeros((out_channels,), dtype=jnp.float32)
    return {"x": x, "idx": idx, "W": W, "gamma": gamma, "beta": beta}


def reference(x, idx, W, gamma, beta):
    B, N, C = x.shape
    K = idx.shape[-1]
    idx_flat = idx.reshape(B, N * K)
    # gather neighbor features along node axis: [B, N*K, C]
    nbr_feats = jnp.take_along_axis(x, idx_flat[..., None], axis=1)
    nbr_feats = nbr_feats.reshape(B, N, K, C)
    agg = jax.nn.relu(jnp.max(nbr_feats, axis=2))
    y = agg.reshape(B * N, C) @ W.T
    # BatchNorm1d in training mode: batch statistics, biased variance, eps=1e-5
    mean = jnp.mean(y, axis=0)
    var = jnp.var(y, axis=0)
    y_norm = (y - mean) / jnp.sqrt(var + 1e-5) * gamma + beta
    return y_norm.reshape(B, N, -1)

if __name__ == "__main__":
    import jax
    _d = setup_inputs()
    print(jax.jit(kernel)(*tuple(_d.values())))

</pallas_src>

<mosaic_0001>
#map = affine_map<(d0, d1) -> (0, 0)>
#map1 = affine_map<(d0, d1) -> (0)>
module attributes {stable_mosaic.version = 14 : i64} {
  func.func @sc_kernel(%arg0: i32, %arg1: i32, %arg2: memref<20000x128xf32, #tpu.memory_space<hbm>>, %arg3: memref<320000xi32, #tpu.memory_space<hbm>>, %arg4: memref<2560000xf32, #tpu.memory_space<hbm>>, %arg5: memref<10000xi32, #tpu.memory_space<vmem>>, %arg6: memref<80x128xf32, #tpu.memory_space<vmem>>, %arg7: memref<80x128xf32, #tpu.memory_space<vmem>>, %arg8: memref<640xf32, #tpu.memory_space<vmem>>, %arg9: memref<10000x128xf32, #tpu.memory_space<vmem_shared>>, %arg10: memref<!tpu.dma_semaphore, #tpu.memory_space<semaphore_mem>>, %arg11: memref<!tpu.dma_semaphore, #tpu.memory_space<semaphore_mem>>) attributes {dimension_semantics = [#tpu.dimension_semantics<core_parallel>, #tpu.dimension_semantics<subcore_parallel>], iteration_bounds = array<i64: 2, 16>, scalar_prefetch = 0 : i64, scratch_operands = 7 : i64, tpu.core_type = #tpu.core_type<sc_vector_subcore>, window_params = [{transform_indices = #map}, {transform_indices = #map1}, {transform_indices = #map1}]} {
    %mul3A = arith.constant 10000 : i32
    %mul3A_0 = arith.muli %arg0, %mul3A : i32
    %mul3A_1 = arith.constant 625 : i32
    %mul3A_2 = arith.muli %arg1, %mul3A_1 : i32
    %add3A = arith.addi %mul3A_0, %mul3A_2 : i32
    %mul3A_3 = arith.constant 16 : i32
    %mul3A_4 = arith.muli %add3A, %mul3A_3 : i32
    "tpu.region"() ({
      %run_scoped3A = tpu.sem_alloc : memref<!tpu.dma_semaphore, #tpu.memory_space<semaphore_mem>>
      %dma_start3A_30 = tpu.memref_slice %arg3[%mul3A_4] : memref<320000xi32, #tpu.memory_space<hbm>> -> memref<10000xi32, #tpu.memory_space<hbm>>
      %dma_start3A_31 = tpu.memref_slice %arg3[%mul3A_4] : memref<320000xi32, #tpu.memory_space<hbm>> -> memref<10000xi32, #tpu.memory_space<hbm>>
      tpu.enqueue_dma source(%dma_start3A_31 : memref<10000xi32, #tpu.memory_space<hbm>>) target(%arg5 : memref<10000xi32, #tpu.memory_space<vmem>>) target_semaphore(%run_scoped3A : memref<!tpu.dma_semaphore, #tpu.memory_space<semaphore_mem>>)
      %dma_wait3A_32 = tpu.memref_slice %arg3[%mul3A_4] : memref<320000xi32, #tpu.memory_space<hbm>> -> memref<10000xi32, #tpu.memory_space<hbm>>
      %dma_wait3A_33 = tpu.memref_slice %arg3[%mul3A_4] : memref<320000xi32, #tpu.memory_space<hbm>> -> memref<10000xi32, #tpu.memory_space<hbm>>
      tpu.wait_dma2 semaphore(%run_scoped3A : memref<!tpu.dma_semaphore, #tpu.memory_space<semaphore_mem>>) src(%dma_wait3A_33 : memref<10000xi32, #tpu.memory_space<hbm>>) dst(%arg5 : memref<10000xi32, #tpu.memory_space<vmem>>)
      tpu.yield
    }) : () -> ()
    %lt3A = arith.constant 10 : i32
    %lt3A_5 = arith.cmpi slt, %arg1, %lt3A : i32
    %convert_element_type3A = arith.extui %lt3A_5 : i1 to i32
    %cond3A = arith.constant 0 : i32
    %cond3A_6 = arith.cmpi ne, %convert_element_type3A, %cond3A : i32
    scf.if %cond3A_6 {
      %mul3A_30 = arith.constant 10000 : i32
      %mul3A_31 = arith.muli %arg0, %mul3A_30 : i32
      %mul3A_32 = arith.constant 1000 : i32
      %mul3A_33 = arith.muli %arg1, %mul3A_32 : i32
      %add3A_34 = arith.addi %mul3A_31, %mul3A_33 : i32
      %mul3A_35 = arith.constant 1000 : i32
      %mul3A_36 = arith.muli %arg1, %mul3A_35 : i32
      "tpu.region"() ({
        %run_scoped3A = tpu.sem_alloc : memref<!tpu.dma_semaphore, #tpu.memory_space<semaphore_mem>>
        %dma_start3A_37 = arith.constant 0 : i32
        %dma_start3A_38 = tpu.memref_slice %arg9[%mul3A_36, %dma_start3A_37] : memref<10000x128xf32, #tpu.memory_space<vmem_shared>> -> memref<1000x128xf32, #tpu.memory_space<vmem_shared>>
        %dma_start3A_39 = arith.constant 0 : i32
        %dma_start3A_40 = tpu.memref_slice %arg2[%add3A_34, %dma_start3A_39] : memref<20000x128xf32, #tpu.memory_space<hbm>> -> memref<1000x128xf32, #tpu.memory_space<hbm>>
        tpu.enqueue_dma source(%dma_start3A_40 : memref<1000x128xf32, #tpu.memory_space<hbm>>) target(%dma_start3A_38 : memref<1000x128xf32, #tpu.memory_space<vmem_shared>>) target_semaphore(%run_scoped3A : memref<!tpu.dma_semaphore, #tpu.memory_space<semaphore_mem>>)
        %dma_wait3A_41 = arith.constant 0 : i32
        %dma_wait3A_42 = tpu.memref_slice %arg9[%mul3A_36, %dma_wait3A_41] : memref<10000x128xf32, #tpu.memory_space<vmem_shared>> -> memref<1000x128xf32, #tpu.memory_space<vmem_shared>>
        %dma_wait3A_43 = arith.constant 0 : i32
        %dma_wait3A_44 = tpu.memref_slice %arg2[%add3A_34, %dma_wait3A_43] : memref<20000x128xf32, #tpu.memory_space<hbm>> -> memref<1000x128xf32, #tpu.memory_space<hbm>>
        tpu.wait_dma2 semaphore(%run_scoped3A : memref<!tpu.dma_semaphore, #tpu.memory_space<semaphore_mem>>) src(%dma_wait3A_44 : memref<1000x128xf32, #tpu.memory_space<hbm>>) dst(%dma_wait3A_42 : memref<1000x128xf32, #tpu.memory_space<vmem_shared>>)
        tpu.yield
      }) : () -> ()
    } else {
    }
    %barrier3A = arith.constant 0 : index
    tpu.barrier barrier_id(%barrier3A)
    %dma_start3A = arith.constant 0 : i32
    %dma_start3A_7 = tpu.memref_slice %arg5[%dma_start3A] : memref<10000xi32, #tpu.memory_space<vmem>> -> memref<80xi32, #tpu.memory_space<vmem>>
    %dma_start3A_8 = arith.constant 0 : i32
    %dma_start3A_9 = arith.constant 0 : i32
    %dma_start3A_10 = tpu.memref_slice %arg9[%dma_start3A_8, %dma_start3A_9] : memref<10000x128xf32, #tpu.memory_space<vmem_shared>> -> memref<10000x128xf32, #tpu.memory_space<vmem_shared>>
    tpu.enqueue_indirect_dma source(%dma_start3A_10 : memref<10000x128xf32, #tpu.memory_space<vmem_shared>>) target(%arg6 : memref<80x128xf32, #tpu.memory_space<vmem>>) offsets(%dma_start3A_7 : memref<80xi32, #tpu.memory_space<vmem>>) semaphore(%arg10 : memref<!tpu.dma_semaphore, #tpu.memory_space<semaphore_mem>>)
    %scan3A = arith.constant 0 : i32
    %scan3A_11 = arith.constant 0 : i32
    %scan3A_12 = arith.constant 62 : i32
    %scan3A_13 = arith.addi %scan3A_11, %scan3A_12 : i32
    %scan3A_14 = arith.constant 1 : i32
    scf.for %scan3A_30 = %scan3A_11 to %scan3A_13 step %scan3A_14  : i32 {
      %mul3A_31 = arith.constant 2 : i32
      %mul3A_32 = arith.muli %scan3A_30, %mul3A_31 : i32
      %add3A_33 = arith.constant 1 : i32
      %add3A_34 = arith.addi %mul3A_32, %add3A_33 : i32
      %mul3A_35 = arith.constant 80 : i32
      %mul3A_36 = arith.muli %add3A_34, %mul3A_35 : i32
      %dma_start3A_37 = tpu.memref_slice %arg5[%mul3A_36] : memref<10000xi32, #tpu.memory_space<vmem>> -> memref<80xi32, #tpu.memory_space<vmem>>
      %dma_start3A_38 = arith.constant 0 : i32
      %dma_start3A_39 = arith.constant 0 : i32
      %dma_start3A_40 = tpu.memref_slice %arg9[%dma_start3A_38, %dma_start3A_39] : memref<10000x128xf32, #tpu.memory_space<vmem_shared>> -> memref<10000x128xf32, #tpu.memory_space<vmem_shared>>
      tpu.enqueue_indirect_dma source(%dma_start3A_40 : memref<10000x128xf32, #tpu.memory_space<vmem_shared>>) target(%arg7 : memref<80x128xf32, #tpu.memory_space<vmem>>) offsets(%dma_start3A_37 : memref<80xi32, #tpu.memory_space<vmem>>) semaphore(%arg11 : memref<!tpu.dma_semaphore, #tpu.memory_space<semaphore_mem>>)
      %dma_wait3A_41 = arith.constant 0 : i32
      %dma_wait3A_42 = tpu.memref_slice %arg5[%dma_wait3A_41] : memref<10000xi32, #tpu.memory_space<vmem>> -> memref<80xi32, #tpu.memory_space<vmem>>
      %dma_wait3A_43 = arith.constant 0 : i32
      %dma_wait3A_44 = arith.constant 0 : i32
      %dma_wait3A_45 = tpu.memref_slice %arg9[%dma_wait3A_43, %dma_wait3A_44] : memref<10000x128xf32, #tpu.memory_space<vmem_shared>> -> memref<10000x128xf32, #tpu.memory_space<vmem_shared>>
      tpu.wait_indirect_dma semaphore(%arg10 : memref<!tpu.dma_semaphore, #tpu.memory_space<semaphore_mem>>) src(%dma_wait3A_45 : memref<10000x128xf32, #tpu.memory_space<vmem_shared>>) dst(%arg6 : memref<80x128xf32, #tpu.memory_space<vmem>>)
      %scan3A_46 = arith.constant 0 : i32
      %scan3A_47 = arith.constant 0 : i32
      %scan3A_48 = arith.constant 5 : i32
      %scan3A_49 = arith.addi %scan3A_47, %scan3A_48 : i32
      %scan3A_50 = arith.constant 1 : i32
      scf.for %scan3A_83 = %scan3A_47 to %scan3A_49 step %scan3A_50  : i32 {
        %mul3A_84 = arith.constant 16 : i32
        %mul3A_85 = arith.muli %scan3A_83, %mul3A_84 : i32
        %get3A = arith.index_cast %mul3A_85 : i32 to index
        %get3A_86 = arith.constant 0 : index
        %get3A_87 = tpu.vector_load %arg6[%get3A, %get3A_86] {strides = array<i32>} : memref<80x128xf32, #tpu.memory_space<vmem>>, vector<1x16xf32>,
        %get3A_88 = vector.shape_cast %get3A_87 : vector<1x16xf32> to vector<16xf32>
        %get3A_89 = arith.index_cast %mul3A_85 : i32 to index
        %get3A_90 = arith.constant 16 : index
        %get3A_91 = tpu.vector_load %arg6[%get3A_89, %get3A_90] {strides = array<i32>} : memref<80x128xf32, #tpu.memory_space<vmem>>, vector<1x16xf32>,
        %get3A_92 = vector.shape_cast %get3A_91 : vector<1x16xf32> to vector<16xf32>
        %get3A_93 = arith.index_cast %mul3A_85 : i32 to index
        %get3A_94 = arith.constant 32 : index
        %get3A_95 = tpu.vector_load %arg6[%get3A_93, %get3A_94] {strides = array<i32>} : memref<80x128xf32, #tpu.memory_space<vmem>>, vector<1x16xf32>,
        %get3A_96 = vector.shape_cast %get3A_95 : vector<1x16xf32> to vector<16xf32>
        %get3A_97 = arith.index_cast %mul3A_85 : i32 to index
        %get3A_98 = arith.constant 48 : index
        %get3A_99 = tpu.vector_load %arg6[%get3A_97, %get3A_98] {strides = array<i32>} : memref<80x128xf32, #tpu.memory_space<vmem>>, vector<1x16xf32>,
        %get3A_100 = vector.shape_cast %get3A_99 : vector<1x16xf32> to vector<16xf32>
        %get3A_101 = arith.index_cast %mul3A_85 : i32 to index
        %get3A_102 = arith.constant 64 : index
        %get3A_103 = tpu.vector_load %arg6[%get3A_101, %get3A_102] {strides = array<i32>} : memref<80x128xf32, #tpu.memory_space<vmem>>, vector<1x16xf32>,
        %get3A_104 = vector.shape_cast %get3A_103 : vector<1x16xf32> to vector<16xf32>
        %get3A_105 = arith.index_cast %mul3A_85 : i32 to index
        %get3A_106 = arith.constant 80 : index
        %get3A_107 = tpu.vector_load %arg6[%get3A_105, %get3A_106] {strides = array<i32>} : memref<80x128xf32, #tpu.memory_space<vmem>>, vector<1x16xf32>,
        %get3A_108 = vector.shape_cast %get3A_107 : vector<1x16xf32> to vector<16xf32>
        %get3A_109 = arith.index_cast %mul3A_85 : i32 to index
        %get3A_110 = arith.constant 96 : index
        %get3A_111 = tpu.vector_load %arg6[%get3A_109, %get3A_110] {strides = array<i32>} : memref<80x128xf32, #tpu.memory_space<vmem>>, vector<1x16xf32>,
        %get3A_112 = vector.shape_cast %get3A_111 : vector<1x16xf32> to vector<16xf32>
        %get3A_113 = arith.index_cast %mul3A_85 : i32 to index
        %get3A_114 = arith.constant 112 : index
        %get3A_115 = tpu.vector_load %arg6[%get3A_113, %get3A_114] {strides = array<i32>} : memref<80x128xf32, #tpu.memory_space<vmem>>, vector<1x16xf32>,
        %get3A_116 = vector.shape_cast %get3A_115 : vector<1x16xf32> to vector<16xf32>
        %add3A_117 = arith.constant 1 : i32
        %add3A_118 = arith.addi %mul3A_85, %add3A_117 : i32
        %get3A_119 = arith.index_cast %add3A_118 : i32 to index
        %get3A_120 = arith.constant 0 : index
        %get3A_121 = tpu.vector_load %arg6[%get3A_119, %get3A_120] {strides = array<i32>} : memref<80x128xf32, #tpu.memory_space<vmem>>, vector<1x16xf32>,
        %get3A_122 = vector.shape_cast %get3A_121 : vector<1x16xf32> to vector<16xf32>
        %max3A = arith.maximumf %get3A_88, %get3A_122 : vector<16xf32>
        %add3A_123 = arith.constant 1 : i32
        %add3A_124 = arith.addi %mul3A_85, %add3A_123 : i32
        %get3A_125 = arith.index_cast %add3A_124 : i32 to index
        %get3A_126 = arith.constant 16 : index
        %get3A_127 = tpu.vector_load %arg6[%get3A_125, %get3A_126] {strides = array<i32>} : memref<80x128xf32, #tpu.memory_space<vmem>>, vector<1x16xf32>,
        %get3A_128 = vector.shape_cast %get3A_127 : vector<1x16xf32> to vector<16xf32>
        %max3A_129 = arith.maximumf %get3A_92, %get3A_128 : vector<16xf32>
        %add3A_130 = arith.constant 1 : i32
        %add3A_131 = arith.addi %mul3A_85, %add3A_130 : i32
        %get3A_132 = arith.index_cast %add3A_131 : i32 to index
        %get3A_133 = arith.constant 32 : index
        %get3A_134 = tpu.vector_load %arg6[%get3A_132, %get3A_133] {strides = array<i32>} : memref<80x128xf32, #tpu.memory_space<vmem>>, vector<1x16xf32>,
        %get3A_135 = vector.shape_cast %get3A_134 : vector<1x16xf32> to vector<16xf32>
        %max3A_136 = arith.maximumf %get3A_96, %get3A_135 : vector<16xf32>
        %add3A_137 = arith.constant 1 : i32
        %add3A_138 = arith.addi %mul3A_85, %add3A_137 : i32
        %get3A_139 = arith.index_cast %add3A_138 : i32 to index
        %get3A_140 = arith.constant 48 : index
        %get3A_141 = tpu.vector_load %arg6[%get3A_139, %get3A_140] {strides = array<i32>} : memref<80x128xf32, #tpu.memory_space<vmem>>, vector<1x16xf32>,
        %get3A_142 = vector.shape_cast %get3A_141 : vector<1x16xf32> to vector<16xf32>
        %max3A_143 = arith.maximumf %get3A_100, %get3A_142 : vector<16xf32>
        %add3A_144 = arith.constant 1 : i32
        %add3A_145 = arith.addi %mul3A_85, %add3A_144 : i32
        %get3A_146 = arith.index_cast %add3A_145 : i32 to index
        %get3A_147 = arith.constant 64 : index
        %get3A_148 = tpu.vector_load %arg6[%get3A_146, %get3A_147] {strides = array<i32>} : memref<80x128xf32, #tpu.memory_space<vmem>>, vector<1x16xf32>,
        %get3A_149 = vector.shape_cast %get3A_148 : vector<1x16xf32> to vector<16xf32>
        %max3A_150 = arith.maximumf %get3A_104, %get3A_149 : vector<16xf32>
        %add3A_151 = arith.constant 1 : i32
        %add3A_152 = arith.addi %mul3A_85, %add3A_151 : i32
        %get3A_153 = arith.index_cast %add3A_152 : i32 to index
        %get3A_154 = arith.constant 80 : index
        %get3A_155 = tpu.vector_load %arg6[%get3A_153, %get3A_154] {strides = array<i32>} : memref<80x128xf32, #tpu.memory_space<vmem>>, vector<1x16xf32>,
        %get3A_156 = vector.shape_cast %get3A_155 : vector<1x16xf32> to vector<16xf32>
        %max3A_157 = arith.maximumf %get3A_108, %get3A_156 : vector<16xf32>
        %add3A_158 = arith.constant 1 : i32
        %add3A_159 = arith.addi %mul3A_85, %add3A_158 : i32
        %get3A_160 = arith.index_cast %add3A_159 : i32 to index
        %get3A_161 = arith.constant 96 : index
        %get3A_162 = tpu.vector_load %arg6[%get3A_160, %get3A_161] {strides = array<i32>} : memref<80x128xf32, #tpu.memory_space<vmem>>, vector<1x16xf32>,
        %get3A_163 = vector.shape_cast %get3A_162 : vector<1x16xf32> to vector<16xf32>
        %max3A_164 = arith.maximumf %get3A_112, %get3A_163 : vector<16xf32>
        %add3A_165 = arith.constant 1 : i32
        %add3A_166 = arith.addi %mul3A_85, %add3A_165 : i32
        %get3A_167 = arith.index_cast %add3A_166 : i32 to index
        %get3A_168 = arith.constant 112 : index
        %get3A_169 = tpu.vector_load %arg6[%get3A_167, %get3A_168] {strides = array<i32>} : memref<80x128xf32, #tpu.memory_space<vmem>>, vector<1x16xf32>,
        %get3A_170 = vector.shape_cast %get3A_169 : vector<1x16xf32> to vector<16xf32>
        %max3A_171 = arith.maximumf %get3A_116, %get3A_170 : vector<16xf32>
        %add3A_172 = arith.constant 2 : i32
        %add3A_173 = arith.addi %mul3A_85, %add3A_172 : i32
        %get3A_174 = arith.index_cast %add3A_173 : i32 to index
        %get3A_175 = arith.constant 0 : index
        %get3A_176 = tpu.vector_load %arg6[%get3A_174, %get3A_175] {strides = array<i32>} : memref<80x128xf32, #tpu.memory_space<vmem>>, vector<1x16xf32>,
        %get3A_177 = vector.shape_cast %get3A_176 : vector<1x16xf32> to vector<16xf32>
        %max3A_178 = arith.maximumf %max3A, %get3A_177 : vector<16xf32>
        %add3A_179 = arith.constant 2 : i32
        %add3A_180 = arith.addi %mul3A_85, %add3A_179 : i32
        %get3A_181 = arith.index_cast %add3A_180 : i32 to index
        %get3A_182 = arith.constant 16 : index
        %get3A_183 = tpu.vector_load %arg6[%get3A_181, %get3A_182] {strides = array<i32>} : memref<80x128xf32, #tpu.memory_space<vmem>>, vector<1x16xf32>,
        %get3A_184 = vector.shape_cast %get3A_183 : vector<1x16xf32> to vector<16xf32>
        %max3A_185 = arith.maximumf %max3A_129, %get3A_184 : vector<16xf32>
        %add3A_186 = arith.constant 2 : i32
        %add3A_187 = arith.addi %mul3A_85, %add3A_186 : i32
        %get3A_188 = arith.index_cast %add3A_187 : i32 to index
        %get3A_189 = arith.constant 32 : index
        %get3A_190 = tpu.vector_load %arg6[%get3A_188, %get3A_189] {strides = array<i32>} : memref<80x128xf32, #tpu.memory_space<vmem>>, vector<1x16xf32>,
        %get3A_191 = vector.shape_cast %get3A_190 : vector<1x16xf32> to vector<16xf32>
        %max3A_192 = arith.maximumf %max3A_136, %get3A_191 : vector<16xf32>
        %add3A_193 = arith.constant 2 : i32
        %add3A_194 = arith.addi %mul3A_85, %add3A_193 : i32
        %get3A_195 = arith.index_cast %add3A_194 : i32 to index
        %get3A_196 = arith.constant 48 : index
        %get3A_197 = tpu.vector_load %arg6[%get3A_195, %get3A_196] {strides = array<i32>} : memref<80x128xf32, #tpu.memory_space<vmem>>, vector<1x16xf32>,
        %get3A_198 = vector.shape_cast %get3A_197 : vector<1x16xf32> to vector<16xf32>
        %max3A_199 = arith.maximumf %max3A_143, %get3A_198 : vector<16xf32>
        %add3A_200 = arith.constant 2 : i32
        %add3A_201 = arith.addi %mul3A_85, %add3A_200 : i32
        %get3A_202 = arith.index_cast %add3A_201 : i32 to index
        %get3A_203 = arith.constant 64 : index
        %get3A_204 = tpu.vector_load %arg6[%get3A_202, %get3A_203] {strides = array<i32>} : memref<80x128xf32, #tpu.memory_space<vmem>>, vector<1x16xf32>,
        %get3A_205 = vector.shape_cast %get3A_204 : vector<1x16xf32> to vector<16xf32>
        %max3A_206 = arith.maximumf %max3A_150, %get3A_205 : vector<16xf32>
        %add3A_207 = arith.constant 2 : i32
        %add3A_208 = arith.addi %mul3A_85, %add3A_207 : i32
        %get3A_209 = arith.index_cast %add3A_208 : i32 to index
        %get3A_210 = arith.constant 80 : index
        %get3A_211 = tpu.vector_load %arg6[%get3A_209, %get3A_210] {strides = array<i32>} : memref<80x128xf32, #tpu.memory_space<vmem>>, vector<1x16xf32>,
        %get3A_212 = vector.shape_cast %get3A_211 : vector<1x16xf32> to vector<16xf32>
        %max3A_213 = arith.maximumf %max3A_157, %get3A_212 : vector<16xf32>
        %add3A_214 = arith.constant 2 : i32
        %add3A_215 = arith.addi %mul3A_85, %add3A_214 : i32
        %get3A_216 = arith.index_cast %add3A_215 : i32 to index
        %get3A_217 = arith.constant 96 : index
        %get3A_218 = tpu.vector_load %arg6[%get3A_216, %get3A_217] {strides = array<i32>} : memref<80x128xf32, #tpu.memory_space<vmem>>, vector<1x16xf32>,
        %get3A_219 = vector.shape_cast %get3A_218 : vector<1x16xf32> to vector<16xf32>
        %max3A_220 = arith.maximumf %max3A_164, %get3A_219 : vector<16xf32>
        %add3A_221 = arith.constant 2 : i32
        %add3A_222 = arith.addi %mul3A_85, %add3A_221 : i32
        %get3A_223 = arith.index_cast %add3A_222 : i32 to index
        %get3A_224 = arith.constant 112 : index
        %get3A_225 = tpu.vector_load %arg6[%get3A_223, %get3A_224] {strides = array<i32>} : memref<80x128xf32, #tpu.memory_space<vmem>>, vector<1x16xf32>,
        %get3A_226 = vector.shape_cast %get3A_225 : vector<1x16xf32> to vector<16xf32>
        %max3A_227 = arith.maximumf %max3A_171, %get3A_226 : vector<16xf32>
        %add3A_228 = arith.constant 3 : i32
        %add3A_229 = arith.addi %mul3A_85, %add3A_228 : i32
        %get3A_230 = arith.index_cast %add3A_229 : i32 to index
        %get3A_231 = arith.constant 0 : index
        %get3A_232 = tpu.vector_load %arg6[%get3A_230, %get3A_231] {strides = array<i32>} : memref<80x128xf32, #tpu.memory_space<vmem>>, vector<1x16xf32>,
        %get3A_233 = vector.shape_cast %get3A_232 : vector<1x16xf32> to vector<16xf32>
        %max3A_234 = arith.maximumf %max3A_178, %get3A_233 : vector<16xf32>
        %add3A_235 = arith.constant 3 : i32
        %add3A_236 = arith.addi %mul3A_85, %add3A_235 : i32
        %get3A_237 = arith.index_cast %add3A_236 : i32 to index
        %get3A_238 = arith.constant 16 : index
        %get3A_239 = tpu.vector_load %arg6[%get3A_237, %get3A_238] {strides = array<i32>} : memref<80x128xf32, #tpu.memory_space<vmem>>, vector<1x16xf32>,
        %get3A_240 = vector.shape_cast %get3A_239 : vector<1x16xf32> to vector<16xf32>
        %max3A_241 = arith.maximumf %max3A_185, %get3A_240 : vector<16xf32>
        %add3A_242 = arith.constant 3 : i32
        %add3A_243 = arith.addi %mul3A_85, %add3A_242 : i32
        %get3A_244 = arith.index_cast %add3A_243 : i32 to index
        %get3A_245 = arith.constant 32 : index
        %get3A_246 = tpu.vector_load %arg6[%get3A_244, %get3A_245] {strides = array<i32>} : memref<80x128xf32, #tpu.memory_space<vmem>>, vector<1x16xf32>,
        %get3A_247 = vector.shape_cast %get3A_246 : vector<1x16xf32> to vector<16xf32>
        %max3A_248 = arith.maximumf %max3A_192, %get3A_247 : vector<16xf32>
        %add3A_249 = arith.constant 3 : i32
        %add3A_250 = arith.addi %mul3A_85, %add3A_249 : i32
        %get3A_251 = arith.index_cast %add3A_250 : i32 to index
        %get3A_252 = arith.constant 48 : index
        %get3A_253 = tpu.vector_load %arg6[%get3A_251, %get3A_252] {strides = array<i32>} : memref<80x128xf32, #tpu.memory_space<vmem>>, vector<1x16xf32>,
        %get3A_254 = vector.shape_cast %get3A_253 : vector<1x16xf32> to vector<16xf32>
        %max3A_255 = arith.maximumf %max3A_199, %get3A_254 : vector<16xf32>
        %add3A_256 = arith.constant 3 : i32
        %add3A_257 = arith.addi %mul3A_85, %add3A_256 : i32
        %get3A_258 = arith.index_cast %add3A_257 : i32 to index
        %get3A_259 = arith.constant 64 : index
        %get3A_260 = tpu.vector_load %arg6[%get3A_258, %get3A_259] {strides = array<i32>} : memref<80x128xf32, #tpu.memory_space<vmem>>, vector<1x16xf32>,
        %get3A_261 = vector.shape_cast %get3A_260 : vector<1x16xf32> to vector<16xf32>
        %max3A_262 = arith.maximumf %max3A_206, %get3A_261 : vector<16xf32>
        %add3A_263 = arith.constant 3 : i32
        %add3A_264 = arith.addi %mul3A_85, %add3A_263 : i32
        %get3A_265 = arith.index_cast %add3A_264 : i32 to index
        %get3A_266 = arith.constant 80 : index
        %get3A_267 = tpu.vector_load %arg6[%get3A_265, %get3A_266] {strides = array<i32>} : memref<80x128xf32, #tpu.memory_space<vmem>>, vector<1x16xf32>,
        %get3A_268 = vector.shape_cast %get3A_267 : vector<1x16xf32> to vector<16xf32>
        %max3A_269 = arith.maximumf %max3A_213, %get3A_268 : vector<16xf32>
        %add3A_270 = arith.constant 3 : i32
        %add3A_271 = arith.addi %mul3A_85, %add3A_270 : i32
        %get3A_272 = arith.index_cast %add3A_271 : i32 to index
        %get3A_273 = arith.constant 96 : index
        %get3A_274 = tpu.vector_load %arg6[%get3A_272, %get3A_273] {strides = array<i32>} : memref<80x128xf32, #tpu.memory_space<vmem>>, vector<1x16xf32>,
        %get3A_275 = vector.shape_cast %get3A_274 : vector<1x16xf32> to vector<16xf32>
        %max3A_276 = arith.maximumf %max3A_220, %get3A_275 : vector<16xf32>
        %add3A_277 = arith.constant 3 : i32
        %add3A_278 = arith.addi %mul3A_85, %add3A_277 : i32
        %get3A_279 = arith.index_cast %add3A_278 : i32 to index
        %get3A_280 = arith.constant 112 : index
        %get3A_281 = tpu.vector_load %arg6[%get3A_279, %get3A_280] {strides = array<i32>} : memref<80x128xf32, #tpu.memory_space<vmem>>, vector<1x16xf32>,
        %get3A_282 = vector.shape_cast %get3A_281 : vector<1x16xf32> to vector<16xf32>
        %max3A_283 = arith.maximumf %max3A_227, %get3A_282 : vector<16xf32>
        %add3A_284 = arith.constant 4 : i32
        %add3A_285 = arith.addi %mul3A_85, %add3A_284 : i32
        %get3A_286 = arith.index_cast %add3A_285 : i32 to index
        %get3A_287 = arith.constant 0 : index
        %get3A_288 = tpu.vector_load %arg6[%get3A_286, %get3A_287] {strides = array<i32>} : memref<80x128xf32, #tpu.memory_space<vmem>>, vector<1x16xf32>,
        %get3A_289 = vector.shape_cast %get3A_288 : vector<1x16xf32> to vector<16xf32>
        %max3A_290 = arith.maximumf %max3A_234, %get3A_289 : vector<16xf32>
        %add3A_291 = arith.constant 4 : i32
        %add3A_292 = arith.addi %mul3A_85, %add3A_291 : i32
        %get3A_293 = arith.index_cast %add3A_292 : i32 to index
        %get3A_294 = arith.constant 16 : index
        %get3A_295 = tpu.vector_load %arg6[%get3A_293, %get3A_294] {strides = array<i32>} : memref<80x128xf32, #tpu.memory_space<vmem>>, vector<1x16xf32>,
        %get3A_296 = vector.shape_cast %get3A_295 : vector<1x16xf32> to vector<16xf32>
        %max3A_297 = arith.maximumf %max3A_241, %get3A_296 : vector<16xf32>
        %add3A_298 = arith.constant 4 : i32
        %add3A_299 = arith.addi %mul3A_85, %add3A_298 : i32
        %get3A_300 = arith.index_cast %add3A_299 : i32 to index
        %get3A_301 = arith.constant 32 : index
        %get3A_302 = tpu.vector_load %arg6[%get3A_300, %get3A_301] {strides = array<i32>} : memref<80x128xf32, #tpu.memory_space<vmem>>, vector<1x16xf32>,
        %get3A_303 = vector.shape_cast %get3A_302 : vector<1x16xf32> to vector<16xf32>
        %max3A_304 = arith.maximumf %max3A_248, %get3A_303 : vector<16xf32>
        %add3A_305 = arith.constant 4 : i32
        %add3A_306 = arith.addi %mul3A_85, %add3A_305 : i32
        %get3A_307 = arith.index_cast %add3A_306 : i32 to index
        %get3A_308 = arith.constant 48 : index
        %get3A_309 = tpu.vector_load %arg6[%get3A_307, %get3A_308] {strides = array<i32>} : memref<80x128xf32, #tpu.memory_space<vmem>>, vector<1x16xf32>,
        %get3A_310 = vector.shape_cast %get3A_309 : vector<1x16xf32> to vector<16xf32>
        %max3A_311 = arith.maximumf %max3A_255, %get3A_310 : vector<16xf32>
        %add3A_312 = arith.constant 4 : i32
        %add3A_313 = arith.addi %mul3A_85, %add3A_312 : i32
        %get3A_314 = arith.index_cast %add3A_313 : i32 to index
        %get3A_315 = arith.constant 64 : index
        %get3A_316 = tpu.vector_load %arg6[%get3A_314, %get3A_315] {strides = array<i32>} : memref<80x128xf32, #tpu.memory_space<vmem>>, vector<1x16xf32>,
        %get3A_317 = vector.shape_cast %get3A_316 : vector<1x16xf32> to vector<16xf32>
        %max3A_318 = arith.maximumf %max3A_262, %get3A_317 : vector<16xf32>
        %add3A_319 = arith.constant 4 : i32
        %add3A_320 = arith.addi %mul3A_85, %add3A_319 : i32
        %get3A_321 = arith.index_cast %add3A_320 : i32 to index
        %get3A_322 = arith.constant 80 : index
        %get3A_323 = tpu.vector_load %arg6[%get3A_321, %get3A_322] {strides = array<i32>} : memref<80x128xf32, #tpu.memory_space<vmem>>, vector<1x16xf32>,
        %get3A_324 = vector.shape_cast %get3A_323 : vector<1x16xf32> to vector<16xf32>
        %max3A_325 = arith.maximumf %max3A_269, %get3A_324 : vector<16xf32>
        %add3A_326 = arith.constant 4 : i32
        %add3A_327 = arith.addi %mul3A_85, %add3A_326 : i32
        %get3A_328 = arith.index_cast %add3A_327 : i32 to index
        %get3A_329 = arith.constant 96 : index
        %get3A_330 = tpu.vector_load %arg6[%get3A_328, %get3A_329] {strides = array<i32>} : memref<80x128xf32, #tpu.memory_space<vmem>>, vector<1x16xf32>,
        %get3A_331 = vector.shape_cast %get3A_330 : vector<1x16xf32> to vector<16xf32>
        %max3A_332 = arith.maximumf %max3A_276, %get3A_331 : vector<16xf32>
        %add3A_333 = arith.constant 4 : i32
        %add3A_334 = arith.addi %mul3A_85, %add3A_333 : i32
        %get3A_335 = arith.index_cast %add3A_334 : i32 to index
        %get3A_336 = arith.constant 112 : index
        %get3A_337 = tpu.vector_load %arg6[%get3A_335, %get3A_336] {strides = array<i32>} : memref<80x128xf32, #tpu.memory_space<vmem>>, vector<1x16xf32>,
        %get3A_338 = vector.shape_cast %get3A_337 : vector<1x16xf32> to vector<16xf32>
        %max3A_339 = arith.maximumf %max3A_283, %get3A_338 : vector<16xf32>
        %add3A_340 = arith.constant 5 : i32
        %add3A_341 = arith.addi %mul3A_85, %add3A_340 : i32
        %get3A_342 = arith.index_cast %add3A_341 : i32 to index
        %get3A_343 = arith.constant 0 : index
        %get3A_344 = tpu.vector_load %arg6[%get3A_342, %get3A_343] {strides = array<i32>} : memref<80x128xf32, #tpu.memory_space<vmem>>, vector<1x16xf32>,
        %get3A_345 = vector.shape_cast %get3A_344 : vector<1x16xf32> to vector<16xf32>
        %max3A_346 = arith.maximumf %max3A_290, %get3A_345 : vector<16xf32>
        %add3A_347 = arith.constant 5 : i32
        %add3A_348 = arith.addi %mul3A_85, %add3A_347 : i32
        %get3A_349 = arith.index_cast %add3A_348 : i32 to index
        %get3A_350 = arith.constant 16 : index
        %get3A_351 = tpu.vector_load %arg6[%get3A_349, %get3A_350] {strides = array<i32>} : memref<80x128xf32, #tpu.memory_space<vmem>>, vector<1x16xf32>,
        %get3A_352 = vector.shape_cast %get3A_351 : vector<1x16xf32> to vector<16xf32>
        %max3A_353 = arith.maximumf %max3A_297, %get3A_352 : vector<16xf32>
        %add3A_354 = arith.constant 5 : i32
        %add3A_355 = arith.addi %mul3A_85, %add3A_354 : i32
        %get3A_356 = arith.index_cast %add3A_355 : i32 to index
        %get3A_357 = arith.constant 32 : index
        %get3A_358 = tpu.vector_load %arg6[%get3A_356, %get3A_357] {strides = array<i32>} : memref<80x128xf32, #tpu.memory_space<vmem>>, vector<1x16xf32>,
        %get3A_359 = vector.shape_cast %get3A_358 : vector<1x16xf32> to vector<16xf32>
        %max3A_360 = arith.maximumf %max3A_304, %get3A_359 : vector<16xf32>
        %add3A_361 = arith.constant 5 : i32
        %add3A_362 = arith.addi %mul3A_85, %add3A_361 : i32
        %get3A_363 = arith.index_cast %add3A_362 : i32 to index
        %get3A_364 = arith.constant 48 : index
        %get3A_365 = tpu.vector_load %arg6[%get3A_363, %get3A_364] {strides = array<i32>} : memref<80x128xf32, #tpu.memory_space<vmem>>, vector<1x16xf32>,
        %get3A_366 = vector.shape_cast %get3A_365 : vector<1x16xf32> to vector<16xf32>
        %max3A_367 = arith.maximumf %max3A_311, %get3A_366 : vector<16xf32>
        %add3A_368 = arith.constant 5 : i32
        %add3A_369 = arith.addi %mul3A_85, %add3A_368 : i32
        %get3A_370 = arith.index_cast %add3A_369 : i32 to index
        %get3A_371 = arith.constant 64 : index
        %get3A_372 = tpu.vector_load %arg6[%get3A_370, %get3A_371] {strides = array<i32>} : memref<80x128xf32, #tpu.memory_space<vmem>>, vector<1x16xf32>,
        %get3A_373 = vector.shape_cast %get3A_372 : vector<1x16xf32> to vector<16xf32>
        %max3A_374 = arith.maximumf %max3A_318, %get3A_373 : vector<16xf32>
        %add3A_375 = arith.constant 5 : i32
        %add3A_376 = arith.addi %mul3A_85, %add3A_375 : i32
        %get3A_377 = arith.index_cast %add3A_376 : i32 to index
        %get3A_378 = arith.constant 80 : index
        %get3A_379 = tpu.vector_load %arg6[%get3A_377, %get3A_378] {strides = array<i32>} : memref<80x128xf32, #tpu.memory_space<vmem>>, vector<1x16xf32>,
        %get3A_380 = vector.shape_cast %get3A_379 : vector<1x16xf32> to vector<16xf32>
        %max3A_381 = arith.maximumf %max3A_325, %get3A_380 : vector<16xf32>
        %add3A_382 = arith.constant 5 : i32
        %add3A_383 = arith.addi %mul3A_85, %add3A_382 : i32
        %get3A_384 = arith.index_cast %add3A_383 : i32 to index
        %get3A_385 = arith.constant 96 : index
        %get3A_386 = tpu.vector_load %arg6[%get3A_384, %get3A_385] {strides = array<i32>} : memref<80x128xf32, #tpu.memory_space<vmem>>, vector<1x16xf32>,
        %get3A_387 = vector.shape_cast %get3A_386 : vector<1x16xf32> to vector<16xf32>
        %max3A_388 = arith.maximumf %max3A_332, %get3A_387 : vector<16xf32>
        %add3A_389 = arith.constant 5 : i32
        %add3A_390 = arith.addi %mul3A_85, %add3A_389 : i32
        %get3A_391 = arith.index_cast %add3A_390 : i32 to index
        %get3A_392 = arith.constant 112 : index
        %get3A_393 = tpu.vector_load %arg6[%get3A_391, %get3A_392] {strides = array<i32>} : memref<80x128xf32, #tpu.memory_space<vmem>>, vector<1x16xf32>,
        %get3A_394 = vector.shape_cast %get3A_393 : vector<1x16xf32> to vector<16xf32>
        %max3A_395 = arith.maximumf %max3A_339, %get3A_394 : vector<16xf32>
        %add3A_396 = arith.constant 6 : i32
        %add3A_397 = arith.addi %mul3A_85, %add3A_396 : i32
        %get3A_398 = arith.index_cast %add3A_397 : i32 to index
        %get3A_399 = arith.constant 0 : index
        %get3A_400 = tpu.vector_load %arg6[%get3A_398, %get3A_399] {strides = array<i32>} : memref<80x128xf32, #tpu.memory_space<vmem>>, vector<1x16xf32>,
        %get3A_401 = vector.shape_cast %get3A_400 : vector<1x16xf32> to vector<16xf32>
        %max3A_402 = arith.maximumf %max3A_346, %get3A_401 : vector<16xf32>
        %add3A_403 = arith.constant 6 : i32
        %add3A_404 = arith.addi %mul3A_85, %add3A_403 : i32
        %get3A_405 = arith.index_cast %add3A_404 : i32 to index
        %get3A_406 = arith.constant 16 : index
        %get3A_407 = tpu.vector_load %arg6[%get3A_405, %get3A_406] {strides = array<i32>} : memref<80x128xf32, #tpu.memory_space<vmem>>, vector<1x16xf32>,
        %get3A_408 = vector.shape_cast %get3A_407 : vector<1x16xf32> to vector<16xf32>
        %max3A_409 = arith.maximumf %max3A_353, %get3A_408 : vector<16xf32>
        %add3A_410 = arith.constant 6 : i32
        %add3A_411 = arith.addi %mul3A_85, %add3A_410 : i32
        %get3A_412 = arith.index_cast %add3A_411 : i32 to index
        %get3A_413 = arith.constant 32 : index
        %get3A_414 = tpu.vector_load %arg6[%get3A_412, %get3A_413] {strides = array<i32>} : memref<80x128xf32, #tpu.memory_space<vmem>>, vector<1x16xf32>,
        %get3A_415 = vector.shape_cast %get3A_414 : vector<1x16xf32> to vector<16xf32>
        %max3A_416 = arith.maximumf %max3A_360, %get3A_415 : vector<16xf32>
        %add3A_417 = arith.constant 6 : i32
        %add3A_418 = arith.addi %mul3A_85, %add3A_417 : i32
        %get3A_419 = arith.index_cast %add3A_418 : i32 to index
        %get3A_420 = arith.constant 48 : index
        %get3A_421 = tpu.vector_load %arg6[%get3A_419, %get3A_420] {strides = array<i32>} : memref<80x128xf32, #tpu.memory_space<vmem>>, vector<1x16xf32>,
        %get3A_422 = vector.shape_cast %get3A_421 : vector<1x16xf32> to vector<16xf32>
        %max3A_423 = arith.maximumf %max3A_367, %get3A_422 : vector<16xf32>
        %add3A_424 = arith.constant 6 : i32
        %add3A_425 = arith.addi %mul3A_85, %add3A_424 : i32
        %get3A_426 = arith.index_cast %add3A_425 : i32 to index
        %get3A_427 = arith.constant 64 : index
        %get3A_428 = tpu.vector_load %arg6[%get3A_426, %get3A_427] {strides = array<i32>} : memref<80x128xf32, #tpu.memory_space<vmem>>, vector<1x16xf32>,
        %get3A_429 = vector.shape_cast %get3A_428 : vector<1x16xf32> to vector<16xf32>
        %max3A_430 = arith.maximumf %max3A_374, %get3A_429 : vector<16xf32>
        %add3A_431 = arith.constant 6 : i32
        %add3A_432 = arith.addi %mul3A_85, %add3A_431 : i32
        %get3A_433 = arith.index_cast %add3A_432 : i32 to index
        %get3A_434 = arith.constant 80 : index
        %get3A_435 = tpu.vector_load %arg6[%get3A_433, %get3A_434] {strides = array<i32>} : memref<80x128xf32, #tpu.memory_space<vmem>>, vector<1x16xf32>,
        %get3A_436 = vector.shape_cast %get3A_435 : vector<1x16xf32> to vector<16xf32>
        %max3A_437 = arith.maximumf %max3A_381, %get3A_436 : vector<16xf32>
        %add3A_438 = arith.constant 6 : i32
        %add3A_439 = arith.addi %mul3A_85, %add3A_438 : i32
        %get3A_440 = arith.index_cast %add3A_439 : i32 to index
        %get3A_441 = arith.constant 96 : index
        %get3A_442 = tpu.vector_load %arg6[%get3A_440, %get3A_441] {strides = array<i32>} : memref<80x128xf32, #tpu.memory_space<vmem>>, vector<1x16xf32>,
        %get3A_443 = vector.shape_cast %get3A_442 : vector<1x16xf32> to vector<16xf32>
        %max3A_444 = arith.maximumf %max3A_388, %get3A_443 : vector<16xf32>
        %add3A_445 = arith.constant 6 : i32
        %add3A_446 = arith.addi %mul3A_85, %add3A_445 : i32
        %get3A_447 = arith.index_cast %add3A_446 : i32 to index
        %get3A_448 = arith.constant 112 : index
        %get3A_449 = tpu.vector_load %arg6[%get3A_447, %get3A_448] {strides = array<i32>} : memref<80x128xf32, #tpu.memory_space<vmem>>, vector<1x16xf32>,
        %get3A_450 = vector.shape_cast %get3A_449 : vector<1x16xf32> to vector<16xf32>
        %max3A_451 = arith.maximumf %max3A_395, %get3A_450 : vector<16xf32>
        %add3A_452 = arith.constant 7 : i32
        %add3A_453 = arith.addi %mul3A_85, %add3A_452 : i32
        %get3A_454 = arith.index_cast %add3A_453 : i32 to index
        %get3A_455 = arith.constant 0 : index
        %get3A_456 = tpu.vector_load %arg6[%get3A_454, %get3A_455] {strides = array<i32>} : memref<80x128xf32, #tpu.memory_space<vmem>>, vector<1x16xf32>,
        %get3A_457 = vector.shape_cast %get3A_456 : vector<1x16xf32> to vector<16xf32>
        %max3A_458 = arith.maximumf %max3A_402, %get3A_457 : vector<16xf32>
        %add3A_459 = arith.constant 7 : i32
        %add3A_460 = arith.addi %mul3A_85, %add3A_459 : i32
        %get3A_461 = arith.index_cast %add3A_460 : i32 to index
        %get3A_462 = arith.constant 16 : index
        %get3A_463 = tpu.vector_load %arg6[%get3A_461, %get3A_462] {strides = array<i32>} : memref<80x128xf32, #tpu.memory_space<vmem>>, vector<1x16xf32>,
        %get3A_464 = vector.shape_cast %get3A_463 : vector<1x16xf32> to vector<16xf32>
        %max3A_465 = arith.maximumf %max3A_409, %get3A_464 : vector<16xf32>
        %add3A_466 = arith.constant 7 : i32
        %add3A_467 = arith.addi %mul3A_85, %add3A_466 : i32
        %get3A_468 = arith.index_cast %add3A_467 : i32 to index
        %get3A_469 = arith.constant 32 : index
        %get3A_470 = tpu.vector_load %arg6[%get3A_468, %get3A_469] {strides = array<i32>} : memref<80x128xf32, #tpu.memory_space<vmem>>, vector<1x16xf32>,
        %get3A_471 = vector.shape_cast %get3A_470 : vector<1x16xf32> to vector<16xf32>
        %max3A_472 = arith.maximumf %max3A_416, %get3A_471 : vector<16xf32>
        %add3A_473 = arith.constant 7 : i32
        %add3A_474 = arith.addi %mul3A_85, %add3A_473 : i32
        %get3A_475 = arith.index_cast %add3A_474 : i32 to index
        %get3A_476 = arith.constant 48 : index
        %get3A_477 = tpu.vector_load %arg6[%get3A_475, %get3A_476] {strides = array<i32>} : memref<80x128xf32, #tpu.memory_space<vmem>>, vector<1x16xf32>,
        %get3A_478 = vector.shape_cast %get3A_477 : vector<1x16xf32> to vector<16xf32>
        %max3A_479 = arith.maximumf %max3A_423, %get3A_478 : vector<16xf32>
        %add3A_480 = arith.constant 7 : i32
        %add3A_481 = arith.addi %mul3A_85, %add3A_480 : i32
        %get3A_482 = arith.index_cast %add3A_481 : i32 to index
        %get3A_483 = arith.constant 64 : index
        %get3A_484 = tpu.vector_load %arg6[%get3A_482, %get3A_483] {strides = array<i32>} : memref<80x128xf32, #tpu.memory_space<vmem>>, vector<1x16xf32>,
        %get3A_485 = vector.shape_cast %get3A_484 : vector<1x16xf32> to vector<16xf32>
        %max3A_486 = arith.maximumf %max3A_430, %get3A_485 : vector<16xf32>
        %add3A_487 = arith.constant 7 : i32
        %add3A_488 = arith.addi %mul3A_85, %add3A_487 : i32
        %get3A_489 = arith.index_cast %add3A_488 : i32 to index
        %get3A_490 = arith.constant 80 : index
        %get3A_491 = tpu.vector_load %arg6[%get3A_489, %get3A_490] {strides = array<i32>} : memref<80x128xf32, #tpu.memory_space<vmem>>, vector<1x16xf32>,
        %get3A_492 = vector.shape_cast %get3A_491 : vector<1x16xf32> to vector<16xf32>
        %max3A_493 = arith.maximumf %max3A_437, %get3A_492 : vector<16xf32>
        %add3A_494 = arith.constant 7 : i32
        %add3A_495 = arith.addi %mul3A_85, %add3A_494 : i32
        %get3A_496 = arith.index_cast %add3A_495 : i32 to index
        %get3A_497 = arith.constant 96 : index
        %get3A_498 = tpu.vector_load %arg6[%get3A_496, %get3A_497] {strides = array<i32>} : memref<80x128xf32, #tpu.memory_space<vmem>>, vector<1x16xf32>,
        %get3A_499 = vector.shape_cast %get3A_498 : vector<1x16xf32> to vector<16xf32>
        %max3A_500 = arith.maximumf %max3A_444, %get3A_499 : vector<16xf32>
        %add3A_501 = arith.constant 7 : i32
        %add3A_502 = arith.addi %mul3A_85, %add3A_501 : i32
        %get3A_503 = arith.index_cast %add3A_502 : i32 to index
        %get3A_504 = arith.constant 112 : index
        %get3A_505 = tpu.vector_load %arg6[%get3A_503, %get3A_504] {strides = array<i32>} : memref<80x128xf32, #tpu.memory_space<vmem>>, vector<1x16xf32>,
        %get3A_506 = vector.shape_cast %get3A_505 : vector<1x16xf32> to vector<16xf32>
        %max3A_507 = arith.maximumf %max3A_451, %get3A_506 : vector<16xf32>
        %add3A_508 = arith.constant 8 : i32
        %add3A_509 = arith.addi %mul3A_85, %add3A_508 : i32
        %get3A_510 = arith.index_cast %add3A_509 : i32 to index
        %get3A_511 = arith.constant 0 : index
        %get3A_512 = tpu.vector_load %arg6[%get3A_510, %get3A_511] {strides = array<i32>} : memref<80x128xf32, #tpu.memory_space<vmem>>, vector<1x16xf32>,
        %get3A_513 = vector.shape_cast %get3A_512 : vector<1x16xf32> to vector<16xf32>
        %max3A_514 = arith.maximumf %max3A_458, %get3A_513 : vector<16xf32>
        %add3A_515 = arith.constant 8 : i32
        %add3A_516 = arith.addi %mul3A_85, %add3A_515 : i32
        %get3A_517 = arith.index_cast %add3A_516 : i32 to index
        %get3A_518 = arith.constant 16 : index
        %get3A_519 = tpu.vector_load %arg6[%get3A_517, %get3A_518] {strides = array<i32>} : memref<80x128xf32, #tpu.memory_space<vmem>>, vector<1x16xf32>,
        %get3A_520 = vector.shape_cast %get3A_519 : vector<1x16xf32> to vector<16xf32>
        %max3A_521 = arith.maximumf %max3A_465, %get3A_520 : vector<16xf32>
        %add3A_522 = arith.constant 8 : i32
        %add3A_523 = arith.addi %mul3A_85, %add3A_522 : i32
        %get3A_524 = arith.index_cast %add3A_523 : i32 to index
        %get3A_525 = arith.constant 32 : index
        %get3A_526 = tpu.vector_load %arg6[%get3A_524, %get3A_525] {strides = array<i32>} : memref<80x128xf32, #tpu.memory_space<vmem>>, vector<1x16xf32>,
        %get3A_527 = vector.shape_cast %get3A_526 : vector<1x16xf32> to vector<16xf32>
        %max3A_528 = arith.maximumf %max3A_472, %get3A_527 : vector<16xf32>
        %add3A_529 = arith.constant 8 : i32
        %add3A_530 = arith.addi %mul3A_85, %add3A_529 : i32
        %get3A_531 = arith.index_cast %add3A_530 : i32 to index
        %get3A_532 = arith.constant 48 : index
        %get3A_533 = tpu.vector_load %arg6[%get3A_531, %get3A_532] {strides = array<i32>} : memref<80x128xf32, #tpu.memory_space<vmem>>, vector<1x16xf32>,
        %get3A_534 = vector.shape_cast %get3A_533 : vector<1x16xf32> to vector<16xf32>
        %max3A_535 = arith.maximumf %max3A_479, %get3A_534 : vector<16xf32>
        %add3A_536 = arith.constant 8 : i32
        %add3A_537 = arith.addi %mul3A_85, %add3A_536 : i32
        %get3A_538 = arith.index_cast %add3A_537 : i32 to index
        %get3A_539 = arith.constant 64 : index
        %get3A_540 = tpu.vector_load %arg6[%get3A_538, %get3A_539] {strides = array<i32>} : memref<80x128xf32, #tpu.memory_space<vmem>>, vector<1x16xf32>,
        %get3A_541 = vector.shape_cast %get3A_540 : vector<1x16xf32> to vector<16xf32>
        %max3A_542 = arith.maximumf %max3A_486, %get3A_541 : vector<16xf32>
        %add3A_543 = arith.constant 8 : i32
        %add3A_544 = arith.addi %mul3A_85, %add3A_543 : i32
        %get3A_545 = arith.index_cast %add3A_544 : i32 to index
        %get3A_546 = arith.constant 80 : index
        %get3A_547 = tpu.vector_load %arg6[%get3A_545, %get3A_546] {strides = array<i32>} : memref<80x128xf32, #tpu.memory_space<vmem>>, vector<1x16xf32>,
        %get3A_548 = vector.shape_cast %get3A_547 : vector<1x16xf32> to vector<16xf32>
        %max3A_549 = arith.maximumf %max3A_493, %get3A_548 : vector<16xf32>
        %add3A_550 = arith.constant 8 : i32
        %add3A_551 = arith.addi %mul3A_85, %add3A_550 : i32
        %get3A_552 = arith.index_cast %add3A_551 : i32 to index
        %get3A_553 = arith.constant 96 : index
        %get3A_554 = tpu.vector_load %arg6[%get3A_552, %get3A_553] {strides = array<i32>} : memref<80x128xf32, #tpu.memory_space<vmem>>, vector<1x16xf32>,
        %get3A_555 = vector.shape_cast %get3A_554 : vector<1x16xf32> to vector<16xf32>
        %max3A_556 = arith.maximumf %max3A_500, %get3A_555 : vector<16xf32>
        %add3A_557 = arith.constant 8 : i32
        %add3A_558 = arith.addi %mul3A_85, %add3A_557 : i32
        %get3A_559 = arith.index_cast %add3A_558 : i32 to index
        %get3A_560 = arith.constant 112 : index
        %get3A_561 = tpu.vector_load %arg6[%get3A_559, %get3A_560] {strides = array<i32>} : memref<80x128xf32, #tpu.memory_space<vmem>>, vector<1x16xf32>,
        %get3A_562 = vector.shape_cast %get3A_561 : vector<1x16xf32> to vector<16xf32>
        %max3A_563 = arith.maximumf %max3A_507, %get3A_562 : vector<16xf32>
        %add3A_564 = arith.constant 9 : i32
        %add3A_565 = arith.addi %mul3A_85, %add3A_564 : i32
        %get3A_566 = arith.index_cast %add3A_565 : i32 to index
        %get3A_567 = arith.constant 0 : index
        %get3A_568 = tpu.vector_load %arg6[%get3A_566, %get3A_567] {strides = array<i32>} : memref<80x128xf32, #tpu.memory_space<vmem>>, vector<1x16xf32>,
        %get3A_569 = vector.shape_cast %get3A_568 : vector<1x16xf32> to vector<16xf32>
        %max3A_570 = arith.maximumf %max3A_514, %get3A_569 : vector<16xf32>
        %add3A_571 = arith.constant 9 : i32
        %add3A_572 = arith.addi %mul3A_85, %add3A_571 : i32
        %get3A_573 = arith.index_cast %add3A_572 : i32 to index
        %get3A_574 = arith.constant 16 : index
        %get3A_575 = tpu.vector_load %arg6[%get3A_573, %get3A_574] {strides = array<i32>} : memref<80x128xf32, #tpu.memory_space<vmem>>, vector<1x16xf32>,
        %get3A_576 = vector.shape_cast %get3A_575 : vector<1x16xf32> to vector<16xf32>
        %max3A_577 = arith.maximumf %max3A_521, %get3A_576 : vector<16xf32>
        %add3A_578 = arith.constant 9 : i32
        %add3A_579 = arith.addi %mul3A_85, %add3A_578 : i32
        %get3A_580 = arith.index_cast %add3A_579 : i32 to index
        %get3A_581 = arith.constant 32 : index
        %get3A_582 = tpu.vector_load %arg6[%get3A_580, %get3A_581] {strides = array<i32>} : memref<80x128xf32, #tpu.memory_space<vmem>>, vector<1x16xf32>,
        %get3A_583 = vector.shape_cast %get3A_582 : vector<1x16xf32> to vector<16xf32>
        %max3A_584 = arith.maximumf %max3A_528, %get3A_583 : vector<16xf32>
        %add3A_585 = arith.constant 9 : i32
        %add3A_586 = arith.addi %mul3A_85, %add3A_585 : i32
        %get3A_587 = arith.index_cast %add3A_586 : i32 to index
        %get3A_588 = arith.constant 48 : index
        %get3A_589 = tpu.vector_load %arg6[%get3A_587, %get3A_588] {strides = array<i32>} : memref<80x128xf32, #tpu.memory_space<vmem>>, vector<1x16xf32>,
        %get3A_590 = vector.shape_cast %get3A_589 : vector<1x16xf32> to vector<16xf32>
        %max3A_591 = arith.maximumf %max3A_535, %get3A_590 : vector<16xf32>
        %add3A_592 = arith.constant 9 : i32
        %add3A_593 = arith.addi %mul3A_85, %add3A_592 : i32
        %get3A_594 = arith.index_cast %add3A_593 : i32 to index
        %get3A_595 = arith.constant 64 : index
        %get3A_596 = tpu.vector_load %arg6[%get3A_594, %get3A_595] {strides = array<i32>} : memref<80x128xf32, #tpu.memory_space<vmem>>, vector<1x16xf32>,
        %get3A_597 = vector.shape_cast %get3A_596 : vector<1x16xf32> to vector<16xf32>
        %max3A_598 = arith.maximumf %max3A_542, %get3A_597 : vector<16xf32>
        %add3A_599 = arith.constant 9 : i32
        %add3A_600 = arith.addi %mul3A_85, %add3A_599 : i32
        %get3A_601 = arith.index_cast %add3A_600 : i32 to index
        %get3A_602 = arith.constant 80 : index
        %get3A_603 = tpu.vector_load %arg6[%get3A_601, %get3A_602] {strides = array<i32>} : memref<80x128xf32, #tpu.memory_space<vmem>>, vector<1x16xf32>,
        %get3A_604 = vector.shape_cast %get3A_603 : vector<1x16xf32> to vector<16xf32>
        %max3A_605 = arith.maximumf %max3A_549, %get3A_604 : vector<16xf32>
        %add3A_606 = arith.constant 9 : i32
        %add3A_607 = arith.addi %mul3A_85, %add3A_606 : i32
        %get3A_608 = arith.index_cast %add3A_607 : i32 to index
        %get3A_609 = arith.constant 96 : index
        %get3A_610 = tpu.vector_load %arg6[%get3A_608, %get3A_609] {strides = array<i32>} : memref<80x128xf32, #tpu.memory_space<vmem>>, vector<1x16xf32>,
        %get3A_611 = vector.shape_cast %get3A_610 : vector<1x16xf32> to vector<16xf32>
        %max3A_612 = arith.maximumf %max3A_556, %get3A_611 : vector<16xf32>
        %add3A_613 = arith.constant 9 : i32
        %add3A_614 = arith.addi %mul3A_85, %add3A_613 : i32
        %get3A_615 = arith.index_cast %add3A_614 : i32 to index
        %get3A_616 = arith.constant 112 : index
        %get3A_617 = tpu.vector_load %arg6[%get3A_615, %get3A_616] {strides = array<i32>} : memref<80x128xf32, #tpu.memory_space<vmem>>, vector<1x16xf32>,
        %get3A_618 = vector.shape_cast %get3A_617 : vector<1x16xf32> to vector<16xf32>
        %max3A_619 = arith.maximumf %max3A_563, %get3A_618 : vector<16xf32>
        %add3A_620 = arith.constant 10 : i32
        %add3A_621 = arith.addi %mul3A_85, %add3A_620 : i32
        %get3A_622 = arith.index_cast %add3A_621 : i32 to index
        %get3A_623 = arith.constant 0 : index
        %get3A_624 = tpu.vector_load %arg6[%get3A_622, %get3A_623] {strides = array<i32>} : memref<80x128xf32, #tpu.memory_space<vmem>>, vector<1x16xf32>,
        %get3A_625 = vector.shape_cast %get3A_624 : vector<1x16xf32> to vector<16xf32>
        %max3A_626 = arith.maximumf %max3A_570, %get3A_625 : vector<16xf32>
        %add3A_627 = arith.constant 10 : i32
        %add3A_628 = arith.addi %mul3A_85, %add3A_627 : i32
        %get3A_629 = arith.index_cast %add3A_628 : i32 to index
        %get3A_630 = arith.constant 16 : index
        %get3A_631 = tpu.vector_load %arg6[%get3A_629, %get3A_630] {strides = array<i32>} : memref<80x128xf32, #tpu.memory_space<vmem>>, vector<1x16xf32>,
        %get3A_632 = vector.shape_cast %get3A_631 : vector<1x16xf32> to vector<16xf32>
        %max3A_633 = arith.maximumf %max3A_577, %get3A_632 : vector<16xf32>
        %add3A_634 = arith.constant 10 : i32
        %add3A_635 = arith.addi %mul3A_85, %add3A_634 : i32
        %get3A_636 = arith.index_cast %add3A_635 : i32 to index
        %get3A_637 = arith.constant 32 : index
        %get3A_638 = tpu.vector_load %arg6[%get3A_636, %get3A_637] {strides = array<i32>} : memref<80x128xf32, #tpu.memory_space<vmem>>, vector<1x16xf32>,
        %get3A_639 = vector.shape_cast %get3A_638 : vector<1x16xf32> to vector<16xf32>
        %max3A_640 = arith.maximumf %max3A_584, %get3A_639 : vector<16xf32>
        %add3A_641 = arith.constant 10 : i32
        %add3A_642 = arith.addi %mul3A_85, %add3A_641 : i32
        %get3A_643 = arith.index_cast %add3A_642 : i32 to index
        %get3A_644 = arith.constant 48 : index
        %get3A_645 = tpu.vector_load %arg6[%get3A_643, %get3A_644] {strides = array<i32>} : memref<80x128xf32, #tpu.memory_space<vmem>>, vector<1x16xf32>,
        %get3A_646 = vector.shape_cast %get3A_645 : vector<1x16xf32> to vector<16xf32>
        %max3A_647 = arith.maximumf %max3A_591, %get3A_646 : vector<16xf32>
        %add3A_648 = arith.constant 10 : i32
        %add3A_649 = arith.addi %mul3A_85, %add3A_648 : i32
        %get3A_650 = arith.index_cast %add3A_649 : i32 to index
        %get3A_651 = arith.constant 64 : index
        %get3A_652 = tpu.vector_load %arg6[%get3A_650, %get3A_651] {strides = array<i32>} : memref<80x128xf32, #tpu.memory_space<vmem>>, vector<1x16xf32>,
        %get3A_653 = vector.shape_cast %get3A_652 : vector<1x16xf32> to vector<16xf32>
        %max3A_654 = arith.maximumf %max3A_598, %get3A_653 : vector<16xf32>
        %add3A_655 = arith.constant 10 : i32
        %add3A_656 = arith.addi %mul3A_85, %add3A_655 : i32
        %get3A_657 = arith.index_cast %add3A_656 : i32 to index
        %get3A_658 = arith.constant 80 : index
        %get3A_659 = tpu.vector_load %arg6[%get3A_657, %get3A_658] {strides = array<i32>} : memref<80x128xf32, #tpu.memory_space<vmem>>, vector<1x16xf32>,
        %get3A_660 = vector.shape_cast %get3A_659 : vector<1x16xf32> to vector<16xf32>
        %max3A_661 = arith.maximumf %max3A_605, %get3A_660 : vector<16xf32>
        %add3A_662 = arith.constant 10 : i32
        %add3A_663 = arith.addi %mul3A_85, %add3A_662 : i32
        %get3A_664 = arith.index_cast %add3A_663 : i32 to index
        %get3A_665 = arith.constant 96 : index
        %get3A_666 = tpu.vector_load %arg6[%get3A_664, %get3A_665] {strides = array<i32>} : memref<80x128xf32, #tpu.memory_space<vmem>>, vector<1x16xf32>,
        %get3A_667 = vector.shape_cast %get3A_666 : vector<1x16xf32> to vector<16xf32>
        %max3A_668 = arith.maximumf %max3A_612, %get3A_667 : vector<16xf32>
        %add3A_669 = arith.constant 10 : i32
        %add3A_670 = arith.addi %mul3A_85, %add3A_669 : i32
        %get3A_671 = arith.index_cast %add3A_670 : i32 to index
        %get3A_672 = arith.constant 112 : index
        %get3A_673 = tpu.vector_load %arg6[%get3A_671, %get3A_672] {strides = array<i32>} : memref<80x128xf32, #tpu.memory_space<vmem>>, vector<1x16xf32>,
        %get3A_674 = vector.shape_cast %get3A_673 : vector<1x16xf32> to vector<16xf32>
        %max3A_675 = arith.maximumf %max3A_619, %get3A_674 : vector<16xf32>
        %add3A_676 = arith.constant 11 : i32
        %add3A_677 = arith.addi %mul3A_85, %add3A_676 : i32
        %get3A_678 = arith.index_cast %add3A_677 : i32 to index
        %get3A_679 = arith.constant 0 : index
        %get3A_680 = tpu.vector_load %arg6[%get3A_678, %get3A_679] {strides = array<i32>} : memref<80x128xf32, #tpu.memory_space<vmem>>, vector<1x16xf32>,
        %get3A_681 = vector.shape_cast %get3A_680 : vector<1x16xf32> to vector<16xf32>
        %max3A_682 = arith.maximumf %max3A_626, %get3A_681 : vector<16xf32>
        %add3A_683 = arith.constant 11 : i32
        %add3A_684 = arith.addi %mul3A_85, %add3A_683 : i32
        %get3A_685 = arith.index_cast %add3A_684 : i32 to index
        %get3A_686 = arith.constant 16 : index
        %get3A_687 = tpu.vector_load %arg6[%get3A_685, %get3A_686] {strides = array<i32>} : memref<80x128xf32, #tpu.memory_space<vmem>>, vector<1x16xf32>,
        %get3A_688 = vector.shape_cast %get3A_687 : vector<1x16xf32> to vector<16xf32>
        %max3A_689 = arith.maximumf %max3A_633, %get3A_688 : vector<16xf32>
        %add3A_690 = arith.constant 11 : i32
        %add3A_691 = arith.addi %mul3A_85, %add3A_690 : i32
        %get3A_692 = arith.index_cast %add3A_691 : i32 to index
        %get3A_693 = arith.constant 32 : index
        %get3A_694 = tpu.vector_load %arg6[%get3A_692, %get3A_693] {strides = array<i32>} : memref<80x128xf32, #tpu.memory_space<vmem>>, vector<1x16xf32>,
        %get3A_695 = vector.shape_cast %get3A_694 : vector<1x16xf32> to vector<16xf32>
        %max3A_696 = arith.maximumf %max3A_640, %get3A_695 : vector<16xf32>
        %add3A_697 = arith.constant 11 : i32
        %add3A_698 = arith.addi %mul3A_85, %add3A_697 : i32
        %get3A_699 = arith.index_cast %add3A_698 : i32 to index
        %get3A_700 = arith.constant 48 : index
        %get3A_701 = tpu.vector_load %arg6[%get3A_699, %get3A_700] {strides = array<i32>} : memref<80x128xf32, #tpu.memory_space<vmem>>, vector<1x16xf32>,
        %get3A_702 = vector.shape_cast %get3A_701 : vector<1x16xf32> to vector<16xf32>
        %max3A_703 = arith.maximumf %max3A_647, %get3A_702 : vector<16xf32>
        %add3A_704 = arith.constant 11 : i32
        %add3A_705 = arith.addi %mul3A_85, %add3A_704 : i32
        %get3A_706 = arith.index_cast %add3A_705 : i32 to index
        %get3A_707 = arith.constant 64 : index
        %get3A_708 = tpu.vector_load %arg6[%get3A_706, %get3A_707] {strides = array<i32>} : memref<80x128xf32, #tpu.memory_space<vmem>>, vector<1x16xf32>,
        %get3A_709 = vector.shape_cast %get3A_708 : vector<1x16xf32> to vector<16xf32>
        %max3A_710 = arith.maximumf %max3A_654, %get3A_709 : vector<16xf32>
        %add3A_711 = arith.constant 11 : i32
        %add3A_712 = arith.addi %mul3A_85, %add3A_711 : i32
        %get3A_713 = arith.index_cast %add3A_712 : i32 to index
        %get3A_714 = arith.constant 80 : index
        %get3A_715 = tpu.vector_load %arg6[%get3A_713, %get3A_714] {strides = array<i32>} : memref<80x128xf32, #tpu.memory_space<vmem>>, vector<1x16xf32>,
        %get3A_716 = vector.shape_cast %get3A_715 : vector<1x16xf32> to vector<16xf32>
        %max3A_717 = arith.maximumf %max3A_661, %get3A_716 : vector<16xf32>
        %add3A_718 = arith.constant 11 : i32
        %add3A_719 = arith.addi %mul3A_85, %add3A_718 : i32
        %get3A_720 = arith.index_cast %add3A_719 : i32 to index
        %get3A_721 = arith.constant 96 : index
        %get3A_722 = tpu.vector_load %arg6[%get3A_720, %get3A_721] {strides = array<i32>} : memref<80x128xf32, #tpu.memory_space<vmem>>, vector<1x16xf32>,
        %get3A_723 = vector.shape_cast %get3A_722 : vector<1x16xf32> to vector<16xf32>
        %max3A_724 = arith.maximumf %max3A_668, %get3A_723 : vector<16xf32>
        %add3A_725 = arith.constant 11 : i32
        %add3A_726 = arith.addi %mul3A_85, %add3A_725 : i32
        %get3A_727 = arith.index_cast %add3A_726 : i32 to index
        %get3A_728 = arith.constant 112 : index
        %get3A_729 = tpu.vector_load %arg6[%get3A_727, %get3A_728] {strides = array<i32>} : memref<80x128xf32, #tpu.memory_space<vmem>>, vector<1x16xf32>,
        %get3A_730 = vector.shape_cast %get3A_729 : vector<1x16xf32> to vector<16xf32>
        %max3A_731 = arith.maximumf %max3A_675, %get3A_730 : vector<16xf32>
        %add3A_732 = arith.constant 12 : i32
        %add3A_733 = arith.addi %mul3A_85, %add3A_732 : i32
        %get3A_734 = arith.index_cast %add3A_733 : i32 to index
        %get3A_735 = arith.constant 0 : index
        %get3A_736 = tpu.vector_load %arg6[%get3A_734, %get3A_735] {strides = array<i32>} : memref<80x128xf32, #tpu.memory_space<vmem>>, vector<1x16xf32>,
        %get3A_737 = vector.shape_cast %get3A_736 : vector<1x16xf32> to vector<16xf32>
        %max3A_738 = arith.maximumf %max3A_682, %get3A_737 : vector<16xf32>
        %add3A_739 = arith.constant 12 : i32
        %add3A_740 = arith.addi %mul3A_85, %add3A_739 : i32
        %get3A_741 = arith.index_cast %add3A_740 : i32 to index
        %get3A_742 = arith.constant 16 : index
        %get3A_743 = tpu.vector_load %arg6[%get3A_741, %get3A_742] {strides = array<i32>} : memref<80x128xf32, #tpu.memory_space<vmem>>, vector<1x16xf32>,
        %get3A_744 = vector.shape_cast %get3A_743 : vector<1x16xf32> to vector<16xf32>
        %max3A_745 = arith.maximumf %max3A_689, %get3A_744 : vector<16xf32>
        %add3A_746 = arith.constant 12 : i32
        %add3A_747 = arith.addi %mul3A_85, %add3A_746 : i32
        %get3A_748 = arith.index_cast %add3A_747 : i32 to index
        %get3A_749 = arith.constant 32 : index
        %get3A_750 = tpu.vector_load %arg6[%get3A_748, %get3A_749] {strides = array<i32>} : memref<80x128xf32, #tpu.memory_space<vmem>>, vector<1x16xf32>,
        %get3A_751 = vector.shape_cast %get3A_750 : vector<1x16xf32> to vector<16xf32>
        %max3A_752 = arith.maximumf %max3A_696, %get3A_751 : vector<16xf32>
        %add3A_753 = arith.constant 12 : i32
        %add3A_754 = arith.addi %mul3A_85, %add3A_753 : i32
        %get3A_755 = arith.index_cast %add3A_754 : i32 to index
        %get3A_756 = arith.constant 48 : index
        %get3A_757 = tpu.vector_load %arg6[%get3A_755, %get3A_756] {strides = array<i32>} : memref<80x128xf32, #tpu.memory_space<vmem>>, vector<1x16xf32>,
        %get3A_758 = vector.shape_cast %get3A_757 : vector<1x16xf32> to vector<16xf32>
        %max3A_759 = arith.maximumf %max3A_703, %get3A_758 : vector<16xf32>
        %add3A_760 = arith.constant 12 : i32
        %add3A_761 = arith.addi %mul3A_85, %add3A_760 : i32
        %get3A_762 = arith.index_cast %add3A_761 : i32 to index
        %get3A_763 = arith.constant 64 : index
        %get3A_764 = tpu.vector_load %arg6[%get3A_762, %get3A_763] {strides = array<i32>} : memref<80x128xf32, #tpu.memory_space<vmem>>, vector<1x16xf32>,
        %get3A_765 = vector.shape_cast %get3A_764 : vector<1x16xf32> to vector<16xf32>
        %max3A_766 = arith.maximumf %max3A_710, %get3A_765 : vector<16xf32>
        %add3A_767 = arith.constant 12 : i32
        %add3A_768 = arith.addi %mul3A_85, %add3A_767 : i32
        %get3A_769 = arith.index_cast %add3A_768 : i32 to index
        %get3A_770 = arith.constant 80 : index
        %get3A_771 = tpu.vector_load %arg6[%get3A_769, %get3A_770] {strides = array<i32>} : memref<80x128xf32, #tpu.memory_space<vmem>>, vector<1x16xf32>,
        %get3A_772 = vector.shape_cast %get3A_771 : vector<1x16xf32> to vector<16xf32>
        %max3A_773 = arith.maximumf %max3A_717, %get3A_772 : vector<16xf32>
        %add3A_774 = arith.constant 12 : i32
        %add3A_775 = arith.addi %mul3A_85, %add3A_774 : i32
        %get3A_776 = arith.index_cast %add3A_775 : i32 to index
        %get3A_777 = arith.constant 96 : index
        %get3A_778 = tpu.vector_load %arg6[%get3A_776, %get3A_777] {strides = array<i32>} : memref<80x128xf32, #tpu.memory_space<vmem>>, vector<1x16xf32>,
        %get3A_779 = vector.shape_cast %get3A_778 : vector<1x16xf32> to vector<16xf32>
        %max3A_780 = arith.maximumf %max3A_724, %get3A_779 : vector<16xf32>
        %add3A_781 = arith.constant 12 : i32
        %add3A_782 = arith.addi %mul3A_85, %add3A_781 : i32
        %get3A_783 = arith.index_cast %add3A_782 : i32 to index
        %get3A_784 = arith.constant 112 : index
        %get3A_785 = tpu.vector_load %arg6[%get3A_783, %get3A_784] {strides = array<i32>} : memref<80x128xf32, #tpu.memory_space<vmem>>, vector<1x16xf32>,
        %get3A_786 = vector.shape_cast %get3A_785 : vector<1x16xf32> to vector<16xf32>
        %max3A_787 = arith.maximumf %max3A_731, %get3A_786 : vector<16xf32>
        %add3A_788 = arith.constant 13 : i32
        %add3A_789 = arith.addi %mul3A_85, %add3A_788 : i32
        %get3A_790 = arith.index_cast %add3A_789 : i32 to index
        %get3A_791 = arith.constant 0 : index
        %get3A_792 = tpu.vector_load %arg6[%get3A_790, %get3A_791] {strides = array<i32>} : memref<80x128xf32, #tpu.memory_space<vmem>>, vector<1x16xf32>,
        %get3A_793 = vector.shape_cast %get3A_792 : vector<1x16xf32> to vector<16xf32>
        %max3A_794 = arith.maximumf %max3A_738, %get3A_793 : vector<16xf32>
        %add3A_795 = arith.constant 13 : i32
        %add3A_796 = arith.addi %mul3A_85, %add3A_795 : i32
        %get3A_797 = arith.index_cast %add3A_796 : i32 to index
        %get3A_798 = arith.constant 16 : index
        %get3A_799 = tpu.vector_load %arg6[%get3A_797, %get3A_798] {strides = array<i32>} : memref<80x128xf32, #tpu.memory_space<vmem>>, vector<1x16xf32>,
        %get3A_800 = vector.shape_cast %get3A_799 : vector<1x16xf32> to vector<16xf32>
        %max3A_801 = arith.maximumf %max3A_745, %get3A_800 : vector<16xf32>
        %add3A_802 = arith.constant 13 : i32
        %add3A_803 = arith.addi %mul3A_85, %add3A_802 : i32
        %get3A_804 = arith.index_cast %add3A_803 : i32 to index
        %get3A_805 = arith.constant 32 : index
        %get3A_806 = tpu.vector_load %arg6[%get3A_804, %get3A_805] {strides = array<i32>} : memref<80x128xf32, #tpu.memory_space<vmem>>, vector<1x16xf32>,
        %get3A_807 = vector.shape_cast %get3A_806 : vector<1x16xf32> to vector<16xf32>
        %max3A_808 = arith.maximumf %max3A_752, %get3A_807 : vector<16xf32>
        %add3A_809 = arith.constant 13 : i32
        %add3A_810 = arith.addi %mul3A_85, %add3A_809 : i32
        %get3A_811 = arith.index_cast %add3A_810 : i32 to index
        %get3A_812 = arith.constant 48 : index
        %get3A_813 = tpu.vector_load %arg6[%get3A_811, %get3A_812] {strides = array<i32>} : memref<80x128xf32, #tpu.memory_space<vmem>>, vector<1x16xf32>,
        %get3A_814 = vector.shape_cast %get3A_813 : vector<1x16xf32> to vector<16xf32>
        %max3A_815 = arith.maximumf %max3A_759, %get3A_814 : vector<16xf32>
        %add3A_816 = arith.constant 13 : i32
        %add3A_817 = arith.addi %mul3A_85, %add3A_816 : i32
        %get3A_818 = arith.index_cast %add3A_817 : i32 to index
        %get3A_819 = arith.constant 64 : index
        %get3A_820 = tpu.vector_load %arg6[%get3A_818, %get3A_819] {strides = array<i32>} : memref<80x128xf32, #tpu.memory_space<vmem>>, vector<1x16xf32>,
        %get3A_821 = vector.shape_cast %get3A_820 : vector<1x16xf32> to vector<16xf32>
        %max3A_822 = arith.maximumf %max3A_766, %get3A_821 : vector<16xf32>
        %add3A_823 = arith.constant 13 : i32
        %add3A_824 = arith.addi %mul3A_85, %add3A_823 : i32
        %get3A_825 = arith.index_cast %add3A_824 : i32 to index
        %get3A_826 = arith.constant 80 : index
        %get3A_827 = tpu.vector_load %arg6[%get3A_825, %get3A_826] {strides = array<i32>} : memref<80x128xf32, #tpu.memory_space<vmem>>, vector<1x16xf32>,
        %get3A_828 = vector.shape_cast %get3A_827 : vector<1x16xf32> to vector<16xf32>
        %max3A_829 = arith.maximumf %max3A_773, %get3A_828 : vector<16xf32>
        %add3A_830 = arith.constant 13 : i32
        %add3A_831 = arith.addi %mul3A_85, %add3A_830 : i32
        %get3A_832 = arith.index_cast %add3A_831 : i32 to index
        %get3A_833 = arith.constant 96 : index
        %get3A_834 = tpu.vector_load %arg6[%get3A_832, %get3A_833] {strides = array<i32>} : memref<80x128xf32, #tpu.memory_space<vmem>>, vector<1x16xf32>,
        %get3A_835 = vector.shape_cast %get3A_834 : vector<1x16xf32> to vector<16xf32>
        %max3A_836 = arith.maximumf %max3A_780, %get3A_835 : vector<16xf32>
        %add3A_837 = arith.constant 13 : i32
        %add3A_838 = arith.addi %mul3A_85, %add3A_837 : i32
        %get3A_839 = arith.index_cast %add3A_838 : i32 to index
        %get3A_840 = arith.constant 112 : index
        %get3A_841 = tpu.vector_load %arg6[%get3A_839, %get3A_840] {strides = array<i32>} : memref<80x128xf32, #tpu.memory_space<vmem>>, vector<1x16xf32>,
        %get3A_842 = vector.shape_cast %get3A_841 : vector<1x16xf32> to vector<16xf32>
        %max3A_843 = arith.maximumf %max3A_787, %get3A_842 : vector<16xf32>
        %add3A_844 = arith.constant 14 : i32
        %add3A_845 = arith.addi %mul3A_85, %add3A_844 : i32
        %get3A_846 = arith.index_cast %add3A_845 : i32 to index
        %get3A_847 = arith.constant 0 : index
        %get3A_848 = tpu.vector_load %arg6[%get3A_846, %get3A_847] {strides = array<i32>} : memref<80x128xf32, #tpu.memory_space<vmem>>, vector<1x16xf32>,
        %get3A_849 = vector.shape_cast %get3A_848 : vector<1x16xf32> to vector<16xf32>
        %max3A_850 = arith.maximumf %max3A_794, %get3A_849 : vector<16xf32>
        %add3A_851 = arith.constant 14 : i32
        %add3A_852 = arith.addi %mul3A_85, %add3A_851 : i32
        %get3A_853 = arith.index_cast %add3A_852 : i32 to index
        %get3A_854 = arith.constant 16 : index
        %get3A_855 = tpu.vector_load %arg6[%get3A_853, %get3A_854] {strides = array<i32>} : memref<80x128xf32, #tpu.memory_space<vmem>>, vector<1x16xf32>,
        %get3A_856 = vector.shape_cast %get3A_855 : vector<1x16xf32> to vector<16xf32>
        %max3A_857 = arith.maximumf %max3A_801, %get3A_856 : vector<16xf32>
        %add3A_858 = arith.constant 14 : i32
        %add3A_859 = arith.addi %mul3A_85, %add3A_858 : i32
        %get3A_860 = arith.index_cast %add3A_859 : i32 to index
        %get3A_861 = arith.constant 32 : index
        %get3A_862 = tpu.vector_load %arg6[%get3A_860, %get3A_861] {strides = array<i32>} : memref<80x128xf32, #tpu.memory_space<vmem>>, vector<1x16xf32>,
        %get3A_863 = vector.shape_cast %get3A_862 : vector<1x16xf32> to vector<16xf32>
        %max3A_864 = arith.maximumf %max3A_808, %get3A_863 : vector<16xf32>
        %add3A_865 = arith.constant 14 : i32
        %add3A_866 = arith.addi %mul3A_85, %add3A_865 : i32
        %get3A_867 = arith.index_cast %add3A_866 : i32 to index
        %get3A_868 = arith.constant 48 : index
        %get3A_869 = tpu.vector_load %arg6[%get3A_867, %get3A_868] {strides = array<i32>} : memref<80x128xf32, #tpu.memory_space<vmem>>, vector<1x16xf32>,
        %get3A_870 = vector.shape_cast %get3A_869 : vector<1x16xf32> to vector<16xf32>
        %max3A_871 = arith.maximumf %max3A_815, %get3A_870 : vector<16xf32>
        %add3A_872 = arith.constant 14 : i32
        %add3A_873 = arith.addi %mul3A_85, %add3A_872 : i32
        %get3A_874 = arith.index_cast %add3A_873 : i32 to index
        %get3A_875 = arith.constant 64 : index
        %get3A_876 = tpu.vector_load %arg6[%get3A_874, %get3A_875] {strides = array<i32>} : memref<80x128xf32, #tpu.memory_space<vmem>>, vector<1x16xf32>,
        %get3A_877 = vector.shape_cast %get3A_876 : vector<1x16xf32> to vector<16xf32>
        %max3A_878 = arith.maximumf %max3A_822, %get3A_877 : vector<16xf32>
        %add3A_879 = arith.constant 14 : i32
        %add3A_880 = arith.addi %mul3A_85, %add3A_879 : i32
        %get3A_881 = arith.index_cast %add3A_880 : i32 to index
        %get3A_882 = arith.constant 80 : index
        %get3A_883 = tpu.vector_load %arg6[%get3A_881, %get3A_882] {strides = array<i32>} : memref<80x128xf32, #tpu.memory_space<vmem>>, vector<1x16xf32>,
        %get3A_884 = vector.shape_cast %get3A_883 : vector<1x16xf32> to vector<16xf32>
        %max3A_885 = arith.maximumf %max3A_829, %get3A_884 : vector<16xf32>
        %add3A_886 = arith.constant 14 : i32
        %add3A_887 = arith.addi %mul3A_85, %add3A_886 : i32
        %get3A_888 = arith.index_cast %add3A_887 : i32 to index
        %get3A_889 = arith.constant 96 : index
        %get3A_890 = tpu.vector_load %arg6[%get3A_888, %get3A_889] {strides = array<i32>} : memref<80x128xf32, #tpu.memory_space<vmem>>, vector<1x16xf32>,
        %get3A_891 = vector.shape_cast %get3A_890 : vector<1x16xf32> to vector<16xf32>
        %max3A_892 = arith.maximumf %max3A_836, %get3A_891 : vector<16xf32>
        %add3A_893 = arith.constant 14 : i32
        %add3A_894 = arith.addi %mul3A_85, %add3A_893 : i32
        %get3A_895 = arith.index_cast %add3A_894 : i32 to index
        %get3A_896 = arith.constant 112 : index
        %get3A_897 = tpu.vector_load %arg6[%get3A_895, %get3A_896] {strides = array<i32>} : memref<80x128xf32, #tpu.memory_space<vmem>>, vector<1x16xf32>,
        %get3A_898 = vector.shape_cast %get3A_897 : vector<1x16xf32> to vector<16xf32>
        %max3A_899 = arith.maximumf %max3A_843, %get3A_898 : vector<16xf32>
        %add3A_900 = arith.constant 15 : i32
        %add3A_901 = arith.addi %mul3A_85, %add3A_900 : i32
        %get3A_902 = arith.index_cast %add3A_901 : i32 to index
        %get3A_903 = arith.constant 0 : index
        %get3A_904 = tpu.vector_load %arg6[%get3A_902, %get3A_903] {strides = array<i32>} : memref<80x128xf32, #tpu.memory_space<vmem>>, vector<1x16xf32>,
        %get3A_905 = vector.shape_cast %get3A_904 : vector<1x16xf32> to vector<16xf32>
        %max3A_906 = arith.maximumf %max3A_850, %get3A_905 : vector<16xf32>
        %add3A_907 = arith.constant 15 : i32
        %add3A_908 = arith.addi %mul3A_85, %add3A_907 : i32
        %get3A_909 = arith.index_cast %add3A_908 : i32 to index
        %get3A_910 = arith.constant 16 : index
        %get3A_911 = tpu.vector_load %arg6[%get3A_909, %get3A_910] {strides = array<i32>} : memref<80x128xf32, #tpu.memory_space<vmem>>, vector<1x16xf32>,
        %get3A_912 = vector.shape_cast %get3A_911 : vector<1x16xf32> to vector<16xf32>
        %max3A_913 = arith.maximumf %max3A_857, %get3A_912 : vector<16xf32>
        %add3A_914 = arith.constant 15 : i32
        %add3A_915 = arith.addi %mul3A_85, %add3A_914 : i32
        %get3A_916 = arith.index_cast %add3A_915 : i32 to index
        %get3A_917 = arith.constant 32 : index
        %get3A_918 = tpu.vector_load %arg6[%get3A_916, %get3A_917] {strides = array<i32>} : memref<80x128xf32, #tpu.memory_space<vmem>>, vector<1x16xf32>,
        %get3A_919 = vector.shape_cast %get3A_918 : vector<1x16xf32> to vector<16xf32>
        %max3A_920 = arith.maximumf %max3A_864, %get3A_919 : vector<16xf32>
        %add3A_921 = arith.constant 15 : i32
        %add3A_922 = arith.addi %mul3A_85, %add3A_921 : i32
        %get3A_923 = arith.index_cast %add3A_922 : i32 to index
        %get3A_924 = arith.constant 48 : index
        %get3A_925 = tpu.vector_load %arg6[%get3A_923, %get3A_924] {strides = array<i32>} : memref<80x128xf32, #tpu.memory_space<vmem>>, vector<1x16xf32>,
        %get3A_926 = vector.shape_cast %get3A_925 : vector<1x16xf32> to vector<16xf32>
        %max3A_927 = arith.maximumf %max3A_871, %get3A_926 : vector<16xf32>
        %add3A_928 = arith.constant 15 : i32
        %add3A_929 = arith.addi %mul3A_85, %add3A_928 : i32
        %get3A_930 = arith.index_cast %add3A_929 : i32 to index
        %get3A_931 = arith.constant 64 : index
        %get3A_932 = tpu.vector_load %arg6[%get3A_930, %get3A_931] {strides = array<i32>} : memref<80x128xf32, #tpu.memory_space<vmem>>, vector<1x16xf32>,
        %get3A_933 = vector.shape_cast %get3A_932 : vector<1x16xf32> to vector<16xf32>
        %max3A_934 = arith.maximumf %max3A_878, %get3A_933 : vector<16xf32>
        %add3A_935 = arith.constant 15 : i32
        %add3A_936 = arith.addi %mul3A_85, %add3A_935 : i32
        %get3A_937 = arith.index_cast %add3A_936 : i32 to index
        %get3A_938 = arith.constant 80 : index
        %get3A_939 = tpu.vector_load %arg6[%get3A_937, %get3A_938] {strides = array<i32>} : memref<80x128xf32, #tpu.memory_space<vmem>>, vector<1x16xf32>,
        %get3A_940 = vector.shape_cast %get3A_939 : vector<1x16xf32> to vector<16xf32>
        %max3A_941 = arith.maximumf %max3A_885, %get3A_940 : vector<16xf32>
        %add3A_942 = arith.constant 15 : i32
        %add3A_943 = arith.addi %mul3A_85, %add3A_942 : i32
        %get3A_944 = arith.index_cast %add3A_943 : i32 to index
        %get3A_945 = arith.constant 96 : index
        %get3A_946 = tpu.vector_load %arg6[%get3A_944, %get3A_945] {strides = array<i32>} : memref<80x128xf32, #tpu.memory_space<vmem>>, vector<1x16xf32>,
        %get3A_947 = vector.shape_cast %get3A_946 : vector<1x16xf32> to vector<16xf32>
        %max3A_948 = arith.maximumf %max3A_892, %get3A_947 : vector<16xf32>
        %add3A_949 = arith.constant 15 : i32
        %add3A_950 = arith.addi %mul3A_85, %add3A_949 : i32
        %get3A_951 = arith.index_cast %add3A_950 : i32 to index
        %get3A_952 = arith.constant 112 : index
        %get3A_953 = tpu.vector_load %arg6[%get3A_951, %get3A_952] {strides = array<i32>} : memref<80x128xf32, #tpu.memory_space<vmem>>, vector<1x16xf32>,
        %get3A_954 = vector.shape_cast %get3A_953 : vector<1x16xf32> to vector<16xf32>
        %max3A_955 = arith.maximumf %max3A_899, %get3A_954 : vector<16xf32>
        %mul3A_956 = arith.constant 128 : i32
        %mul3A_957 = arith.muli %scan3A_83, %mul3A_956 : i32
        %add3A_958 = arith.constant 0 : i32
        %add3A_959 = arith.addi %mul3A_957, %add3A_958 : i32
        %swap3A = arith.index_cast %add3A_959 : i32 to index
        %swap3A_960 = tpu.vector_load %arg8[%swap3A] {strides = array<i32>} : memref<640xf32, #tpu.memory_space<vmem>>, vector<16xf32>,
        %swap3A_961 = vector.shape_cast %swap3A_960 : vector<16xf32> to vector<16xf32>
        %swap3A_962 = vector.shape_cast %max3A_906 : vector<16xf32> to vector<16xf32>
        tpu.vector_store %arg8[%swap3A], %swap3A_962 {strides = array<i32>} : memref<640xf32, #tpu.memory_space<vmem>>, vector<16xf32>,
        %mul3A_963 = arith.constant 128 : i32
        %mul3A_964 = arith.muli %scan3A_83, %mul3A_963 : i32
        %add3A_965 = arith.constant 16 : i32
        %add3A_966 = arith.addi %mul3A_964, %add3A_965 : i32
        %swap3A_967 = arith.index_cast %add3A_966 : i32 to index
        %swap3A_968 = tpu.vector_load %arg8[%swap3A_967] {strides = array<i32>} : memref<640xf32, #tpu.memory_space<vmem>>, vector<16xf32>,
        %swap3A_969 = vector.shape_cast %swap3A_968 : vector<16xf32> to vector<16xf32>
        %swap3A_970 = vector.shape_cast %max3A_913 : vector<16xf32> to vector<16xf32>
        tpu.vector_store %arg8[%swap3A_967], %swap3A_970 {strides = array<i32>} : memref<640xf32, #tpu.memory_space<vmem>>, vector<16xf32>,
        %mul3A_971 = arith.constant 128 : i32
        %mul3A_972 = arith.muli %scan3A_83, %mul3A_971 : i32
        %add3A_973 = arith.constant 32 : i32
        %add3A_974 = arith.addi %mul3A_972, %add3A_973 : i32
        %swap3A_975 = arith.index_cast %add3A_974 : i32 to index
        %swap3A_976 = tpu.vector_load %arg8[%swap3A_975] {strides = array<i32>} : memref<640xf32, #tpu.memory_space<vmem>>, vector<16xf32>,
        %swap3A_977 = vector.shape_cast %swap3A_976 : vector<16xf32> to vector<16xf32>
        %swap3A_978 = vector.shape_cast %max3A_920 : vector<16xf32> to vector<16xf32>
        tpu.vector_store %arg8[%swap3A_975], %swap3A_978 {strides = array<i32>} : memref<640xf32, #tpu.memory_space<vmem>>, vector<16xf32>,
        %mul3A_979 = arith.constant 128 : i32
        %mul3A_980 = arith.muli %scan3A_83, %mul3A_979 : i32
        %add3A_981 = arith.constant 48 : i32
        %add3A_982 = arith.addi %mul3A_980, %add3A_981 : i32
        %swap3A_983 = arith.index_cast %add3A_982 : i32 to index
        %swap3A_984 = tpu.vector_load %arg8[%swap3A_983] {strides = array<i32>} : memref<640xf32, #tpu.memory_space<vmem>>, vector<16xf32>,
        %swap3A_985 = vector.shape_cast %swap3A_984 : vector<16xf32> to vector<16xf32>
        %swap3A_986 = vector.shape_cast %max3A_927 : vector<16xf32> to vector<16xf32>
        tpu.vector_store %arg8[%swap3A_983], %swap3A_986 {strides = array<i32>} : memref<640xf32, #tpu.memory_space<vmem>>, vector<16xf32>,
        %mul3A_987 = arith.constant 128 : i32
        %mul3A_988 = arith.muli %scan3A_83, %mul3A_987 : i32
        %add3A_989 = arith.constant 64 : i32
        %add3A_990 = arith.addi %mul3A_988, %add3A_989 : i32
        %swap3A_991 = arith.index_cast %add3A_990 : i32 to index
        %swap3A_992 = tpu.vector_load %arg8[%swap3A_991] {strides = array<i32>} : memref<640xf32, #tpu.memory_space<vmem>>, vector<16xf32>,
        %swap3A_993 = vector.shape_cast %swap3A_992 : vector<16xf32> to vector<16xf32>
        %swap3A_994 = vector.shape_cast %max3A_934 : vector<16xf32> to vector<16xf32>
        tpu.vector_store %arg8[%swap3A_991], %swap3A_994 {strides = array<i32>} : memref<640xf32, #tpu.memory_space<vmem>>, vector<16xf32>,
        %mul3A_995 = arith.constant 128 : i32
        %mul3A_996 = arith.muli %scan3A_83, %mul3A_995 : i32
        %add3A_997 = arith.constant 80 : i32
        %add3A_998 = arith.addi %mul3A_996, %add3A_997 : i32
        %swap3A_999 = arith.index_cast %add3A_998 : i32 to index
        %swap3A_1000 = tpu.vector_load %arg8[%swap3A_999] {strides = array<i32>} : memref<640xf32, #tpu.memory_space<vmem>>, vector<16xf32>,
        %swap3A_1001 = vector.shape_cast %swap3A_1000 : vector<16xf32> to vector<16xf32>
        %swap3A_1002 = vector.shape_cast %max3A_941 : vector<16xf32> to vector<16xf32>
        tpu.vector_store %arg8[%swap3A_999], %swap3A_1002 {strides = array<i32>} : memref<640xf32, #tpu.memory_space<vmem>>, vector<16xf32>,
        %mul3A_1003 = arith.constant 128 : i32
        %mul3A_1004 = arith.muli %scan3A_83, %mul3A_1003 : i32
        %add3A_1005 = arith.constant 96 : i32
        %add3A_1006 = arith.addi %mul3A_1004, %add3A_1005 : i32
        %swap3A_1007 = arith.index_cast %add3A_1006 : i32 to index
        %swap3A_1008 = tpu.vector_load %arg8[%swap3A_1007] {strides = array<i32>} : memref<640xf32, #tpu.memory_space<vmem>>, vector<16xf32>,
        %swap3A_1009 = vector.shape_cast %swap3A_1008 : vector<16xf32> to vector<16xf32>
        %swap3A_1010 = vector.shape_cast %max3A_948 : vector<16xf32> to vector<16xf32>
        tpu.vector_store %arg8[%swap3A_1007], %swap3A_1010 {strides = array<i32>} : memref<640xf32, #tpu.memory_space<vmem>>, vector<16xf32>,
        %mul3A_1011 = arith.constant 128 : i32
        %mul3A_1012 = arith.muli %scan3A_83, %mul3A_1011 : i32
        %add3A_1013 = arith.constant 112 : i32
        %add3A_1014 = arith.addi %mul3A_1012, %add3A_1013 : i32
        %swap3A_1015 = arith.index_cast %add3A_1014 : i32 to index
        %swap3A_1016 = tpu.vector_load %arg8[%swap3A_1015] {strides = array<i32>} : memref<640xf32, #tpu.memory_space<vmem>>, vector<16xf32>,
        %swap3A_1017 = vector.shape_cast %swap3A_1016 : vector<16xf32> to vector<16xf32>
        %swap3A_1018 = vector.shape_cast %max3A_955 : vector<16xf32> to vector<16xf32>
        tpu.vector_store %arg8[%swap3A_1015], %swap3A_1018 {strides = array<i32>} : memref<640xf32, #tpu.memory_space<vmem>>, vector<16xf32>,
      }
      %scan3A_51 = arith.constant 5 : i32
      %mul3A_52 = arith.constant 5 : i32
      %mul3A_53 = arith.muli %mul3A_32, %mul3A_52 : i32
      %add3A_54 = arith.addi %add3A, %mul3A_53 : i32
      %mul3A_55 = arith.constant 128 : i32
      %mul3A_56 = arith.muli %add3A_54, %mul3A_55 : i32
      "tpu.region"() ({
        %run_scoped3A = tpu.sem_alloc : memref<!tpu.dma_semaphore, #tpu.memory_space<semaphore_mem>>
        %dma_start3A_83 = tpu.memref_slice %arg4[%mul3A_56] : memref<2560000xf32, #tpu.memory_space<hbm>> -> memref<640xf32, #tpu.memory_space<hbm>>
        %dma_start3A_84 = tpu.memref_slice %arg4[%mul3A_56] : memref<2560000xf32, #tpu.memory_space<hbm>> -> memref<640xf32, #tpu.memory_space<hbm>>
        tpu.enqueue_dma source(%arg8 : memref<640xf32, #tpu.memory_space<vmem>>) target(%dma_start3A_84 : memref<640xf32, #tpu.memory_space<hbm>>) target_semaphore(%run_scoped3A : memref<!tpu.dma_semaphore, #tpu.memory_space<semaphore_mem>>)
        %dma_wait3A_85 = tpu.memref_slice %arg4[%mul3A_56] : memref<2560000xf32, #tpu.memory_space<hbm>> -> memref<640xf32, #tpu.memory_space<hbm>>
        %dma_wait3A_86 = tpu.memref_slice %arg4[%mul3A_56] : memref<2560000xf32, #tpu.memory_space<hbm>> -> memref<640xf32, #tpu.memory_space<hbm>>
        tpu.wait_dma2 semaphore(%run_scoped3A : memref<!tpu.dma_semaphore, #tpu.memory_space<semaphore_mem>>) src(%arg8 : memref<640xf32, #tpu.memory_space<vmem>>) dst(%dma_wait3A_86 : memref<640xf32, #tpu.memory_space<hbm>>)
        tpu.yield
      }) : () -> ()
      %add3A_57 = arith.constant 2 : i32
      %add3A_58 = arith.addi %mul3A_32, %add3A_57 : i32
      %mul3A_59 = arith.constant 80 : i32
      %mul3A_60 = arith.muli %add3A_58, %mul3A_59 : i32
      %dma_start3A_61 = tpu.memref_slice %arg5[%mul3A_60] : memref<10000xi32, #tpu.memory_space<vmem>> -> memref<80xi32, #tpu.memory_space<vmem>>
      %dma_start3A_62 = arith.constant 0 : i32
      %dma_start3A_63 = arith.constant 0 : i32
      %dma_start3A_64 = tpu.memref_slice %arg9[%dma_start3A_62, %dma_start3A_63] : memref<10000x128xf32, #tpu.memory_space<vmem_shared>> -> memref<10000x128xf32, #tpu.memory_space<vmem_shared>>
      tpu.enqueue_indirect_dma source(%dma_start3A_64 : memref<10000x128xf32, #tpu.memory_space<vmem_shared>>) target(%arg6 : memref<80x128xf32, #tpu.memory_space<vmem>>) offsets(%dma_start3A_61 : memref<80xi32, #tpu.memory_space<vmem>>) semaphore(%arg10 : memref<!tpu.dma_semaphore, #tpu.memory_space<semaphore_mem>>)
      %dma_wait3A_65 = arith.constant 0 : i32
      %dma_wait3A_66 = tpu.memref_slice %arg5[%dma_wait3A_65] : memref<10000xi32, #tpu.memory_space<vmem>> -> memref<80xi32, #tpu.memory_space<vmem>>
      %dma_wait3A_67 = arith.constant 0 : i32
      %dma_wait3A_68 = arith.constant 0 : i32
      %dma_wait3A_69 = tpu.memref_slice %arg9[%dma_wait3A_67, %dma_wait3A_68] : memref<10000x128xf32, #tpu.memory_space<vmem_shared>> -> memref<10000x128xf32, #tpu.memory_space<vmem_shared>>
      tpu.wait_indirect_dma semaphore(%arg11 : memref<!tpu.dma_semaphore, #tpu.memory_space<semaphore_mem>>) src(%dma_wait3A_69 : memref<10000x128xf32, #tpu.memory_space<vmem_shared>>) dst(%arg7 : memref<80x128xf32, #tpu.memory_space<vmem>>)
      %add3A_70 = arith.constant 1 : i32
      %add3A_71 = arith.addi %mul3A_32, %add3A_70 : i32
      %scan3A_72 = arith.constant 0 : i32
      %scan3A_73 = arith.constant 0 : i32
      %scan3A_74 = arith.constant 5 : i32
      %scan3A_75 = arith.addi %scan3A_73, %scan3A_74 : i32
      %scan3A_76 = arith.constant 1 : i32
      scf.for %scan3A_83 = %scan3A_73 to %scan3A_75 step %scan3A_76  : i32 {
        %mul3A_84 = arith.constant 16 : i32
        %mul3A_85 = arith.muli %scan3A_83, %mul3A_84 : i32
        %get3A = arith.index_cast %mul3A_85 : i32 to index
        %get3A_86 = arith.constant 0 : index
        %get3A_87 = tpu.vector_load %arg7[%get3A, %get3A_86] {strides = array<i32>} : memref<80x128xf32, #tpu.memory_space<vmem>>, vector<1x16xf32>,
        %get3A_88 = vector.shape_cast %get3A_87 : vector<1x16xf32> to vector<16xf32>
        %get3A_89 = arith.index_cast %mul3A_85 : i32 to index
        %get3A_90 = arith.constant 16 : index
        %get3A_91 = tpu.vector_load %arg7[%get3A_89, %get3A_90] {strides = array<i32>} : memref<80x128xf32, #tpu.memory_space<vmem>>, vector<1x16xf32>,
        %get3A_92 = vector.shape_cast %get3A_91 : vector<1x16xf32> to vector<16xf32>
        %get3A_93 = arith.index_cast %mul3A_85 : i32 to index
        %get3A_94 = arith.constant 32 : index
        %get3A_95 = tpu.vector_load %arg7[%get3A_93, %get3A_94] {strides = array<i32>} : memref<80x128xf32, #tpu.memory_space<vmem>>, vector<1x16xf32>,
        %get3A_96 = vector.shape_cast %get3A_95 : vector<1x16xf32> to vector<16xf32>
        %get3A_97 = arith.index_cast %mul3A_85 : i32 to index
        %get3A_98 = arith.constant 48 : index
        %get3A_99 = tpu.vector_load %arg7[%get3A_97, %get3A_98] {strides = array<i32>} : memref<80x128xf32, #tpu.memory_space<vmem>>, vector<1x16xf32>,
        %get3A_100 = vector.shape_cast %get3A_99 : vector<1x16xf32> to vector<16xf32>
        %get3A_101 = arith.index_cast %mul3A_85 : i32 to index
        %get3A_102 = arith.constant 64 : index
        %get3A_103 = tpu.vector_load %arg7[%get3A_101, %get3A_102] {strides = array<i32>} : memref<80x128xf32, #tpu.memory_space<vmem>>, vector<1x16xf32>,
        %get3A_104 = vector.shape_cast %get3A_103 : vector<1x16xf32> to vector<16xf32>
        %get3A_105 = arith.index_cast %mul3A_85 : i32 to index
        %get3A_106 = arith.constant 80 : index
        %get3A_107 = tpu.vector_load %arg7[%get3A_105, %get3A_106] {strides = array<i32>} : memref<80x128xf32, #tpu.memory_space<vmem>>, vector<1x16xf32>,
        %get3A_108 = vector.shape_cast %get3A_107 : vector<1x16xf32> to vector<16xf32>
        %get3A_109 = arith.index_cast %mul3A_85 : i32 to index
        %get3A_110 = arith.constant 96 : index
        %get3A_111 = tpu.vector_load %arg7[%get3A_109, %get3A_110] {strides = array<i32>} : memref<80x128xf32, #tpu.memory_space<vmem>>, vector<1x16xf32>,
        %get3A_112 = vector.shape_cast %get3A_111 : vector<1x16xf32> to vector<16xf32>
        %get3A_113 = arith.index_cast %mul3A_85 : i32 to index
        %get3A_114 = arith.constant 112 : index
        %get3A_115 = tpu.vector_load %arg7[%get3A_113, %get3A_114] {strides = array<i32>} : memref<80x128xf32, #tpu.memory_space<vmem>>, vector<1x16xf32>,
        %get3A_116 = vector.shape_cast %get3A_115 : vector<1x16xf32> to vector<16xf32>
        %add3A_117 = arith.constant 1 : i32
        %add3A_118 = arith.addi %mul3A_85, %add3A_117 : i32
        %get3A_119 = arith.index_cast %add3A_118 : i32 to index
        %get3A_120 = arith.constant 0 : index
        %get3A_121 = tpu.vector_load %arg7[%get3A_119, %get3A_120] {strides = array<i32>} : memref<80x128xf32, #tpu.memory_space<vmem>>, vector<1x16xf32>,
        %get3A_122 = vector.shape_cast %get3A_121 : vector<1x16xf32> to vector<16xf32>
        %max3A = arith.maximumf %get3A_88, %get3A_122 : vector<16xf32>
        %add3A_123 = arith.constant 1 : i32
        %add3A_124 = arith.addi %mul3A_85, %add3A_123 : i32
        %get3A_125 = arith.index_cast %add3A_124 : i32 to index
        %get3A_126 = arith.constant 16 : index
        %get3A_127 = tpu.vector_load %arg7[%get3A_125, %get3A_126] {strides = array<i32>} : memref<80x128xf32, #tpu.memory_space<vmem>>, vector<1x16xf32>,
        %get3A_128 = vector.shape_cast %get3A_127 : vector<1x16xf32> to vector<16xf32>
        %max3A_129 = arith.maximumf %get3A_92, %get3A_128 : vector<16xf32>
        %add3A_130 = arith.constant 1 : i32
        %add3A_131 = arith.addi %mul3A_85, %add3A_130 : i32
        %get3A_132 = arith.index_cast %add3A_131 : i32 to index
        %get3A_133 = arith.constant 32 : index
        %get3A_134 = tpu.vector_load %arg7[%get3A_132, %get3A_133] {strides = array<i32>} : memref<80x128xf32, #tpu.memory_space<vmem>>, vector<1x16xf32>,
        %get3A_135 = vector.shape_cast %get3A_134 : vector<1x16xf32> to vector<16xf32>
        %max3A_136 = arith.maximumf %get3A_96, %get3A_135 : vector<16xf32>
        %add3A_137 = arith.constant 1 : i32
        %add3A_138 = arith.addi %mul3A_85, %add3A_137 : i32
        %get3A_139 = arith.index_cast %add3A_138 : i32 to index
        %get3A_140 = arith.constant 48 : index
        %get3A_141 = tpu.vector_load %arg7[%get3A_139, %get3A_140] {strides = array<i32>} : memref<80x128xf32, #tpu.memory_space<vmem>>, vector<1x16xf32>,
        %get3A_142 = vector.shape_cast %get3A_141 : vector<1x16xf32> to vector<16xf32>
        %max3A_143 = arith.maximumf %get3A_100, %get3A_142 : vector<16xf32>
        %add3A_144 = arith.constant 1 : i32
        %add3A_145 = arith.addi %mul3A_85, %add3A_144 : i32
        %get3A_146 = arith.index_cast %add3A_145 : i32 to index
        %get3A_147 = arith.constant 64 : index
        %get3A_148 = tpu.vector_load %arg7[%get3A_146, %get3A_147] {strides = array<i32>} : memref<80x128xf32, #tpu.memory_space<vmem>>, vector<1x16xf32>,
        %get3A_149 = vector.shape_cast %get3A_148 : vector<1x16xf32> to vector<16xf32>
        %max3A_150 = arith.maximumf %get3A_104, %get3A_149 : vector<16xf32>
        %add3A_151 = arith.constant 1 : i32
        %add3A_152 = arith.addi %mul3A_85, %add3A_151 : i32
        %get3A_153 = arith.index_cast %add3A_152 : i32 to index
        %get3A_154 = arith.constant 80 : index
        %get3A_155 = tpu.vector_load %arg7[%get3A_153, %get3A_154] {strides = array<i32>} : memref<80x128xf32, #tpu.memory_space<vmem>>, vector<1x16xf32>,
        %get3A_156 = vector.shape_cast %get3A_155 : vector<1x16xf32> to vector<16xf32>
        %max3A_157 = arith.maximumf %get3A_108, %get3A_156 : vector<16xf32>
        %add3A_158 = arith.constant 1 : i32
        %add3A_159 = arith.addi %mul3A_85, %add3A_158 : i32
        %get3A_160 = arith.index_cast %add3A_159 : i32 to index
        %get3A_161 = arith.constant 96 : index
        %get3A_162 = tpu.vector_load %arg7[%get3A_160, %get3A_161] {strides = array<i32>} : memref<80x128xf32, #tpu.memory_space<vmem>>, vector<1x16xf32>,
        %get3A_163 = vector.shape_cast %get3A_162 : vector<1x16xf32> to vector<16xf32>
        %max3A_164 = arith.maximumf %get3A_112, %get3A_163 : vector<16xf32>
        %add3A_165 = arith.constant 1 : i32
        %add3A_166 = arith.addi %mul3A_85, %add3A_165 : i32
        %get3A_167 = arith.index_cast %add3A_166 : i32 to index
        %get3A_168 = arith.constant 112 : index
        %get3A_169 = tpu.vector_load %arg7[%get3A_167, %get3A_168] {strides = array<i32>} : memref<80x128xf32, #tpu.memory_space<vmem>>, vector<1x16xf32>,
        %get3A_170 = vector.shape_cast %get3A_169 : vector<1x16xf32> to vector<16xf32>
        %max3A_171 = arith.maximumf %get3A_116, %get3A_170 : vector<16xf32>
        %add3A_172 = arith.constant 2 : i32
        %add3A_173 = arith.addi %mul3A_85, %add3A_172 : i32
        %get3A_174 = arith.index_cast %add3A_173 : i32 to index
        %get3A_175 = arith.constant 0 : index
        %get3A_176 = tpu.vector_load %arg7[%get3A_174, %get3A_175] {strides = array<i32>} : memref<80x128xf32, #tpu.memory_space<vmem>>, vector<1x16xf32>,
        %get3A_177 = vector.shape_cast %get3A_176 : vector<1x16xf32> to vector<16xf32>
        %max3A_178 = arith.maximumf %max3A, %get3A_177 : vector<16xf32>
        %add3A_179 = arith.constant 2 : i32
        %add3A_180 = arith.addi %mul3A_85, %add3A_179 : i32
        %get3A_181 = arith.index_cast %add3A_180 : i32 to index
        %get3A_182 = arith.constant 16 : index
        %get3A_183 = tpu.vector_load %arg7[%get3A_181, %get3A_182] {strides = array<i32>} : memref<80x128xf32, #tpu.memory_space<vmem>>, vector<1x16xf32>,
        %get3A_184 = vector.shape_cast %get3A_183 : vector<1x16xf32> to vector<16xf32>
        %max3A_185 = arith.maximumf %max3A_129, %get3A_184 : vector<16xf32>
        %add3A_186 = arith.constant 2 : i32
        %add3A_187 = arith.addi %mul3A_85, %add3A_186 : i32
        %get3A_188 = arith.index_cast %add3A_187 : i32 to index
        %get3A_189 = arith.constant 32 : index
        %get3A_190 = tpu.vector_load %arg7[%get3A_188, %get3A_189] {strides = array<i32>} : memref<80x128xf32, #tpu.memory_space<vmem>>, vector<1x16xf32>,
        %get3A_191 = vector.shape_cast %get3A_190 : vector<1x16xf32> to vector<16xf32>
        %max3A_192 = arith.maximumf %max3A_136, %get3A_191 : vector<16xf32>
        %add3A_193 = arith.constant 2 : i32
        %add3A_194 = arith.addi %mul3A_85, %add3A_193 : i32
        %get3A_195 = arith.index_cast %add3A_194 : i32 to index
        %get3A_196 = arith.constant 48 : index
        %get3A_197 = tpu.vector_load %arg7[%get3A_195, %get3A_196] {strides = array<i32>} : memref<80x128xf32, #tpu.memory_space<vmem>>, vector<1x16xf32>,
        %get3A_198 = vector.shape_cast %get3A_197 : vector<1x16xf32> to vector<16xf32>
        %max3A_199 = arith.maximumf %max3A_143, %get3A_198 : vector<16xf32>
        %add3A_200 = arith.constant 2 : i32
        %add3A_201 = arith.addi %mul3A_85, %add3A_200 : i32
        %get3A_202 = arith.index_cast %add3A_201 : i32 to index
        %get3A_203 = arith.constant 64 : index
        %get3A_204 = tpu.vector_load %arg7[%get3A_202, %get3A_203] {strides = array<i32>} : memref<80x128xf32, #tpu.memory_space<vmem>>, vector<1x16xf32>,
        %get3A_205 = vector.shape_cast %get3A_204 : vector<1x16xf32> to vector<16xf32>
        %max3A_206 = arith.maximumf %max3A_150, %get3A_205 : vector<16xf32>
        %add3A_207 = arith.constant 2 : i32
        %add3A_208 = arith.addi %mul3A_85, %add3A_207 : i32
        %get3A_209 = arith.index_cast %add3A_208 : i32 to index
        %get3A_210 = arith.constant 80 : index
        %get3A_211 = tpu.vector_load %arg7[%get3A_209, %get3A_210] {strides = array<i32>} : memref<80x128xf32, #tpu.memory_space<vmem>>, vector<1x16xf32>,
        %get3A_212 = vector.shape_cast %get3A_211 : vector<1x16xf32> to vector<16xf32>
        %max3A_213 = arith.maximumf %max3A_157, %get3A_212 : vector<16xf32>
        %add3A_214 = arith.constant 2 : i32
        %add3A_215 = arith.addi %mul3A_85, %add3A_214 : i32
        %get3A_216 = arith.index_cast %add3A_215 : i32 to index
        %get3A_217 = arith.constant 96 : index
        %get3A_218 = tpu.vector_load %arg7[%get3A_216, %get3A_217] {strides = array<i32>} : memref<80x128xf32, #tpu.memory_space<vmem>>, vector<1x16xf32>,
        %get3A_219 = vector.shape_cast %get3A_218 : vector<1x16xf32> to vector<16xf32>
        %max3A_220 = arith.maximumf %max3A_164, %get3A_219 : vector<16xf32>
        %add3A_221 = arith.constant 2 : i32
        %add3A_222 = arith.addi %mul3A_85, %add3A_221 : i32
        %get3A_223 = arith.index_cast %add3A_222 : i32 to index
        %get3A_224 = arith.constant 112 : index
        %get3A_225 = tpu.vector_load %arg7[%get3A_223, %get3A_224] {strides = array<i32>} : memref<80x128xf32, #tpu.memory_space<vmem>>, vector<1x16xf32>,
        %get3A_226 = vector.shape_cast %get3A_225 : vector<1x16xf32> to vector<16xf32>
        %max3A_227 = arith.maximumf %max3A_171, %get3A_226 : vector<16xf32>
        %add3A_228 = arith.constant 3 : i32
        %add3A_229 = arith.addi %mul3A_85, %add3A_228 : i32
        %get3A_230 = arith.index_cast %add3A_229 : i32 to index
        %get3A_231 = arith.constant 0 : index
        %get3A_232 = tpu.vector_load %arg7[%get3A_230, %get3A_231] {strides = array<i32>} : memref<80x128xf32, #tpu.memory_space<vmem>>, vector<1x16xf32>,
        %get3A_233 = vector.shape_cast %get3A_232 : vector<1x16xf32> to vector<16xf32>
        %max3A_234 = arith.maximumf %max3A_178, %get3A_233 : vector<16xf32>
        %add3A_235 = arith.constant 3 : i32
        %add3A_236 = arith.addi %mul3A_85, %add3A_235 : i32
        %get3A_237 = arith.index_cast %add3A_236 : i32 to index
        %get3A_238 = arith.constant 16 : index
        %get3A_239 = tpu.vector_load %arg7[%get3A_237, %get3A_238] {strides = array<i32>} : memref<80x128xf32, #tpu.memory_space<vmem>>, vector<1x16xf32>,
        %get3A_240 = vector.shape_cast %get3A_239 : vector<1x16xf32> to vector<16xf32>
        %max3A_241 = arith.maximumf %max3A_185, %get3A_240 : vector<16xf32>
        %add3A_242 = arith.constant 3 : i32
        %add3A_243 = arith.addi %mul3A_85, %add3A_242 : i32
        %get3A_244 = arith.index_cast %add3A_243 : i32 to index
        %get3A_245 = arith.constant 32 : index
        %get3A_246 = tpu.vector_load %arg7[%get3A_244, %get3A_245] {strides = array<i32>} : memref<80x128xf32, #tpu.memory_space<vmem>>, vector<1x16xf32>,
        %get3A_247 = vector.shape_cast %get3A_246 : vector<1x16xf32> to vector<16xf32>
        %max3A_248 = arith.maximumf %max3A_192, %get3A_247 : vector<16xf32>
        %add3A_249 = arith.constant 3 : i32
        %add3A_250 = arith.addi %mul3A_85, %add3A_249 : i32
        %get3A_251 = arith.index_cast %add3A_250 : i32 to index
        %get3A_252 = arith.constant 48 : index
        %get3A_253 = tpu.vector_load %arg7[%get3A_251, %get3A_252] {strides = array<i32>} : memref<80x128xf32, #tpu.memory_space<vmem>>, vector<1x16xf32>,
        %get3A_254 = vector.shape_cast %get3A_253 : vector<1x16xf32> to vector<16xf32>
        %max3A_255 = arith.maximumf %max3A_199, %get3A_254 : vector<16xf32>
        %add3A_256 = arith.constant 3 : i32
        %add3A_257 = arith.addi %mul3A_85, %add3A_256 : i32
        %get3A_258 = arith.index_cast %add3A_257 : i32 to index
        %get3A_259 = arith.constant 64 : index
        %get3A_260 = tpu.vector_load %arg7[%get3A_258, %get3A_259] {strides = array<i32>} : memref<80x128xf32, #tpu.memory_space<vmem>>, vector<1x16xf32>,
        %get3A_261 = vector.shape_cast %get3A_260 : vector<1x16xf32> to vector<16xf32>
        %max3A_262 = arith.maximumf %max3A_206, %get3A_261 : vector<16xf32>
        %add3A_263 = arith.constant 3 : i32
        %add3A_264 = arith.addi %mul3A_85, %add3A_263 : i32
        %get3A_265 = arith.index_cast %add3A_264 : i32 to index
        %get3A_266 = arith.constant 80 : index
        %get3A_267 = tpu.vector_load %arg7[%get3A_265, %get3A_266] {strides = array<i32>} : memref<80x128xf32, #tpu.memory_space<vmem>>, vector<1x16xf32>,
        %get3A_268 = vector.shape_cast %get3A_267 : vector<1x16xf32> to vector<16xf32>
        %max3A_269 = arith.maximumf %max3A_213, %get3A_268 : vector<16xf32>
        %add3A_270 = arith.constant 3 : i32
        %add3A_271 = arith.addi %mul3A_85, %add3A_270 : i32
        %get3A_272 = arith.index_cast %add3A_271 : i32 to index
        %get3A_273 = arith.constant 96 : index
        %get3A_274 = tpu.vector_load %arg7[%get3A_272, %get3A_273] {strides = array<i32>} : memref<80x128xf32, #tpu.memory_space<vmem>>, vector<1x16xf32>,
        %get3A_275 = vector.shape_cast %get3A_274 : vector<1x16xf32> to vector<16xf32>
        %max3A_276 = arith.maximumf %max3A_220, %get3A_275 : vector<16xf32>
        %add3A_277 = arith.constant 3 : i32
        %add3A_278 = arith.addi %mul3A_85, %add3A_277 : i32
        %get3A_279 = arith.index_cast %add3A_278 : i32 to index
        %get3A_280 = arith.constant 112 : index
        %get3A_281 = tpu.vector_load %arg7[%get3A_279, %get3A_280] {strides = array<i32>} : memref<80x128xf32, #tpu.memory_space<vmem>>, vector<1x16xf32>,
        %get3A_282 = vector.shape_cast %get3A_281 : vector<1x16xf32> to vector<16xf32>
        %max3A_283 = arith.maximumf %max3A_227, %get3A_282 : vector<16xf32>
        %add3A_284 = arith.constant 4 : i32
        %add3A_285 = arith.addi %mul3A_85, %add3A_284 : i32
        %get3A_286 = arith.index_cast %add3A_285 : i32 to index
        %get3A_287 = arith.constant 0 : index
        %get3A_288 = tpu.vector_load %arg7[%get3A_286, %get3A_287] {strides = array<i32>} : memref<80x128xf32, #tpu.memory_space<vmem>>, vector<1x16xf32>,
        %get3A_289 = vector.shape_cast %get3A_288 : vector<1x16xf32> to vector<16xf32>
        %max3A_290 = arith.maximumf %max3A_234, %get3A_289 : vector<16xf32>
        %add3A_291 = arith.constant 4 : i32
        %add3A_292 = arith.addi %mul3A_85, %add3A_291 : i32
        %get3A_293 = arith.index_cast %add3A_292 : i32 to index
        %get3A_294 = arith.constant 16 : index
        %get3A_295 = tpu.vector_load %arg7[%get3A_293, %get3A_294] {strides = array<i32>} : memref<80x128xf32, #tpu.memory_space<vmem>>, vector<1x16xf32>,
        %get3A_296 = vector.shape_cast %get3A_295 : vector<1x16xf32> to vector<16xf32>
        %max3A_297 = arith.maximumf %max3A_241, %get3A_296 : vector<16xf32>
        %add3A_298 = arith.constant 4 : i32
        %add3A_299 = arith.addi %mul3A_85, %add3A_298 : i32
        %get3A_300 = arith.index_cast %add3A_299 : i32 to index
        %get3A_301 = arith.constant 32 : index
        %get3A_302 = tpu.vector_load %arg7[%get3A_300, %get3A_301] {strides = array<i32>} : memref<80x128xf32, #tpu.memory_space<vmem>>, vector<1x16xf32>,
        %get3A_303 = vector.shape_cast %get3A_302 : vector<1x16xf32> to vector<16xf32>
        %max3A_304 = arith.maximumf %max3A_248, %get3A_303 : vector<16xf32>
        %add3A_305 = arith.constant 4 : i32
        %add3A_306 = arith.addi %mul3A_85, %add3A_305 : i32
        %get3A_307 = arith.index_cast %add3A_306 : i32 to index
        %get3A_308 = arith.constant 48 : index
        %get3A_309 = tpu.vector_load %arg7[%get3A_307, %get3A_308] {strides = array<i32>} : memref<80x128xf32, #tpu.memory_space<vmem>>, vector<1x16xf32>,
        %get3A_310 = vector.shape_cast %get3A_309 : vector<1x16xf32> to vector<16xf32>
        %max3A_311 = arith.maximumf %max3A_255, %get3A_310 : vector<16xf32>
        %add3A_312 = arith.constant 4 : i32
        %add3A_313 = arith.addi %mul3A_85, %add3A_312 : i32
        %get3A_314 = arith.index_cast %add3A_313 : i32 to index
        %get3A_315 = arith.constant 64 : index
        %get3A_316 = tpu.vector_load %arg7[%get3A_314, %get3A_315] {strides = array<i32>} : memref<80x128xf32, #tpu.memory_space<vmem>>, vector<1x16xf32>,
        %get3A_317 = vector.shape_cast %get3A_316 : vector<1x16xf32> to vector<16xf32>
        %max3A_318 = arith.maximumf %max3A_262, %get3A_317 : vector<16xf32>
        %add3A_319 = arith.constant 4 : i32
        %add3A_320 = arith.addi %mul3A_85, %add3A_319 : i32
        %get3A_321 = arith.index_cast %add3A_320 : i32 to index
        %get3A_322 = arith.constant 80 : index
        %get3A_323 = tpu.vector_load %arg7[%get3A_321, %get3A_322] {strides = array<i32>} : memref<80x128xf32, #tpu.memory_space<vmem>>, vector<1x16xf32>,
        %get3A_324 = vector.shape_cast %get3A_323 : vector<1x16xf32> to vector<16xf32>
        %max3A_325 = arith.maximumf %max3A_269, %get3A_324 : vector<16xf32>
        %add3A_326 = arith.constant 4 : i32
        %add3A_327 = arith.addi %mul3A_85, %add3A_326 : i32
        %get3A_328 = arith.index_cast %add3A_327 : i32 to index
        %get3A_329 = arith.constant 96 : index
        %get3A_330 = tpu.vector_load %arg7[%get3A_328, %get3A_329] {strides = array<i32>} : memref<80x128xf32, #tpu.memory_space<vmem>>, vector<1x16xf32>,
        %get3A_331 = vector.shape_cast %get3A_330 : vector<1x16xf32> to vector<16xf32>
        %max3A_332 = arith.maximumf %max3A_276, %get3A_331 : vector<16xf32>
        %add3A_333 = arith.constant 4 : i32
        %add3A_334 = arith.addi %mul3A_85, %add3A_333 : i32
        %get3A_335 = arith.index_cast %add3A_334 : i32 to index
        %get3A_336 = arith.constant 112 : index
        %get3A_337 = tpu.vector_load %arg7[%get3A_335, %get3A_336] {strides = array<i32>} : memref<80x128xf32, #tpu.memory_space<vmem>>, vector<1x16xf32>,
        %get3A_338 = vector.shape_cast %get3A_337 : vector<1x16xf32> to vector<16xf32>
        %max3A_339 = arith.maximumf %max3A_283, %get3A_338 : vector<16xf32>
        %add3A_340 = arith.constant 5 : i32
        %add3A_341 = arith.addi %mul3A_85, %add3A_340 : i32
        %get3A_342 = arith.index_cast %add3A_341 : i32 to index
        %get3A_343 = arith.constant 0 : index
        %get3A_344 = tpu.vector_load %arg7[%get3A_342, %get3A_343] {strides = array<i32>} : memref<80x128xf32, #tpu.memory_space<vmem>>, vector<1x16xf32>,
        %get3A_345 = vector.shape_cast %get3A_344 : vector<1x16xf32> to vector<16xf32>
        %max3A_346 = arith.maximumf %max3A_290, %get3A_345 : vector<16xf32>
        %add3A_347 = arith.constant 5 : i32
        %add3A_348 = arith.addi %mul3A_85, %add3A_347 : i32
        %get3A_349 = arith.index_cast %add3A_348 : i32 to index
        %get3A_350 = arith.constant 16 : index
        %get3A_351 = tpu.vector_load %arg7[%get3A_349, %get3A_350] {strides = array<i32>} : memref<80x128xf32, #tpu.memory_space<vmem>>, vector<1x16xf32>,
        %get3A_352 = vector.shape_cast %get3A_351 : vector<1x16xf32> to vector<16xf32>
        %max3A_353 = arith.maximumf %max3A_297, %get3A_352 : vector<16xf32>
        %add3A_354 = arith.constant 5 : i32
        %add3A_355 = arith.addi %mul3A_85, %add3A_354 : i32
        %get3A_356 = arith.index_cast %add3A_355 : i32 to index
        %get3A_357 = arith.constant 32 : index
        %get3A_358 = tpu.vector_load %arg7[%get3A_356, %get3A_357] {strides = array<i32>} : memref<80x128xf32, #tpu.memory_space<vmem>>, vector<1x16xf32>,
        %get3A_359 = vector.shape_cast %get3A_358 : vector<1x16xf32> to vector<16xf32>
        %max3A_360 = arith.maximumf %max3A_304, %get3A_359 : vector<16xf32>
        %add3A_361 = arith.constant 5 : i32
        %add3A_362 = arith.addi %mul3A_85, %add3A_361 : i32
        %get3A_363 = arith.index_cast %add3A_362 : i32 to index
        %get3A_364 = arith.constant 48 : index
        %get3A_365 = tpu.vector_load %arg7[%get3A_363, %get3A_364] {strides = array<i32>} : memref<80x128xf32, #tpu.memory_space<vmem>>, vector<1x16xf32>,
        %get3A_366 = vector.shape_cast %get3A_365 : vector<1x16xf32> to vector<16xf32>
        %max3A_367 = arith.maximumf %max3A_311, %get3A_366 : vector<16xf32>
        %add3A_368 = arith.constant 5 : i32
        %add3A_369 = arith.addi %mul3A_85, %add3A_368 : i32
        %get3A_370 = arith.index_cast %add3A_369 : i32 to index
        %get3A_371 = arith.constant 64 : index
        %get3A_372 = tpu.vector_load %arg7[%get3A_370, %get3A_371] {strides = array<i32>} : memref<80x128xf32, #tpu.memory_space<vmem>>, vector<1x16xf32>,
        %get3A_373 = vector.shape_cast %get3A_372 : vector<1x16xf32> to vector<16xf32>
        %max3A_374 = arith.maximumf %max3A_318, %get3A_373 : vector<16xf32>
        %add3A_375 = arith.constant 5 : i32
        %add3A_376 = arith.addi %mul3A_85, %add3A_375 : i32
        %get3A_377 = arith.index_cast %add3A_376 : i32 to index
        %get3A_378 = arith.constant 80 : index
        %get3A_379 = tpu.vector_load %arg7[%get3A_377, %get3A_378] {strides = array<i32>} : memref<80x128xf32, #tpu.memory_space<vmem>>, vector<1x16xf32>,
        %get3A_380 = vector.shape_cast %get3A_379 : vector<1x16xf32> to vector<16xf32>
        %max3A_381 = arith.maximumf %max3A_325, %get3A_380 : vector<16xf32>
        %add3A_382 = arith.constant 5 : i32
        %add3A_383 = arith.addi %mul3A_85, %add3A_382 : i32
        %get3A_384 = arith.index_cast %add3A_383 : i32 to index
        %get3A_385 = arith.constant 96 : index
        %get3A_386 = tpu.vector_load %arg7[%get3A_384, %get3A_385] {strides = array<i32>} : memref<80x128xf32, #tpu.memory_space<vmem>>, vector<1x16xf32>,
        %get3A_387 = vector.shape_cast %get3A_386 : vector<1x16xf32> to vector<16xf32>
        %max3A_388 = arith.maximumf %max3A_332, %get3A_387 : vector<16xf32>
        %add3A_389 = arith.constant 5 : i32
        %add3A_390 = arith.addi %mul3A_85, %add3A_389 : i32
        %get3A_391 = arith.index_cast %add3A_390 : i32 to index
        %get3A_392 = arith.constant 112 : index
        %get3A_393 = tpu.vector_load %arg7[%get3A_391, %get3A_392] {strides = array<i32>} : memref<80x128xf32, #tpu.memory_space<vmem>>, vector<1x16xf32>,
        %get3A_394 = vector.shape_cast %get3A_393 : vector<1x16xf32> to vector<16xf32>
        %max3A_395 = arith.maximumf %max3A_339, %get3A_394 : vector<16xf32>
        %add3A_396 = arith.constant 6 : i32
        %add3A_397 = arith.addi %mul3A_85, %add3A_396 : i32
        %get3A_398 = arith.index_cast %add3A_397 : i32 to index
        %get3A_399 = arith.constant 0 : index
        %get3A_400 = tpu.vector_load %arg7[%get3A_398, %get3A_399] {strides = array<i32>} : memref<80x128xf32, #tpu.memory_space<vmem>>, vector<1x16xf32>,
        %get3A_401 = vector.shape_cast %get3A_400 : vector<1x16xf32> to vector<16xf32>
        %max3A_402 = arith.maximumf %max3A_346, %get3A_401 : vector<16xf32>
        %add3A_403 = arith.constant 6 : i32
        %add3A_404 = arith.addi %mul3A_85, %add3A_403 : i32
        %get3A_405 = arith.index_cast %add3A_404 : i32 to index
        %get3A_406 = arith.constant 16 : index
        %get3A_407 = tpu.vector_load %arg7[%get3A_405, %get3A_406] {strides = array<i32>} : memref<80x128xf32, #tpu.memory_space<vmem>>, vector<1x16xf32>,
        %get3A_408 = vector.shape_cast %get3A_407 : vector<1x16xf32> to vector<16xf32>
        %max3A_409 = arith.maximumf %max3A_353, %get3A_408 : vector<16xf32>
        %add3A_410 = arith.constant 6 : i32
        %add3A_411 = arith.addi %mul3A_85, %add3A_410 : i32
        %get3A_412 = arith.index_cast %add3A_411 : i32 to index
        %get3A_413 = arith.constant 32 : index
        %get3A_414 = tpu.vector_load %arg7[%get3A_412, %get3A_413] {strides = array<i32>} : memref<80x128xf32, #tpu.memory_space<vmem>>, vector<1x16xf32>,
        %get3A_415 = vector.shape_cast %get3A_414 : vector<1x16xf32> to vector<16xf32>
        %max3A_416 = arith.maximumf %max3A_360, %get3A_415 : vector<16xf32>
        %add3A_417 = arith.constant 6 : i32
        %add3A_418 = arith.addi %mul3A_85, %add3A_417 : i32
        %get3A_419 = arith.index_cast %add3A_418 : i32 to index
        %get3A_420 = arith.constant 48 : index
        %get3A_421 = tpu.vector_load %arg7[%get3A_419, %get3A_420] {strides = array<i32>} : memref<80x128xf32, #tpu.memory_space<vmem>>, vector<1x16xf32>,
        %get3A_422 = vector.shape_cast %get3A_421 : vector<1x16xf32> to vector<16xf32>
        %max3A_423 = arith.maximumf %max3A_367, %get3A_422 : vector<16xf32>
        %add3A_424 = arith.constant 6 : i32
        %add3A_425 = arith.addi %mul3A_85, %add3A_424 : i32
        %get3A_426 = arith.index_cast %add3A_425 : i32 to index
        %get3A_427 = arith.constant 64 : index
        %get3A_428 = tpu.vector_load %arg7[%get3A_426, %get3A_427] {strides = array<i32>} : memref<80x128xf32, #tpu.memory_space<vmem>>, vector<1x16xf32>,
        %get3A_429 = vector.shape_cast %get3A_428 : vector<1x16xf32> to vector<16xf32>
        %max3A_430 = arith.maximumf %max3A_374, %get3A_429 : vector<16xf32>
        %add3A_431 = arith.constant 6 : i32
        %add3A_432 = arith.addi %mul3A_85, %add3A_431 : i32
        %get3A_433 = arith.index_cast %add3A_432 : i32 to index
        %get3A_434 = arith.constant 80 : index
        %get3A_435 = tpu.vector_load %arg7[%get3A_433, %get3A_434] {strides = array<i32>} : memref<80x128xf32, #tpu.memory_space<vmem>>, vector<1x16xf32>,
        %get3A_436 = vector.shape_cast %get3A_435 : vector<1x16xf32> to vector<16xf32>
        %max3A_437 = arith.maximumf %max3A_381, %get3A_436 : vector<16xf32>
        %add3A_438 = arith.constant 6 : i32
        %add3A_439 = arith.addi %mul3A_85, %add3A_438 : i32
        %get3A_440 = arith.index_cast %add3A_439 : i32 to index
        %get3A_441 = arith.constant 96 : index
        %get3A_442 = tpu.vector_load %arg7[%get3A_440, %get3A_441] {strides = array<i32>} : memref<80x128xf32, #tpu.memory_space<vmem>>, vector<1x16xf32>,
        %get3A_443 = vector.shape_cast %get3A_442 : vector<1x16xf32> to vector<16xf32>
        %max3A_444 = arith.maximumf %max3A_388, %get3A_443 : vector<16xf32>
        %add3A_445 = arith.constant 6 : i32
        %add3A_446 = arith.addi %mul3A_85, %add3A_445 : i32
        %get3A_447 = arith.index_cast %add3A_446 : i32 to index
        %get3A_448 = arith.constant 112 : index
        %get3A_449 = tpu.vector_load %arg7[%get3A_447, %get3A_448] {strides = array<i32>} : memref<80x128xf32, #tpu.memory_space<vmem>>, vector<1x16xf32>,
        %get3A_450 = vector.shape_cast %get3A_449 : vector<1x16xf32> to vector<16xf32>
        %max3A_451 = arith.maximumf %max3A_395, %get3A_450 : vector<16xf32>
        %add3A_452 = arith.constant 7 : i32
        %add3A_453 = arith.addi %mul3A_85, %add3A_452 : i32
        %get3A_454 = arith.index_cast %add3A_453 : i32 to index
        %get3A_455 = arith.constant 0 : index
        %get3A_456 = tpu.vector_load %arg7[%get3A_454, %get3A_455] {strides = array<i32>} : memref<80x128xf32, #tpu.memory_space<vmem>>, vector<1x16xf32>,
        %get3A_457 = vector.shape_cast %get3A_456 : vector<1x16xf32> to vector<16xf32>
        %max3A_458 = arith.maximumf %max3A_402, %get3A_457 : vector<16xf32>
        %add3A_459 = arith.constant 7 : i32
        %add3A_460 = arith.addi %mul3A_85, %add3A_459 : i32
        %get3A_461 = arith.index_cast %add3A_460 : i32 to index
        %get3A_462 = arith.constant 16 : index
        %get3A_463 = tpu.vector_load %arg7[%get3A_461, %get3A_462] {strides = array<i32>} : memref<80x128xf32, #tpu.memory_space<vmem>>, vector<1x16xf32>,
        %get3A_464 = vector.shape_cast %get3A_463 : vector<1x16xf32> to vector<16xf32>
        %max3A_465 = arith.maximumf %max3A_409, %get3A_464 : vector<16xf32>
        %add3A_466 = arith.constant 7 : i32
        %add3A_467 = arith.addi %mul3A_85, %add3A_466 : i32
        %get3A_468 = arith.index_cast %add3A_467 : i32 to index
        %get3A_469 = arith.constant 32 : index
        %get3A_470 = tpu.vector_load %arg7[%get3A_468, %get3A_469] {strides = array<i32>} : memref<80x128xf32, #tpu.memory_space<vmem>>, vector<1x16xf32>,
        %get3A_471 = vector.shape_cast %get3A_470 : vector<1x16xf32> to vector<16xf32>
        %max3A_472 = arith.maximumf %max3A_416, %get3A_471 : vector<16xf32>
        %add3A_473 = arith.constant 7 : i32
        %add3A_474 = arith.addi %mul3A_85, %add3A_473 : i32
        %get3A_475 = arith.index_cast %add3A_474 : i32 to index
        %get3A_476 = arith.constant 48 : index
        %get3A_477 = tpu.vector_load %arg7[%get3A_475, %get3A_476] {strides = array<i32>} : memref<80x128xf32, #tpu.memory_space<vmem>>, vector<1x16xf32>,
        %get3A_478 = vector.shape_cast %get3A_477 : vector<1x16xf32> to vector<16xf32>
        %max3A_479 = arith.maximumf %max3A_423, %get3A_478 : vector<16xf32>
        %add3A_480 = arith.constant 7 : i32
        %add3A_481 = arith.addi %mul3A_85, %add3A_480 : i32
        %get3A_482 = arith.index_cast %add3A_481 : i32 to index
        %get3A_483 = arith.constant 64 : index
        %get3A_484 = tpu.vector_load %arg7[%get3A_482, %get3A_483] {strides = array<i32>} : memref<80x128xf32, #tpu.memory_space<vmem>>, vector<1x16xf32>,
        %get3A_485 = vector.shape_cast %get3A_484 : vector<1x16xf32> to vector<16xf32>
        %max3A_486 = arith.maximumf %max3A_430, %get3A_485 : vector<16xf32>
        %add3A_487 = arith.constant 7 : i32
        %add3A_488 = arith.addi %mul3A_85, %add3A_487 : i32
        %get3A_489 = arith.index_cast %add3A_488 : i32 to index
        %get3A_490 = arith.constant 80 : index
        %get3A_491 = tpu.vector_load %arg7[%get3A_489, %get3A_490] {strides = array<i32>} : memref<80x128xf32, #tpu.memory_space<vmem>>, vector<1x16xf32>,
        %get3A_492 = vector.shape_cast %get3A_491 : vector<1x16xf32> to vector<16xf32>
        %max3A_493 = arith.maximumf %max3A_437, %get3A_492 : vector<16xf32>
        %add3A_494 = arith.constant 7 : i32
        %add3A_495 = arith.addi %mul3A_85, %add3A_494 : i32
        %get3A_496 = arith.index_cast %add3A_495 : i32 to index
        %get3A_497 = arith.constant 96 : index
        %get3A_498 = tpu.vector_load %arg7[%get3A_496, %get3A_497] {strides = array<i32>} : memref<80x128xf32, #tpu.memory_space<vmem>>, vector<1x16xf32>,
        %get3A_499 = vector.shape_cast %get3A_498 : vector<1x16xf32> to vector<16xf32>
        %max3A_500 = arith.maximumf %max3A_444, %get3A_499 : vector<16xf32>
        %add3A_501 = arith.constant 7 : i32
        %add3A_502 = arith.addi %mul3A_85, %add3A_501 : i32
        %get3A_503 = arith.index_cast %add3A_502 : i32 to index
        %get3A_504 = arith.constant 112 : index
        %get3A_505 = tpu.vector_load %arg7[%get3A_503, %get3A_504] {strides = array<i32>} : memref<80x128xf32, #tpu.memory_space<vmem>>, vector<1x16xf32>,
        %get3A_506 = vector.shape_cast %get3A_505 : vector<1x16xf32> to vector<16xf32>
        %max3A_507 = arith.maximumf %max3A_451, %get3A_506 : vector<16xf32>
        %add3A_508 = arith.constant 8 : i32
        %add3A_509 = arith.addi %mul3A_85, %add3A_508 : i32
        %get3A_510 = arith.index_cast %add3A_509 : i32 to index
        %get3A_511 = arith.constant 0 : index
        %get3A_512 = tpu.vector_load %arg7[%get3A_510, %get3A_511] {strides = array<i32>} : memref<80x128xf32, #tpu.memory_space<vmem>>, vector<1x16xf32>,
        %get3A_513 = vector.shape_cast %get3A_512 : vector<1x16xf32> to vector<16xf32>
        %max3A_514 = arith.maximumf %max3A_458, %get3A_513 : vector<16xf32>
        %add3A_515 = arith.constant 8 : i32
        %add3A_516 = arith.addi %mul3A_85, %add3A_515 : i32
        %get3A_517 = arith.index_cast %add3A_516 : i32 to index
        %get3A_518 = arith.constant 16 : index
        %get3A_519 = tpu.vector_load %arg7[%get3A_517, %get3A_518] {strides = array<i32>} : memref<80x128xf32, #tpu.memory_space<vmem>>, vector<1x16xf32>,
        %get3A_520 = vector.shape_cast %get3A_519 : vector<1x16xf32> to vector<16xf32>
        %max3A_521 = arith.maximumf %max3A_465, %get3A_520 : vector<16xf32>
        %add3A_522 = arith.constant 8 : i32
        %add3A_523 = arith.addi %mul3A_85, %add3A_522 : i32
        %get3A_524 = arith.index_cast %add3A_523 : i32 to index
        %get3A_525 = arith.constant 32 : index
        %get3A_526 = tpu.vector_load %arg7[%get3A_524, %get3A_525] {strides = array<i32>} : memref<80x128xf32, #tpu.memory_space<vmem>>, vector<1x16xf32>,
        %get3A_527 = vector.shape_cast %get3A_526 : vector<1x16xf32> to vector<16xf32>
        %max3A_528 = arith.maximumf %max3A_472, %get3A_527 : vector<16xf32>
        %add3A_529 = arith.constant 8 : i32
        %add3A_530 = arith.addi %mul3A_85, %add3A_529 : i32
        %get3A_531 = arith.index_cast %add3A_530 : i32 to index
        %get3A_532 = arith.constant 48 : index
        %get3A_533 = tpu.vector_load %arg7[%get3A_531, %get3A_532] {strides = array<i32>} : memref<80x128xf32, #tpu.memory_space<vmem>>, vector<1x16xf32>,
        %get3A_534 = vector.shape_cast %get3A_533 : vector<1x16xf32> to vector<16xf32>
        %max3A_535 = arith.maximumf %max3A_479, %get3A_534 : vector<16xf32>
        %add3A_536 = arith.constant 8 : i32
        %add3A_537 = arith.addi %mul3A_85, %add3A_536 : i32
        %get3A_538 = arith.index_cast %add3A_537 : i32 to index
        %get3A_539 = arith.constant 64 : index
        %get3A_540 = tpu.vector_load %arg7[%get3A_538, %get3A_539] {strides = array<i32>} : memref<80x128xf32, #tpu.memory_space<vmem>>, vector<1x16xf32>,
        %get3A_541 = vector.shape_cast %get3A_540 : vector<1x16xf32> to vector<16xf32>
        %max3A_542 = arith.maximumf %max3A_486, %get3A_541 : vector<16xf32>
        %add3A_543 = arith.constant 8 : i32
        %add3A_544 = arith.addi %mul3A_85, %add3A_543 : i32
        %get3A_545 = arith.index_cast %add3A_544 : i32 to index
        %get3A_546 = arith.constant 80 : index
        %get3A_547 = tpu.vector_load %arg7[%get3A_545, %get3A_546] {strides = array<i32>} : memref<80x128xf32, #tpu.memory_space<vmem>>, vector<1x16xf32>,
        %get3A_548 = vector.shape_cast %get3A_547 : vector<1x16xf32> to vector<16xf32>
        %max3A_549 = arith.maximumf %max3A_493, %get3A_548 : vector<16xf32>
        %add3A_550 = arith.constant 8 : i32
        %add3A_551 = arith.addi %mul3A_85, %add3A_550 : i32
        %get3A_552 = arith.index_cast %add3A_551 : i32 to index
        %get3A_553 = arith.constant 96 : index
        %get3A_554 = tpu.vector_load %arg7[%get3A_552, %get3A_553] {strides = array<i32>} : memref<80x128xf32, #tpu.memory_space<vmem>>, vector<1x16xf32>,
        %get3A_555 = vector.shape_cast %get3A_554 : vector<1x16xf32> to vector<16xf32>
        %max3A_556 = arith.maximumf %max3A_500, %get3A_555 : vector<16xf32>
        %add3A_557 = arith.constant 8 : i32
        %add3A_558 = arith.addi %mul3A_85, %add3A_557 : i32
        %get3A_559 = arith.index_cast %add3A_558 : i32 to index
        %get3A_560 = arith.constant 112 : index
        %get3A_561 = tpu.vector_load %arg7[%get3A_559, %get3A_560] {strides = array<i32>} : memref<80x128xf32, #tpu.memory_space<vmem>>, vector<1x16xf32>,
        %get3A_562 = vector.shape_cast %get3A_561 : vector<1x16xf32> to vector<16xf32>
        %max3A_563 = arith.maximumf %max3A_507, %get3A_562 : vector<16xf32>
        %add3A_564 = arith.constant 9 : i32
        %add3A_565 = arith.addi %mul3A_85, %add3A_564 : i32
        %get3A_566 = arith.index_cast %add3A_565 : i32 to index
        %get3A_567 = arith.constant 0 : index
        %get3A_568 = tpu.vector_load %arg7[%get3A_566, %get3A_567] {strides = array<i32>} : memref<80x128xf32, #tpu.memory_space<vmem>>, vector<1x16xf32>,
        %get3A_569 = vector.shape_cast %get3A_568 : vector<1x16xf32> to vector<16xf32>
        %max3A_570 = arith.maximumf %max3A_514, %get3A_569 : vector<16xf32>
        %add3A_571 = arith.constant 9 : i32
        %add3A_572 = arith.addi %mul3A_85, %add3A_571 : i32
        %get3A_573 = arith.index_cast %add3A_572 : i32 to index
        %get3A_574 = arith.constant 16 : index
        %get3A_575 = tpu.vector_load %arg7[%get3A_573, %get3A_574] {strides = array<i32>} : memref<80x128xf32, #tpu.memory_space<vmem>>, vector<1x16xf32>,
        %get3A_576 = vector.shape_cast %get3A_575 : vector<1x16xf32> to vector<16xf32>
        %max3A_577 = arith.maximumf %max3A_521, %get3A_576 : vector<16xf32>
        %add3A_578 = arith.constant 9 : i32
        %add3A_579 = arith.addi %mul3A_85, %add3A_578 : i32
        %get3A_580 = arith.index_cast %add3A_579 : i32 to index
        %get3A_581 = arith.constant 32 : index
        %get3A_582 = tpu.vector_load %arg7[%get3A_580, %get3A_581] {strides = array<i32>} : memref<80x128xf32, #tpu.memory_space<vmem>>, vector<1x16xf32>,
        %get3A_583 = vector.shape_cast %get3A_582 : vector<1x16xf32> to vector<16xf32>
        %max3A_584 = arith.maximumf %max3A_528, %get3A_583 : vector<16xf32>
        %add3A_585 = arith.constant 9 : i32
        %add3A_586 = arith.addi %mul3A_85, %add3A_585 : i32
        %get3A_587 = arith.index_cast %add3A_586 : i32 to index
        %get3A_588 = arith.constant 48 : index
        %get3A_589 = tpu.vector_load %arg7[%get3A_587, %get3A_588] {strides = array<i32>} : memref<80x128xf32, #tpu.memory_space<vmem>>, vector<1x16xf32>,
        %get3A_590 = vector.shape_cast %get3A_589 : vector<1x16xf32> to vector<16xf32>
        %max3A_591 = arith.maximumf %max3A_535, %get3A_590 : vector<16xf32>
        %add3A_592 = arith.constant 9 : i32
        %add3A_593 = arith.addi %mul3A_85, %add3A_592 : i32
        %get3A_594 = arith.index_cast %add3A_593 : i32 to index
        %get3A_595 = arith.constant 64 : index
        %get3A_596 = tpu.vector_load %arg7[%get3A_594, %get3A_595] {strides = array<i32>} : memref<80x128xf32, #tpu.memory_space<vmem>>, vector<1x16xf32>,
        %get3A_597 = vector.shape_cast %get3A_596 : vector<1x16xf32> to vector<16xf32>
        %max3A_598 = arith.maximumf %max3A_542, %get3A_597 : vector<16xf32>
        %add3A_599 = arith.constant 9 : i32
        %add3A_600 = arith.addi %mul3A_85, %add3A_599 : i32
        %get3A_601 = arith.index_cast %add3A_600 : i32 to index
        %get3A_602 = arith.constant 80 : index
        %get3A_603 = tpu.vector_load %arg7[%get3A_601, %get3A_602] {strides = array<i32>} : memref<80x128xf32, #tpu.memory_space<vmem>>, vector<1x16xf32>,
        %get3A_604 = vector.shape_cast %get3A_603 : vector<1x16xf32> to vector<16xf32>
        %max3A_605 = arith.maximumf %max3A_549, %get3A_604 : vector<16xf32>
        %add3A_606 = arith.constant 9 : i32
        %add3A_607 = arith.addi %mul3A_85, %add3A_606 : i32
        %get3A_608 = arith.index_cast %add3A_607 : i32 to index
        %get3A_609 = arith.constant 96 : index
        %get3A_610 = tpu.vector_load %arg7[%get3A_608, %get3A_609] {strides = array<i32>} : memref<80x128xf32, #tpu.memory_space<vmem>>, vector<1x16xf32>,
        %get3A_611 = vector.shape_cast %get3A_610 : vector<1x16xf32> to vector<16xf32>
        %max3A_612 = arith.maximumf %max3A_556, %get3A_611 : vector<16xf32>
        %add3A_613 = arith.constant 9 : i32
        %add3A_614 = arith.addi %mul3A_85, %add3A_613 : i32
        %get3A_615 = arith.index_cast %add3A_614 : i32 to index
        %get3A_616 = arith.constant 112 : index
        %get3A_617 = tpu.vector_load %arg7[%get3A_615, %get3A_616] {strides = array<i32>} : memref<80x128xf32, #tpu.memory_space<vmem>>, vector<1x16xf32>,
        %get3A_618 = vector.shape_cast %get3A_617 : vector<1x16xf32> to vector<16xf32>
        %max3A_619 = arith.maximumf %max3A_563, %get3A_618 : vector<16xf32>
        %add3A_620 = arith.constant 10 : i32
        %add3A_621 = arith.addi %mul3A_85, %add3A_620 : i32
        %get3A_622 = arith.index_cast %add3A_621 : i32 to index
        %get3A_623 = arith.constant 0 : index
        %get3A_624 = tpu.vector_load %arg7[%get3A_622, %get3A_623] {strides = array<i32>} : memref<80x128xf32, #tpu.memory_space<vmem>>, vector<1x16xf32>,
        %get3A_625 = vector.shape_cast %get3A_624 : vector<1x16xf32> to vector<16xf32>
        %max3A_626 = arith.maximumf %max3A_570, %get3A_625 : vector<16xf32>
        %add3A_627 = arith.constant 10 : i32
        %add3A_628 = arith.addi %mul3A_85, %add3A_627 : i32
        %get3A_629 = arith.index_cast %add3A_628 : i32 to index
        %get3A_630 = arith.constant 16 : index
        %get3A_631 = tpu.vector_load %arg7[%get3A_629, %get3A_630] {strides = array<i32>} : memref<80x128xf32, #tpu.memory_space<vmem>>, vector<1x16xf32>,
        %get3A_632 = vector.shape_cast %get3A_631 : vector<1x16xf32> to vector<16xf32>
        %max3A_633 = arith.maximumf %max3A_577, %get3A_632 : vector<16xf32>
        %add3A_634 = arith.constant 10 : i32
        %add3A_635 = arith.addi %mul3A_85, %add3A_634 : i32
        %get3A_636 = arith.index_cast %add3A_635 : i32 to index
        %get3A_637 = arith.constant 32 : index
        %get3A_638 = tpu.vector_load %arg7[%get3A_636, %get3A_637] {strides = array<i32>} : memref<80x128xf32, #tpu.memory_space<vmem>>, vector<1x16xf32>,
        %get3A_639 = vector.shape_cast %get3A_638 : vector<1x16xf32> to vector<16xf32>
        %max3A_640 = arith.maximumf %max3A_584, %get3A_639 : vector<16xf32>
        %add3A_641 = arith.constant 10 : i32
        %add3A_642 = arith.addi %mul3A_85, %add3A_641 : i32
        %get3A_643 = arith.index_cast %add3A_642 : i32 to index
        %get3A_644 = arith.constant 48 : index
        %get3A_645 = tpu.vector_load %arg7[%get3A_643, %get3A_644] {strides = array<i32>} : memref<80x128xf32, #tpu.memory_space<vmem>>, vector<1x16xf32>,
        %get3A_646 = vector.shape_cast %get3A_645 : vector<1x16xf32> to vector<16xf32>
        %max3A_647 = arith.maximumf %max3A_591, %get3A_646 : vector<16xf32>
        %add3A_648 = arith.constant 10 : i32
        %add3A_649 = arith.addi %mul3A_85, %add3A_648 : i32
        %get3A_650 = arith.index_cast %add3A_649 : i32 to index
        %get3A_651 = arith.constant 64 : index
        %get3A_652 = tpu.vector_load %arg7[%get3A_650, %get3A_651] {strides = array<i32>} : memref<80x128xf32, #tpu.memory_space<vmem>>, vector<1x16xf32>,
        %get3A_653 = vector.shape_cast %get3A_652 : vector<1x16xf32> to vector<16xf32>
        %max3A_654 = arith.maximumf %max3A_598, %get3A_653 : vector<16xf32>
        %add3A_655 = arith.constant 10 : i32
        %add3A_656 = arith.addi %mul3A_85, %add3A_655 : i32
        %get3A_657 = arith.index_cast %add3A_656 : i32 to index
        %get3A_658 = arith.constant 80 : index
        %get3A_659 = tpu.vector_load %arg7[%get3A_657, %get3A_658] {strides = array<i32>} : memref<80x128xf32, #tpu.memory_space<vmem>>, vector<1x16xf32>,
        %get3A_660 = vector.shape_cast %get3A_659 : vector<1x16xf32> to vector<16xf32>
        %max3A_661 = arith.maximumf %max3A_605, %get3A_660 : vector<16xf32>
        %add3A_662 = arith.constant 10 : i32
        %add3A_663 = arith.addi %mul3A_85, %add3A_662 : i32
        %get3A_664 = arith.index_cast %add3A_663 : i32 to index
        %get3A_665 = arith.constant 96 : index
        %get3A_666 = tpu.vector_load %arg7[%get3A_664, %get3A_665] {strides = array<i32>} : memref<80x128xf32, #tpu.memory_space<vmem>>, vector<1x16xf32>,
        %get3A_667 = vector.shape_cast %get3A_666 : vector<1x16xf32> to vector<16xf32>
        %max3A_668 = arith.maximumf %max3A_612, %get3A_667 : vector<16xf32>
        %add3A_669 = arith.constant 10 : i32
        %add3A_670 = arith.addi %mul3A_85, %add3A_669 : i32
        %get3A_671 = arith.index_cast %add3A_670 : i32 to index
        %get3A_672 = arith.constant 112 : index
        %get3A_673 = tpu.vector_load %arg7[%get3A_671, %get3A_672] {strides = array<i32>} : memref<80x128xf32, #tpu.memory_space<vmem>>, vector<1x16xf32>,
        %get3A_674 = vector.shape_cast %get3A_673 : vector<1x16xf32> to vector<16xf32>
        %max3A_675 = arith.maximumf %max3A_619, %get3A_674 : vector<16xf32>
        %add3A_676 = arith.constant 11 : i32
        %add3A_677 = arith.addi %mul3A_85, %add3A_676 : i32
        %get3A_678 = arith.index_cast %add3A_677 : i32 to index
        %get3A_679 = arith.constant 0 : index
        %get3A_680 = tpu.vector_load %arg7[%get3A_678, %get3A_679] {strides = array<i32>} : memref<80x128xf32, #tpu.memory_space<vmem>>, vector<1x16xf32>,
        %get3A_681 = vector.shape_cast %get3A_680 : vector<1x16xf32> to vector<16xf32>
        %max3A_682 = arith.maximumf %max3A_626, %get3A_681 : vector<16xf32>
        %add3A_683 = arith.constant 11 : i32
        %add3A_684 = arith.addi %mul3A_85, %add3A_683 : i32
        %get3A_685 = arith.index_cast %add3A_684 : i32 to index
        %get3A_686 = arith.constant 16 : index
        %get3A_687 = tpu.vector_load %arg7[%get3A_685, %get3A_686] {strides = array<i32>} : memref<80x128xf32, #tpu.memory_space<vmem>>, vector<1x16xf32>,
        %get3A_688 = vector.shape_cast %get3A_687 : vector<1x16xf32> to vector<16xf32>
        %max3A_689 = arith.maximumf %max3A_633, %get3A_688 : vector<16xf32>
        %add3A_690 = arith.constant 11 : i32
        %add3A_691 = arith.addi %mul3A_85, %add3A_690 : i32
        %get3A_692 = arith.index_cast %add3A_691 : i32 to index
        %get3A_693 = arith.constant 32 : index
        %get3A_694 = tpu.vector_load %arg7[%get3A_692, %get3A_693] {strides = array<i32>} : memref<80x128xf32, #tpu.memory_space<vmem>>, vector<1x16xf32>,
        %get3A_695 = vector.shape_cast %get3A_694 : vector<1x16xf32> to vector<16xf32>
        %max3A_696 = arith.maximumf %max3A_640, %get3A_695 : vector<16xf32>
        %add3A_697 = arith.constant 11 : i32
        %add3A_698 = arith.addi %mul3A_85, %add3A_697 : i32
        %get3A_699 = arith.index_cast %add3A_698 : i32 to index
        %get3A_700 = arith.constant 48 : index
        %get3A_701 = tpu.vector_load %arg7[%get3A_699, %get3A_700] {strides = array<i32>} : memref<80x128xf32, #tpu.memory_space<vmem>>, vector<1x16xf32>,
        %get3A_702 = vector.shape_cast %get3A_701 : vector<1x16xf32> to vector<16xf32>
        %max3A_703 = arith.maximumf %max3A_647, %get3A_702 : vector<16xf32>
        %add3A_704 = arith.constant 11 : i32
        %add3A_705 = arith.addi %mul3A_85, %add3A_704 : i32
        %get3A_706 = arith.index_cast %add3A_705 : i32 to index
        %get3A_707 = arith.constant 64 : index
        %get3A_708 = tpu.vector_load %arg7[%get3A_706, %get3A_707] {strides = array<i32>} : memref<80x128xf32, #tpu.memory_space<vmem>>, vector<1x16xf32>,
        %get3A_709 = vector.shape_cast %get3A_708 : vector<1x16xf32> to vector<16xf32>
        %max3A_710 = arith.maximumf %max3A_654, %get3A_709 : vector<16xf32>
        %add3A_711 = arith.constant 11 : i32
        %add3A_712 = arith.addi %mul3A_85, %add3A_711 : i32
        %get3A_713 = arith.index_cast %add3A_712 : i32 to index
        %get3A_714 = arith.constant 80 : index
        %get3A_715 = tpu.vector_load %arg7[%get3A_713, %get3A_714] {strides = array<i32>} : memref<80x128xf32, #tpu.memory_space<vmem>>, vector<1x16xf32>,
        %get3A_716 = vector.shape_cast %get3A_715 : vector<1x16xf32> to vector<16xf32>
        %max3A_717 = arith.maximumf %max3A_661, %get3A_716 : vector<16xf32>
        %add3A_718 = arith.constant 11 : i32
        %add3A_719 = arith.addi %mul3A_85, %add3A_718 : i32
        %get3A_720 = arith.index_cast %add3A_719 : i32 to index
        %get3A_721 = arith.constant 96 : index
        %get3A_722 = tpu.vector_load %arg7[%get3A_720, %get3A_721] {strides = array<i32>} : memref<80x128xf32, #tpu.memory_space<vmem>>, vector<1x16xf32>,
        %get3A_723 = vector.shape_cast %get3A_722 : vector<1x16xf32> to vector<16xf32>
        %max3A_724 = arith.maximumf %max3A_668, %get3A_723 : vector<16xf32>
        %add3A_725 = arith.constant 11 : i32
        %add3A_726 = arith.addi %mul3A_85, %add3A_725 : i32
        %get3A_727 = arith.index_cast %add3A_726 : i32 to index
        %get3A_728 = arith.constant 112 : index
        %get3A_729 = tpu.vector_load %arg7[%get3A_727, %get3A_728] {strides = array<i32>} : memref<80x128xf32, #tpu.memory_space<vmem>>, vector<1x16xf32>,
        %get3A_730 = vector.shape_cast %get3A_729 : vector<1x16xf32> to vector<16xf32>
        %max3A_731 = arith.maximumf %max3A_675, %get3A_730 : vector<16xf32>
        %add3A_732 = arith.constant 12 : i32
        %add3A_733 = arith.addi %mul3A_85, %add3A_732 : i32
        %get3A_734 = arith.index_cast %add3A_733 : i32 to index
        %get3A_735 = arith.constant 0 : index
        %get3A_736 = tpu.vector_load %arg7[%get3A_734, %get3A_735] {strides = array<i32>} : memref<80x128xf32, #tpu.memory_space<vmem>>, vector<1x16xf32>,
        %get3A_737 = vector.shape_cast %get3A_736 : vector<1x16xf32> to vector<16xf32>
        %max3A_738 = arith.maximumf %max3A_682, %get3A_737 : vector<16xf32>
        %add3A_739 = arith.constant 12 : i32
        %add3A_740 = arith.addi %mul3A_85, %add3A_739 : i32
        %get3A_741 = arith.index_cast %add3A_740 : i32 to index
        %get3A_742 = arith.constant 16 : index
        %get3A_743 = tpu.vector_load %arg7[%get3A_741, %get3A_742] {strides = array<i32>} : memref<80x128xf32, #tpu.memory_space<vmem>>, vector<1x16xf32>,
        %get3A_744 = vector.shape_cast %get3A_743 : vector<1x16xf32> to vector<16xf32>
        %max3A_745 = arith.maximumf %max3A_689, %get3A_744 : vector<16xf32>
        %add3A_746 = arith.constant 12 : i32
        %add3A_747 = arith.addi %mul3A_85, %add3A_746 : i32
        %get3A_748 = arith.index_cast %add3A_747 : i32 to index
        %get3A_749 = arith.constant 32 : index
        %get3A_750 = tpu.vector_load %arg7[%get3A_748, %get3A_749] {strides = array<i32>} : memref<80x128xf32, #tpu.memory_space<vmem>>, vector<1x16xf32>,
        %get3A_751 = vector.shape_cast %get3A_750 : vector<1x16xf32> to vector<16xf32>
        %max3A_752 = arith.maximumf %max3A_696, %get3A_751 : vector<16xf32>
        %add3A_753 = arith.constant 12 : i32
        %add3A_754 = arith.addi %mul3A_85, %add3A_753 : i32
        %get3A_755 = arith.index_cast %add3A_754 : i32 to index
        %get3A_756 = arith.constant 48 : index
        %get3A_757 = tpu.vector_load %arg7[%get3A_755, %get3A_756] {strides = array<i32>} : memref<80x128xf32, #tpu.memory_space<vmem>>, vector<1x16xf32>,
        %get3A_758 = vector.shape_cast %get3A_757 : vector<1x16xf32> to vector<16xf32>
        %max3A_759 = arith.maximumf %max3A_703, %get3A_758 : vector<16xf32>
        %add3A_760 = arith.constant 12 : i32
        %add3A_761 = arith.addi %mul3A_85, %add3A_760 : i32
        %get3A_762 = arith.index_cast %add3A_761 : i32 to index
        %get3A_763 = arith.constant 64 : index
        %get3A_764 = tpu.vector_load %arg7[%get3A_762, %get3A_763] {strides = array<i32>} : memref<80x128xf32, #tpu.memory_space<vmem>>, vector<1x16xf32>,
        %get3A_765 = vector.shape_cast %get3A_764 : vector<1x16xf32> to vector<16xf32>
        %max3A_766 = arith.maximumf %max3A_710, %get3A_765 : vector<16xf32>
        %add3A_767 = arith.constant 12 : i32
        %add3A_768 = arith.addi %mul3A_85, %add3A_767 : i32
        %get3A_769 = arith.index_cast %add3A_768 : i32 to index
        %get3A_770 = arith.constant 80 : index
        %get3A_771 = tpu.vector_load %arg7[%get3A_769, %get3A_770] {strides = array<i32>} : memref<80x128xf32, #tpu.memory_space<vmem>>, vector<1x16xf32>,
        %get3A_772 = vector.shape_cast %get3A_771 : vector<1x16xf32> to vector<16xf32>
        %max3A_773 = arith.maximumf %max3A_717, %get3A_772 : vector<16xf32>
        %add3A_774 = arith.constant 12 : i32
        %add3A_775 = arith.addi %mul3A_85, %add3A_774 : i32
        %get3A_776 = arith.index_cast %add3A_775 : i32 to index
        %get3A_777 = arith.constant 96 : index
        %get3A_778 = tpu.vector_load %arg7[%get3A_776, %get3A_777] {strides = array<i32>} : memref<80x128xf32, #tpu.memory_space<vmem>>, vector<1x16xf32>,
        %get3A_779 = vector.shape_cast %get3A_778 : vector<1x16xf32> to vector<16xf32>
        %max3A_780 = arith.maximumf %max3A_724, %get3A_779 : vector<16xf32>
        %add3A_781 = arith.constant 12 : i32
        %add3A_782 = arith.addi %mul3A_85, %add3A_781 : i32
        %get3A_783 = arith.index_cast %add3A_782 : i32 to index
        %get3A_784 = arith.constant 112 : index
        %get3A_785 = tpu.vector_load %arg7[%get3A_783, %get3A_784] {strides = array<i32>} : memref<80x128xf32, #tpu.memory_space<vmem>>, vector<1x16xf32>,
        %get3A_786 = vector.shape_cast %get3A_785 : vector<1x16xf32> to vector<16xf32>
        %max3A_787 = arith.maximumf %max3A_731, %get3A_786 : vector<16xf32>
        %add3A_788 = arith.constant 13 : i32
        %add3A_789 = arith.addi %mul3A_85, %add3A_788 : i32
        %get3A_790 = arith.index_cast %add3A_789 : i32 to index
        %get3A_791 = arith.constant 0 : index
        %get3A_792 = tpu.vector_load %arg7[%get3A_790, %get3A_791] {strides = array<i32>} : memref<80x128xf32, #tpu.memory_space<vmem>>, vector<1x16xf32>,
        %get3A_793 = vector.shape_cast %get3A_792 : vector<1x16xf32> to vector<16xf32>
        %max3A_794 = arith.maximumf %max3A_738, %get3A_793 : vector<16xf32>
        %add3A_795 = arith.constant 13 : i32
        %add3A_796 = arith.addi %mul3A_85, %add3A_795 : i32
        %get3A_797 = arith.index_cast %add3A_796 : i32 to index
        %get3A_798 = arith.constant 16 : index
        %get3A_799 = tpu.vector_load %arg7[%get3A_797, %get3A_798] {strides = array<i32>} : memref<80x128xf32, #tpu.memory_space<vmem>>, vector<1x16xf32>,
        %get3A_800 = vector.shape_cast %get3A_799 : vector<1x16xf32> to vector<16xf32>
        %max3A_801 = arith.maximumf %max3A_745, %get3A_800 : vector<16xf32>
        %add3A_802 = arith.constant 13 : i32
        %add3A_803 = arith.addi %mul3A_85, %add3A_802 : i32
        %get3A_804 = arith.index_cast %add3A_803 : i32 to index
        %get3A_805 = arith.constant 32 : index
        %get3A_806 = tpu.vector_load %arg7[%get3A_804, %get3A_805] {strides = array<i32>} : memref<80x128xf32, #tpu.memory_space<vmem>>, vector<1x16xf32>,
        %get3A_807 = vector.shape_cast %get3A_806 : vector<1x16xf32> to vector<16xf32>
        %max3A_808 = arith.maximumf %max3A_752, %get3A_807 : vector<16xf32>
        %add3A_809 = arith.constant 13 : i32
        %add3A_810 = arith.addi %mul3A_85, %add3A_809 : i32
        %get3A_811 = arith.index_cast %add3A_810 : i32 to index
        %get3A_812 = arith.constant 48 : index
        %get3A_813 = tpu.vector_load %arg7[%get3A_811, %get3A_812] {strides = array<i32>} : memref<80x128xf32, #tpu.memory_space<vmem>>, vector<1x16xf32>,
        %get3A_814 = vector.shape_cast %get3A_813 : vector<1x16xf32> to vector<16xf32>
        %max3A_815 = arith.maximumf %max3A_759, %get3A_814 : vector<16xf32>
        %add3A_816 = arith.constant 13 : i32
        %add3A_817 = arith.addi %mul3A_85, %add3A_816 : i32
        %get3A_818 = arith.index_cast %add3A_817 : i32 to index
        %get3A_819 = arith.constant 64 : index
        %get3A_820 = tpu.vector_load %arg7[%get3A_818, %get3A_819] {strides = array<i32>} : memref<80x128xf32, #tpu.memory_space<vmem>>, vector<1x16xf32>,
        %get3A_821 = vector.shape_cast %get3A_820 : vector<1x16xf32> to vector<16xf32>
        %max3A_822 = arith.maximumf %max3A_766, %get3A_821 : vector<16xf32>
        %add3A_823 = arith.constant 13 : i32
        %add3A_824 = arith.addi %mul3A_85, %add3A_823 : i32
        %get3A_825 = arith.index_cast %add3A_824 : i32 to index
        %get3A_826 = arith.constant 80 : index
        %get3A_827 = tpu.vector_load %arg7[%get3A_825, %get3A_826] {strides = array<i32>} : memref<80x128xf32, #tpu.memory_space<vmem>>, vector<1x16xf32>,
        %get3A_828 = vector.shape_cast %get3A_827 : vector<1x16xf32> to vector<16xf32>
        %max3A_829 = arith.maximumf %max3A_773, %get3A_828 : vector<16xf32>
        %add3A_830 = arith.constant 13 : i32
        %add3A_831 = arith.addi %mul3A_85, %add3A_830 : i32
        %get3A_832 = arith.index_cast %add3A_831 : i32 to index
        %get3A_833 = arith.constant 96 : index
        %get3A_834 = tpu.vector_load %arg7[%get3A_832, %get3A_833] {strides = array<i32>} : memref<80x128xf32, #tpu.memory_space<vmem>>, vector<1x16xf32>,
        %get3A_835 = vector.shape_cast %get3A_834 : vector<1x16xf32> to vector<16xf32>
        %max3A_836 = arith.maximumf %max3A_780, %get3A_835 : vector<16xf32>
        %add3A_837 = arith.constant 13 : i32
        %add3A_838 = arith.addi %mul3A_85, %add3A_837 : i32
        %get3A_839 = arith.index_cast %add3A_838 : i32 to index
        %get3A_840 = arith.constant 112 : index
        %get3A_841 = tpu.vector_load %arg7[%get3A_839, %get3A_840] {strides = array<i32>} : memref<80x128xf32, #tpu.memory_space<vmem>>, vector<1x16xf32>,
        %get3A_842 = vector.shape_cast %get3A_841 : vector<1x16xf32> to vector<16xf32>
        %max3A_843 = arith.maximumf %max3A_787, %get3A_842 : vector<16xf32>
        %add3A_844 = arith.constant 14 : i32
        %add3A_845 = arith.addi %mul3A_85, %add3A_844 : i32
        %get3A_846 = arith.index_cast %add3A_845 : i32 to index
        %get3A_847 = arith.constant 0 : index
        %get3A_848 = tpu.vector_load %arg7[%get3A_846, %get3A_847] {strides = array<i32>} : memref<80x128xf32, #tpu.memory_space<vmem>>, vector<1x16xf32>,
        %get3A_849 = vector.shape_cast %get3A_848 : vector<1x16xf32> to vector<16xf32>
        %max3A_850 = arith.maximumf %max3A_794, %get3A_849 : vector<16xf32>
        %add3A_851 = arith.constant 14 : i32
        %add3A_852 = arith.addi %mul3A_85, %add3A_851 : i32
        %get3A_853 = arith.index_cast %add3A_852 : i32 to index
        %get3A_854 = arith.constant 16 : index
        %get3A_855 = tpu.vector_load %arg7[%get3A_853, %get3A_854] {strides = array<i32>} : memref<80x128xf32, #tpu.memory_space<vmem>>, vector<1x16xf32>,
        %get3A_856 = vector.shape_cast %get3A_855 : vector<1x16xf32> to vector<16xf32>
        %max3A_857 = arith.maximumf %max3A_801, %get3A_856 : vector<16xf32>
        %add3A_858 = arith.constant 14 : i32
        %add3A_859 = arith.addi %mul3A_85, %add3A_858 : i32
        %get3A_860 = arith.index_cast %add3A_859 : i32 to index
        %get3A_861 = arith.constant 32 : index
        %get3A_862 = tpu.vector_load %arg7[%get3A_860, %get3A_861] {strides = array<i32>} : memref<80x128xf32, #tpu.memory_space<vmem>>, vector<1x16xf32>,
        %get3A_863 = vector.shape_cast %get3A_862 : vector<1x16xf32> to vector<16xf32>
        %max3A_864 = arith.maximumf %max3A_808, %get3A_863 : vector<16xf32>
        %add3A_865 = arith.constant 14 : i32
        %add3A_866 = arith.addi %mul3A_85, %add3A_865 : i32
        %get3A_867 = arith.index_cast %add3A_866 : i32 to index
        %get3A_868 = arith.constant 48 : index
        %get3A_869 = tpu.vector_load %arg7[%get3A_867, %get3A_868] {strides = array<i32>} : memref<80x128xf32, #tpu.memory_space<vmem>>, vector<1x16xf32>,
        %get3A_870 = vector.shape_cast %get3A_869 : vector<1x16xf32> to vector<16xf32>
        %max3A_871 = arith.maximumf %max3A_815, %get3A_870 : vector<16xf32>
        %add3A_872 = arith.constant 14 : i32
        %add3A_873 = arith.addi %mul3A_85, %add3A_872 : i32
        %get3A_874 = arith.index_cast %add3A_873 : i32 to index
        %get3A_875 = arith.constant 64 : index
        %get3A_876 = tpu.vector_load %arg7[%get3A_874, %get3A_875] {strides = array<i32>} : memref<80x128xf32, #tpu.memory_space<vmem>>, vector<1x16xf32>,
        %get3A_877 = vector.shape_cast %get3A_876 : vector<1x16xf32> to vector<16xf32>
        %max3A_878 = arith.maximumf %max3A_822, %get3A_877 : vector<16xf32>
        %add3A_879 = arith.constant 14 : i32
        %add3A_880 = arith.addi %mul3A_85, %add3A_879 : i32
        %get3A_881 = arith.index_cast %add3A_880 : i32 to index
        %get3A_882 = arith.constant 80 : index
        %get3A_883 = tpu.vector_load %arg7[%get3A_881, %get3A_882] {strides = array<i32>} : memref<80x128xf32, #tpu.memory_space<vmem>>, vector<1x16xf32>,
        %get3A_884 = vector.shape_cast %get3A_883 : vector<1x16xf32> to vector<16xf32>
        %max3A_885 = arith.maximumf %max3A_829, %get3A_884 : vector<16xf32>
        %add3A_886 = arith.constant 14 : i32
        %add3A_887 = arith.addi %mul3A_85, %add3A_886 : i32
        %get3A_888 = arith.index_cast %add3A_887 : i32 to index
        %get3A_889 = arith.constant 96 : index
        %get3A_890 = tpu.vector_load %arg7[%get3A_888, %get3A_889] {strides = array<i32>} : memref<80x128xf32, #tpu.memory_space<vmem>>, vector<1x16xf32>,
        %get3A_891 = vector.shape_cast %get3A_890 : vector<1x16xf32> to vector<16xf32>
        %max3A_892 = arith.maximumf %max3A_836, %get3A_891 : vector<16xf32>
        %add3A_893 = arith.constant 14 : i32
        %add3A_894 = arith.addi %mul3A_85, %add3A_893 : i32
        %get3A_895 = arith.index_cast %add3A_894 : i32 to index
        %get3A_896 = arith.constant 112 : index
        %get3A_897 = tpu.vector_load %arg7[%get3A_895, %get3A_896] {strides = array<i32>} : memref<80x128xf32, #tpu.memory_space<vmem>>, vector<1x16xf32>,
        %get3A_898 = vector.shape_cast %get3A_897 : vector<1x16xf32> to vector<16xf32>
        %max3A_899 = arith.maximumf %max3A_843, %get3A_898 : vector<16xf32>
        %add3A_900 = arith.constant 15 : i32
        %add3A_901 = arith.addi %mul3A_85, %add3A_900 : i32
        %get3A_902 = arith.index_cast %add3A_901 : i32 to index
        %get3A_903 = arith.constant 0 : index
        %get3A_904 = tpu.vector_load %arg7[%get3A_902, %get3A_903] {strides = array<i32>} : memref<80x128xf32, #tpu.memory_space<vmem>>, vector<1x16xf32>,
        %get3A_905 = vector.shape_cast %get3A_904 : vector<1x16xf32> to vector<16xf32>
        %max3A_906 = arith.maximumf %max3A_850, %get3A_905 : vector<16xf32>
        %add3A_907 = arith.constant 15 : i32
        %add3A_908 = arith.addi %mul3A_85, %add3A_907 : i32
        %get3A_909 = arith.index_cast %add3A_908 : i32 to index
        %get3A_910 = arith.constant 16 : index
        %get3A_911 = tpu.vector_load %arg7[%get3A_909, %get3A_910] {strides = array<i32>} : memref<80x128xf32, #tpu.memory_space<vmem>>, vector<1x16xf32>,
        %get3A_912 = vector.shape_cast %get3A_911 : vector<1x16xf32> to vector<16xf32>
        %max3A_913 = arith.maximumf %max3A_857, %get3A_912 : vector<16xf32>
        %add3A_914 = arith.constant 15 : i32
        %add3A_915 = arith.addi %mul3A_85, %add3A_914 : i32
        %get3A_916 = arith.index_cast %add3A_915 : i32 to index
        %get3A_917 = arith.constant 32 : index
        %get3A_918 = tpu.vector_load %arg7[%get3A_916, %get3A_917] {strides = array<i32>} : memref<80x128xf32, #tpu.memory_space<vmem>>, vector<1x16xf32>,
        %get3A_919 = vector.shape_cast %get3A_918 : vector<1x16xf32> to vector<16xf32>
        %max3A_920 = arith.maximumf %max3A_864, %get3A_919 : vector<16xf32>
        %add3A_921 = arith.constant 15 : i32
        %add3A_922 = arith.addi %mul3A_85, %add3A_921 : i32
        %get3A_923 = arith.index_cast %add3A_922 : i32 to index
        %get3A_924 = arith.constant 48 : index
        %get3A_925 = tpu.vector_load %arg7[%get3A_923, %get3A_924] {strides = array<i32>} : memref<80x128xf32, #tpu.memory_space<vmem>>, vector<1x16xf32>,
        %get3A_926 = vector.shape_cast %get3A_925 : vector<1x16xf32> to vector<16xf32>
        %max3A_927 = arith.maximumf %max3A_871, %get3A_926 : vector<16xf32>
        %add3A_928 = arith.constant 15 : i32
        %add3A_929 = arith.addi %mul3A_85, %add3A_928 : i32
        %get3A_930 = arith.index_cast %add3A_929 : i32 to index
        %get3A_931 = arith.constant 64 : index
        %get3A_932 = tpu.vector_load %arg7[%get3A_930, %get3A_931] {strides = array<i32>} : memref<80x128xf32, #tpu.memory_space<vmem>>, vector<1x16xf32>,
        %get3A_933 = vector.shape_cast %get3A_932 : vector<1x16xf32> to vector<16xf32>
        %max3A_934 = arith.maximumf %max3A_878, %get3A_933 : vector<16xf32>
        %add3A_935 = arith.constant 15 : i32
        %add3A_936 = arith.addi %mul3A_85, %add3A_935 : i32
        %get3A_937 = arith.index_cast %add3A_936 : i32 to index
        %get3A_938 = arith.constant 80 : index
        %get3A_939 = tpu.vector_load %arg7[%get3A_937, %get3A_938] {strides = array<i32>} : memref<80x128xf32, #tpu.memory_space<vmem>>, vector<1x16xf32>,
        %get3A_940 = vector.shape_cast %get3A_939 : vector<1x16xf32> to vector<16xf32>
        %max3A_941 = arith.maximumf %max3A_885, %get3A_940 : vector<16xf32>
        %add3A_942 = arith.constant 15 : i32
        %add3A_943 = arith.addi %mul3A_85, %add3A_942 : i32
        %get3A_944 = arith.index_cast %add3A_943 : i32 to index
        %get3A_945 = arith.constant 96 : index
        %get3A_946 = tpu.vector_load %arg7[%get3A_944, %get3A_945] {strides = array<i32>} : memref<80x128xf32, #tpu.memory_space<vmem>>, vector<1x16xf32>,
        %get3A_947 = vector.shape_cast %get3A_946 : vector<1x16xf32> to vector<16xf32>
        %max3A_948 = arith.maximumf %max3A_892, %get3A_947 : vector<16xf32>
        %add3A_949 = arith.constant 15 : i32
        %add3A_950 = arith.addi %mul3A_85, %add3A_949 : i32
        %get3A_951 = arith.index_cast %add3A_950 : i32 to index
        %get3A_952 = arith.constant 112 : index
        %get3A_953 = tpu.vector_load %arg7[%get3A_951, %get3A_952] {strides = array<i32>} : memref<80x128xf32, #tpu.memory_space<vmem>>, vector<1x16xf32>,
        %get3A_954 = vector.shape_cast %get3A_953 : vector<1x16xf32> to vector<16xf32>
        %max3A_955 = arith.maximumf %max3A_899, %get3A_954 : vector<16xf32>
        %mul3A_956 = arith.constant 128 : i32
        %mul3A_957 = arith.muli %scan3A_83, %mul3A_956 : i32
        %add3A_958 = arith.constant 0 : i32
        %add3A_959 = arith.addi %mul3A_957, %add3A_958 : i32
        %swap3A = arith.index_cast %add3A_959 : i32 to index
        %swap3A_960 = tpu.vector_load %arg8[%swap3A] {strides = array<i32>} : memref<640xf32, #tpu.memory_space<vmem>>, vector<16xf32>,
        %swap3A_961 = vector.shape_cast %swap3A_960 : vector<16xf32> to vector<16xf32>
        %swap3A_962 = vector.shape_cast %max3A_906 : vector<16xf32> to vector<16xf32>
        tpu.vector_store %arg8[%swap3A], %swap3A_962 {strides = array<i32>} : memref<640xf32, #tpu.memory_space<vmem>>, vector<16xf32>,
        %mul3A_963 = arith.constant 128 : i32
        %mul3A_964 = arith.muli %scan3A_83, %mul3A_963 : i32
        %add3A_965 = arith.constant 16 : i32
        %add3A_966 = arith.addi %mul3A_964, %add3A_965 : i32
        %swap3A_967 = arith.index_cast %add3A_966 : i32 to index
        %swap3A_968 = tpu.vector_load %arg8[%swap3A_967] {strides = array<i32>} : memref<640xf32, #tpu.memory_space<vmem>>, vector<16xf32>,
        %swap3A_969 = vector.shape_cast %swap3A_968 : vector<16xf32> to vector<16xf32>
        %swap3A_970 = vector.shape_cast %max3A_913 : vector<16xf32> to vector<16xf32>
        tpu.vector_store %arg8[%swap3A_967], %swap3A_970 {strides = array<i32>} : memref<640xf32, #tpu.memory_space<vmem>>, vector<16xf32>,
        %mul3A_971 = arith.constant 128 : i32
        %mul3A_972 = arith.muli %scan3A_83, %mul3A_971 : i32
        %add3A_973 = arith.constant 32 : i32
        %add3A_974 = arith.addi %mul3A_972, %add3A_973 : i32
        %swap3A_975 = arith.index_cast %add3A_974 : i32 to index
        %swap3A_976 = tpu.vector_load %arg8[%swap3A_975] {strides = array<i32>} : memref<640xf32, #tpu.memory_space<vmem>>, vector<16xf32>,
        %swap3A_977 = vector.shape_cast %swap3A_976 : vector<16xf32> to vector<16xf32>
        %swap3A_978 = vector.shape_cast %max3A_920 : vector<16xf32> to vector<16xf32>
        tpu.vector_store %arg8[%swap3A_975], %swap3A_978 {strides = array<i32>} : memref<640xf32, #tpu.memory_space<vmem>>, vector<16xf32>,
        %mul3A_979 = arith.constant 128 : i32
        %mul3A_980 = arith.muli %scan3A_83, %mul3A_979 : i32
        %add3A_981 = arith.constant 48 : i32
        %add3A_982 = arith.addi %mul3A_980, %add3A_981 : i32
        %swap3A_983 = arith.index_cast %add3A_982 : i32 to index
        %swap3A_984 = tpu.vector_load %arg8[%swap3A_983] {strides = array<i32>} : memref<640xf32, #tpu.memory_space<vmem>>, vector<16xf32>,
        %swap3A_985 = vector.shape_cast %swap3A_984 : vector<16xf32> to vector<16xf32>
        %swap3A_986 = vector.shape_cast %max3A_927 : vector<16xf32> to vector<16xf32>
        tpu.vector_store %arg8[%swap3A_983], %swap3A_986 {strides = array<i32>} : memref<640xf32, #tpu.memory_space<vmem>>, vector<16xf32>,
        %mul3A_987 = arith.constant 128 : i32
        %mul3A_988 = arith.muli %scan3A_83, %mul3A_987 : i32
        %add3A_989 = arith.constant 64 : i32
        %add3A_990 = arith.addi %mul3A_988, %add3A_989 : i32
        %swap3A_991 = arith.index_cast %add3A_990 : i32 to index
        %swap3A_992 = tpu.vector_load %arg8[%swap3A_991] {strides = array<i32>} : memref<640xf32, #tpu.memory_space<vmem>>, vector<16xf32>,
        %swap3A_993 = vector.shape_cast %swap3A_992 : vector<16xf32> to vector<16xf32>
        %swap3A_994 = vector.shape_cast %max3A_934 : vector<16xf32> to vector<16xf32>
        tpu.vector_store %arg8[%swap3A_991], %swap3A_994 {strides = array<i32>} : memref<640xf32, #tpu.memory_space<vmem>>, vector<16xf32>,
        %mul3A_995 = arith.constant 128 : i32
        %mul3A_996 = arith.muli %scan3A_83, %mul3A_995 : i32
        %add3A_997 = arith.constant 80 : i32
        %add3A_998 = arith.addi %mul3A_996, %add3A_997 : i32
        %swap3A_999 = arith.index_cast %add3A_998 : i32 to index
        %swap3A_1000 = tpu.vector_load %arg8[%swap3A_999] {strides = array<i32>} : memref<640xf32, #tpu.memory_space<vmem>>, vector<16xf32>,
        %swap3A_1001 = vector.shape_cast %swap3A_1000 : vector<16xf32> to vector<16xf32>
        %swap3A_1002 = vector.shape_cast %max3A_941 : vector<16xf32> to vector<16xf32>
        tpu.vector_store %arg8[%swap3A_999], %swap3A_1002 {strides = array<i32>} : memref<640xf32, #tpu.memory_space<vmem>>, vector<16xf32>,
        %mul3A_1003 = arith.constant 128 : i32
        %mul3A_1004 = arith.muli %scan3A_83, %mul3A_1003 : i32
        %add3A_1005 = arith.constant 96 : i32
        %add3A_1006 = arith.addi %mul3A_1004, %add3A_1005 : i32
        %swap3A_1007 = arith.index_cast %add3A_1006 : i32 to index
        %swap3A_1008 = tpu.vector_load %arg8[%swap3A_1007] {strides = array<i32>} : memref<640xf32, #tpu.memory_space<vmem>>, vector<16xf32>,
        %swap3A_1009 = vector.shape_cast %swap3A_1008 : vector<16xf32> to vector<16xf32>
        %swap3A_1010 = vector.shape_cast %max3A_948 : vector<16xf32> to vector<16xf32>
        tpu.vector_store %arg8[%swap3A_1007], %swap3A_1010 {strides = array<i32>} : memref<640xf32, #tpu.memory_space<vmem>>, vector<16xf32>,
        %mul3A_1011 = arith.constant 128 : i32
        %mul3A_1012 = arith.muli %scan3A_83, %mul3A_1011 : i32
        %add3A_1013 = arith.constant 112 : i32
        %add3A_1014 = arith.addi %mul3A_1012, %add3A_1013 : i32
        %swap3A_1015 = arith.index_cast %add3A_1014 : i32 to index
        %swap3A_1016 = tpu.vector_load %arg8[%swap3A_1015] {strides = array<i32>} : memref<640xf32, #tpu.memory_space<vmem>>, vector<16xf32>,
        %swap3A_1017 = vector.shape_cast %swap3A_1016 : vector<16xf32> to vector<16xf32>
        %swap3A_1018 = vector.shape_cast %max3A_955 : vector<16xf32> to vector<16xf32>
        tpu.vector_store %arg8[%swap3A_1015], %swap3A_1018 {strides = array<i32>} : memref<640xf32, #tpu.memory_space<vmem>>, vector<16xf32>,
      }
      %scan3A_77 = arith.constant 5 : i32
      %mul3A_78 = arith.constant 5 : i32
      %mul3A_79 = arith.muli %add3A_71, %mul3A_78 : i32
      %add3A_80 = arith.addi %add3A, %mul3A_79 : i32
      %mul3A_81 = arith.constant 128 : i32
      %mul3A_82 = arith.muli %add3A_80, %mul3A_81 : i32
      "tpu.region"() ({
        %run_scoped3A = tpu.sem_alloc : memref<!tpu.dma_semaphore, #tpu.memory_space<semaphore_mem>>
        %dma_start3A_83 = tpu.memref_slice %arg4[%mul3A_82] : memref<2560000xf32, #tpu.memory_space<hbm>> -> memref<640xf32, #tpu.memory_space<hbm>>
        %dma_start3A_84 = tpu.memref_slice %arg4[%mul3A_82] : memref<2560000xf32, #tpu.memory_space<hbm>> -> memref<640xf32, #tpu.memory_space<hbm>>
        tpu.enqueue_dma source(%arg8 : memref<640xf32, #tpu.memory_space<vmem>>) target(%dma_start3A_84 : memref<640xf32, #tpu.memory_space<hbm>>) target_semaphore(%run_scoped3A : memref<!tpu.dma_semaphore, #tpu.memory_space<semaphore_mem>>)
        %dma_wait3A_85 = tpu.memref_slice %arg4[%mul3A_82] : memref<2560000xf32, #tpu.memory_space<hbm>> -> memref<640xf32, #tpu.memory_space<hbm>>
        %dma_wait3A_86 = tpu.memref_slice %arg4[%mul3A_82] : memref<2560000xf32, #tpu.memory_space<hbm>> -> memref<640xf32, #tpu.memory_space<hbm>>
        tpu.wait_dma2 semaphore(%run_scoped3A : memref<!tpu.dma_semaphore, #tpu.memory_space<semaphore_mem>>) src(%arg8 : memref<640xf32, #tpu.memory_space<vmem>>) dst(%dma_wait3A_86 : memref<640xf32, #tpu.memory_space<hbm>>)
        tpu.yield
      }) : () -> ()
    }
    %scan3A_15 = arith.constant 62 : i32
    %dma_wait3A = arith.constant 0 : i32
    %dma_wait3A_16 = tpu.memref_slice %arg5[%dma_wait3A] : memref<10000xi32, #tpu.memory_space<vmem>> -> memref<80xi32, #tpu.memory_space<vmem>>
    %dma_wait3A_17 = arith.constant 0 : i32
    %dma_wait3A_18 = arith.constant 0 : i32
    %dma_wait3A_19 = tpu.memref_slice %arg9[%dma_wait3A_17, %dma_wait3A_18] : memref<10000x128xf32, #tpu.memory_space<vmem_shared>> -> memref<10000x128xf32, #tpu.memory_space<vmem_shared>>
    tpu.wait_indirect_dma semaphore(%arg10 : memref<!tpu.dma_semaphore, #tpu.memory_space<semaphore_mem>>) src(%dma_wait3A_19 : memref<10000x128xf32, #tpu.memory_space<vmem_shared>>) dst(%arg6 : memref<80x128xf32, #tpu.memory_space<vmem>>)
    %scan3A_20 = arith.constant 0 : i32
    %scan3A_21 = arith.constant 0 : i32
    %scan3A_22 = arith.constant 5 : i32
    %scan3A_23 = arith.addi %scan3A_21, %scan3A_22 : i32
    %scan3A_24 = arith.constant 1 : i32
    scf.for %scan3A_30 = %scan3A_21 to %scan3A_23 step %scan3A_24  : i32 {
      %mul3A_31 = arith.constant 16 : i32
      %mul3A_32 = arith.muli %scan3A_30, %mul3A_31 : i32
      %get3A = arith.index_cast %mul3A_32 : i32 to index
      %get3A_33 = arith.constant 0 : index
      %get3A_34 = tpu.vector_load %arg6[%get3A, %get3A_33] {strides = array<i32>} : memref<80x128xf32, #tpu.memory_space<vmem>>, vector<1x16xf32>,
      %get3A_35 = vector.shape_cast %get3A_34 : vector<1x16xf32> to vector<16xf32>
      %get3A_36 = arith.index_cast %mul3A_32 : i32 to index
      %get3A_37 = arith.constant 16 : index
      %get3A_38 = tpu.vector_load %arg6[%get3A_36, %get3A_37] {strides = array<i32>} : memref<80x128xf32, #tpu.memory_space<vmem>>, vector<1x16xf32>,
      %get3A_39 = vector.shape_cast %get3A_38 : vector<1x16xf32> to vector<16xf32>
      %get3A_40 = arith.index_cast %mul3A_32 : i32 to index
      %get3A_41 = arith.constant 32 : index
      %get3A_42 = tpu.vector_load %arg6[%get3A_40, %get3A_41] {strides = array<i32>} : memref<80x128xf32, #tpu.memory_space<vmem>>, vector<1x16xf32>,
      %get3A_43 = vector.shape_cast %get3A_42 : vector<1x16xf32> to vector<16xf32>
      %get3A_44 = arith.index_cast %mul3A_32 : i32 to index
      %get3A_45 = arith.constant 48 : index
      %get3A_46 = tpu.vector_load %arg6[%get3A_44, %get3A_45] {strides = array<i32>} : memref<80x128xf32, #tpu.memory_space<vmem>>, vector<1x16xf32>,
      %get3A_47 = vector.shape_cast %get3A_46 : vector<1x16xf32> to vector<16xf32>
      %get3A_48 = arith.index_cast %mul3A_32 : i32 to index
      %get3A_49 = arith.constant 64 : index
      %get3A_50 = tpu.vector_load %arg6[%get3A_48, %get3A_49] {strides = array<i32>} : memref<80x128xf32, #tpu.memory_space<vmem>>, vector<1x16xf32>,
      %get3A_51 = vector.shape_cast %get3A_50 : vector<1x16xf32> to vector<16xf32>
      %get3A_52 = arith.index_cast %mul3A_32 : i32 to index
      %get3A_53 = arith.constant 80 : index
      %get3A_54 = tpu.vector_load %arg6[%get3A_52, %get3A_53] {strides = array<i32>} : memref<80x128xf32, #tpu.memory_space<vmem>>, vector<1x16xf32>,
      %get3A_55 = vector.shape_cast %get3A_54 : vector<1x16xf32> to vector<16xf32>
      %get3A_56 = arith.index_cast %mul3A_32 : i32 to index
      %get3A_57 = arith.constant 96 : index
      %get3A_58 = tpu.vector_load %arg6[%get3A_56, %get3A_57] {strides = array<i32>} : memref<80x128xf32, #tpu.memory_space<vmem>>, vector<1x16xf32>,
      %get3A_59 = vector.shape_cast %get3A_58 : vector<1x16xf32> to vector<16xf32>
      %get3A_60 = arith.index_cast %mul3A_32 : i32 to index
      %get3A_61 = arith.constant 112 : index
      %get3A_62 = tpu.vector_load %arg6[%get3A_60, %get3A_61] {strides = array<i32>} : memref<80x128xf32, #tpu.memory_space<vmem>>, vector<1x16xf32>,
      %get3A_63 = vector.shape_cast %get3A_62 : vector<1x16xf32> to vector<16xf32>
      %add3A_64 = arith.constant 1 : i32
      %add3A_65 = arith.addi %mul3A_32, %add3A_64 : i32
      %get3A_66 = arith.index_cast %add3A_65 : i32 to index
      %get3A_67 = arith.constant 0 : index
      %get3A_68 = tpu.vector_load %arg6[%get3A_66, %get3A_67] {strides = array<i32>} : memref<80x128xf32, #tpu.memory_space<vmem>>, vector<1x16xf32>,
      %get3A_69 = vector.shape_cast %get3A_68 : vector<1x16xf32> to vector<16xf32>
      %max3A = arith.maximumf %get3A_35, %get3A_69 : vector<16xf32>
      %add3A_70 = arith.constant 1 : i32
      %add3A_71 = arith.addi %mul3A_32, %add3A_70 : i32
      %get3A_72 = arith.index_cast %add3A_71 : i32 to index
      %get3A_73 = arith.constant 16 : index
      %get3A_74 = tpu.vector_load %arg6[%get3A_72, %get3A_73] {strides = array<i32>} : memref<80x128xf32, #tpu.memory_space<vmem>>, vector<1x16xf32>,
      %get3A_75 = vector.shape_cast %get3A_74 : vector<1x16xf32> to vector<16xf32>
      %max3A_76 = arith.maximumf %get3A_39, %get3A_75 : vector<16xf32>
      %add3A_77 = arith.constant 1 : i32
      %add3A_78 = arith.addi %mul3A_32, %add3A_77 : i32
      %get3A_79 = arith.index_cast %add3A_78 : i32 to index
      %get3A_80 = arith.constant 32 : index
      %get3A_81 = tpu.vector_load %arg6[%get3A_79, %get3A_80] {strides = array<i32>} : memref<80x128xf32, #tpu.memory_space<vmem>>, vector<1x16xf32>,
      %get3A_82 = vector.shape_cast %get3A_81 : vector<1x16xf32> to vector<16xf32>
      %max3A_83 = arith.maximumf %get3A_43, %get3A_82 : vector<16xf32>
      %add3A_84 = arith.constant 1 : i32
      %add3A_85 = arith.addi %mul3A_32, %add3A_84 : i32
      %get3A_86 = arith.index_cast %add3A_85 : i32 to index
      %get3A_87 = arith.constant 48 : index
      %get3A_88 = tpu.vector_load %arg6[%get3A_86, %get3A_87] {strides = array<i32>} : memref<80x128xf32, #tpu.memory_space<vmem>>, vector<1x16xf32>,
      %get3A_89 = vector.shape_cast %get3A_88 : vector<1x16xf32> to vector<16xf32>
      %max3A_90 = arith.maximumf %get3A_47, %get3A_89 : vector<16xf32>
      %add3A_91 = arith.constant 1 : i32
      %add3A_92 = arith.addi %mul3A_32, %add3A_91 : i32
      %get3A_93 = arith.index_cast %add3A_92 : i32 to index
      %get3A_94 = arith.constant 64 : index
      %get3A_95 = tpu.vector_load %arg6[%get3A_93, %get3A_94] {strides = array<i32>} : memref<80x128xf32, #tpu.memory_space<vmem>>, vector<1x16xf32>,
      %get3A_96 = vector.shape_cast %get3A_95 : vector<1x16xf32> to vector<16xf32>
      %max3A_97 = arith.maximumf %get3A_51, %get3A_96 : vector<16xf32>
      %add3A_98 = arith.constant 1 : i32
      %add3A_99 = arith.addi %mul3A_32, %add3A_98 : i32
      %get3A_100 = arith.index_cast %add3A_99 : i32 to index
      %get3A_101 = arith.constant 80 : index
      %get3A_102 = tpu.vector_load %arg6[%get3A_100, %get3A_101] {strides = array<i32>} : memref<80x128xf32, #tpu.memory_space<vmem>>, vector<1x16xf32>,
      %get3A_103 = vector.shape_cast %get3A_102 : vector<1x16xf32> to vector<16xf32>
      %max3A_104 = arith.maximumf %get3A_55, %get3A_103 : vector<16xf32>
      %add3A_105 = arith.constant 1 : i32
      %add3A_106 = arith.addi %mul3A_32, %add3A_105 : i32
      %get3A_107 = arith.index_cast %add3A_106 : i32 to index
      %get3A_108 = arith.constant 96 : index
      %get3A_109 = tpu.vector_load %arg6[%get3A_107, %get3A_108] {strides = array<i32>} : memref<80x128xf32, #tpu.memory_space<vmem>>, vector<1x16xf32>,
      %get3A_110 = vector.shape_cast %get3A_109 : vector<1x16xf32> to vector<16xf32>
      %max3A_111 = arith.maximumf %get3A_59, %get3A_110 : vector<16xf32>
      %add3A_112 = arith.constant 1 : i32
      %add3A_113 = arith.addi %mul3A_32, %add3A_112 : i32
      %get3A_114 = arith.index_cast %add3A_113 : i32 to index
      %get3A_115 = arith.constant 112 : index
      %get3A_116 = tpu.vector_load %arg6[%get3A_114, %get3A_115] {strides = array<i32>} : memref<80x128xf32, #tpu.memory_space<vmem>>, vector<1x16xf32>,
      %get3A_117 = vector.shape_cast %get3A_116 : vector<1x16xf32> to vector<16xf32>
      %max3A_118 = arith.maximumf %get3A_63, %get3A_117 : vector<16xf32>
      %add3A_119 = arith.constant 2 : i32
      %add3A_120 = arith.addi %mul3A_32, %add3A_119 : i32
      %get3A_121 = arith.index_cast %add3A_120 : i32 to index
      %get3A_122 = arith.constant 0 : index
      %get3A_123 = tpu.vector_load %arg6[%get3A_121, %get3A_122] {strides = array<i32>} : memref<80x128xf32, #tpu.memory_space<vmem>>, vector<1x16xf32>,
      %get3A_124 = vector.shape_cast %get3A_123 : vector<1x16xf32> to vector<16xf32>
      %max3A_125 = arith.maximumf %max3A, %get3A_124 : vector<16xf32>
      %add3A_126 = arith.constant 2 : i32
      %add3A_127 = arith.addi %mul3A_32, %add3A_126 : i32
      %get3A_128 = arith.index_cast %add3A_127 : i32 to index
      %get3A_129 = arith.constant 16 : index
      %get3A_130 = tpu.vector_load %arg6[%get3A_128, %get3A_129] {strides = array<i32>} : memref<80x128xf32, #tpu.memory_space<vmem>>, vector<1x16xf32>,
      %get3A_131 = vector.shape_cast %get3A_130 : vector<1x16xf32> to vector<16xf32>
      %max3A_132 = arith.maximumf %max3A_76, %get3A_131 : vector<16xf32>
      %add3A_133 = arith.constant 2 : i32
      %add3A_134 = arith.addi %mul3A_32, %add3A_133 : i32
      %get3A_135 = arith.index_cast %add3A_134 : i32 to index
      %get3A_136 = arith.constant 32 : index
      %get3A_137 = tpu.vector_load %arg6[%get3A_135, %get3A_136] {strides = array<i32>} : memref<80x128xf32, #tpu.memory_space<vmem>>, vector<1x16xf32>,
      %get3A_138 = vector.shape_cast %get3A_137 : vector<1x16xf32> to vector<16xf32>
      %max3A_139 = arith.maximumf %max3A_83, %get3A_138 : vector<16xf32>
      %add3A_140 = arith.constant 2 : i32
      %add3A_141 = arith.addi %mul3A_32, %add3A_140 : i32
      %get3A_142 = arith.index_cast %add3A_141 : i32 to index
      %get3A_143 = arith.constant 48 : index
      %get3A_144 = tpu.vector_load %arg6[%get3A_142, %get3A_143] {strides = array<i32>} : memref<80x128xf32, #tpu.memory_space<vmem>>, vector<1x16xf32>,
      %get3A_145 = vector.shape_cast %get3A_144 : vector<1x16xf32> to vector<16xf32>
      %max3A_146 = arith.maximumf %max3A_90, %get3A_145 : vector<16xf32>
      %add3A_147 = arith.constant 2 : i32
      %add3A_148 = arith.addi %mul3A_32, %add3A_147 : i32
      %get3A_149 = arith.index_cast %add3A_148 : i32 to index
      %get3A_150 = arith.constant 64 : index
      %get3A_151 = tpu.vector_load %arg6[%get3A_149, %get3A_150] {strides = array<i32>} : memref<80x128xf32, #tpu.memory_space<vmem>>, vector<1x16xf32>,
      %get3A_152 = vector.shape_cast %get3A_151 : vector<1x16xf32> to vector<16xf32>
      %max3A_153 = arith.maximumf %max3A_97, %get3A_152 : vector<16xf32>
      %add3A_154 = arith.constant 2 : i32
      %add3A_155 = arith.addi %mul3A_32, %add3A_154 : i32
      %get3A_156 = arith.index_cast %add3A_155 : i32 to index
      %get3A_157 = arith.constant 80 : index
      %get3A_158 = tpu.vector_load %arg6[%get3A_156, %get3A_157] {strides = array<i32>} : memref<80x128xf32, #tpu.memory_space<vmem>>, vector<1x16xf32>,
      %get3A_159 = vector.shape_cast %get3A_158 : vector<1x16xf32> to vector<16xf32>
      %max3A_160 = arith.maximumf %max3A_104, %get3A_159 : vector<16xf32>
      %add3A_161 = arith.constant 2 : i32
      %add3A_162 = arith.addi %mul3A_32, %add3A_161 : i32
      %get3A_163 = arith.index_cast %add3A_162 : i32 to index
      %get3A_164 = arith.constant 96 : index
      %get3A_165 = tpu.vector_load %arg6[%get3A_163, %get3A_164] {strides = array<i32>} : memref<80x128xf32, #tpu.memory_space<vmem>>, vector<1x16xf32>,
      %get3A_166 = vector.shape_cast %get3A_165 : vector<1x16xf32> to vector<16xf32>
      %max3A_167 = arith.maximumf %max3A_111, %get3A_166 : vector<16xf32>
      %add3A_168 = arith.constant 2 : i32
      %add3A_169 = arith.addi %mul3A_32, %add3A_168 : i32
      %get3A_170 = arith.index_cast %add3A_169 : i32 to index
      %get3A_171 = arith.constant 112 : index
      %get3A_172 = tpu.vector_load %arg6[%get3A_170, %get3A_171] {strides = array<i32>} : memref<80x128xf32, #tpu.memory_space<vmem>>, vector<1x16xf32>,
      %get3A_173 = vector.shape_cast %get3A_172 : vector<1x16xf32> to vector<16xf32>
      %max3A_174 = arith.maximumf %max3A_118, %get3A_173 : vector<16xf32>
      %add3A_175 = arith.constant 3 : i32
      %add3A_176 = arith.addi %mul3A_32, %add3A_175 : i32
      %get3A_177 = arith.index_cast %add3A_176 : i32 to index
      %get3A_178 = arith.constant 0 : index
      %get3A_179 = tpu.vector_load %arg6[%get3A_177, %get3A_178] {strides = array<i32>} : memref<80x128xf32, #tpu.memory_space<vmem>>, vector<1x16xf32>,
      %get3A_180 = vector.shape_cast %get3A_179 : vector<1x16xf32> to vector<16xf32>
      %max3A_181 = arith.maximumf %max3A_125, %get3A_180 : vector<16xf32>
      %add3A_182 = arith.constant 3 : i32
      %add3A_183 = arith.addi %mul3A_32, %add3A_182 : i32
      %get3A_184 = arith.index_cast %add3A_183 : i32 to index
      %get3A_185 = arith.constant 16 : index
      %get3A_186 = tpu.vector_load %arg6[%get3A_184, %get3A_185] {strides = array<i32>} : memref<80x128xf32, #tpu.memory_space<vmem>>, vector<1x16xf32>,
      %get3A_187 = vector.shape_cast %get3A_186 : vector<1x16xf32> to vector<16xf32>
      %max3A_188 = arith.maximumf %max3A_132, %get3A_187 : vector<16xf32>
      %add3A_189 = arith.constant 3 : i32
      %add3A_190 = arith.addi %mul3A_32, %add3A_189 : i32
      %get3A_191 = arith.index_cast %add3A_190 : i32 to index
      %get3A_192 = arith.constant 32 : index
      %get3A_193 = tpu.vector_load %arg6[%get3A_191, %get3A_192] {strides = array<i32>} : memref<80x128xf32, #tpu.memory_space<vmem>>, vector<1x16xf32>,
      %get3A_194 = vector.shape_cast %get3A_193 : vector<1x16xf32> to vector<16xf32>
      %max3A_195 = arith.maximumf %max3A_139, %get3A_194 : vector<16xf32>
      %add3A_196 = arith.constant 3 : i32
      %add3A_197 = arith.addi %mul3A_32, %add3A_196 : i32
      %get3A_198 = arith.index_cast %add3A_197 : i32 to index
      %get3A_199 = arith.constant 48 : index
      %get3A_200 = tpu.vector_load %arg6[%get3A_198, %get3A_199] {strides = array<i32>} : memref<80x128xf32, #tpu.memory_space<vmem>>, vector<1x16xf32>,
      %get3A_201 = vector.shape_cast %get3A_200 : vector<1x16xf32> to vector<16xf32>
      %max3A_202 = arith.maximumf %max3A_146, %get3A_201 : vector<16xf32>
      %add3A_203 = arith.constant 3 : i32
      %add3A_204 = arith.addi %mul3A_32, %add3A_203 : i32
      %get3A_205 = arith.index_cast %add3A_204 : i32 to index
      %get3A_206 = arith.constant 64 : index
      %get3A_207 = tpu.vector_load %arg6[%get3A_205, %get3A_206] {strides = array<i32>} : memref<80x128xf32, #tpu.memory_space<vmem>>, vector<1x16xf32>,
      %get3A_208 = vector.shape_cast %get3A_207 : vector<1x16xf32> to vector<16xf32>
      %max3A_209 = arith.maximumf %max3A_153, %get3A_208 : vector<16xf32>
      %add3A_210 = arith.constant 3 : i32
      %add3A_211 = arith.addi %mul3A_32, %add3A_210 : i32
      %get3A_212 = arith.index_cast %add3A_211 : i32 to index
      %get3A_213 = arith.constant 80 : index
      %get3A_214 = tpu.vector_load %arg6[%get3A_212, %get3A_213] {strides = array<i32>} : memref<80x128xf32, #tpu.memory_space<vmem>>, vector<1x16xf32>,
      %get3A_215 = vector.shape_cast %get3A_214 : vector<1x16xf32> to vector<16xf32>
      %max3A_216 = arith.maximumf %max3A_160, %get3A_215 : vector<16xf32>
      %add3A_217 = arith.constant 3 : i32
      %add3A_218 = arith.addi %mul3A_32, %add3A_217 : i32
      %get3A_219 = arith.index_cast %add3A_218 : i32 to index
      %get3A_220 = arith.constant 96 : index
      %get3A_221 = tpu.vector_load %arg6[%get3A_219, %get3A_220] {strides = array<i32>} : memref<80x128xf32, #tpu.memory_space<vmem>>, vector<1x16xf32>,
      %get3A_222 = vector.shape_cast %get3A_221 : vector<1x16xf32> to vector<16xf32>
      %max3A_223 = arith.maximumf %max3A_167, %get3A_222 : vector<16xf32>
      %add3A_224 = arith.constant 3 : i32
      %add3A_225 = arith.addi %mul3A_32, %add3A_224 : i32
      %get3A_226 = arith.index_cast %add3A_225 : i32 to index
      %get3A_227 = arith.constant 112 : index
      %get3A_228 = tpu.vector_load %arg6[%get3A_226, %get3A_227] {strides = array<i32>} : memref<80x128xf32, #tpu.memory_space<vmem>>, vector<1x16xf32>,
      %get3A_229 = vector.shape_cast %get3A_228 : vector<1x16xf32> to vector<16xf32>
      %max3A_230 = arith.maximumf %max3A_174, %get3A_229 : vector<16xf32>
      %add3A_231 = arith.constant 4 : i32
      %add3A_232 = arith.addi %mul3A_32, %add3A_231 : i32
      %get3A_233 = arith.index_cast %add3A_232 : i32 to index
      %get3A_234 = arith.constant 0 : index
      %get3A_235 = tpu.vector_load %arg6[%get3A_233, %get3A_234] {strides = array<i32>} : memref<80x128xf32, #tpu.memory_space<vmem>>, vector<1x16xf32>,
      %get3A_236 = vector.shape_cast %get3A_235 : vector<1x16xf32> to vector<16xf32>
      %max3A_237 = arith.maximumf %max3A_181, %get3A_236 : vector<16xf32>
      %add3A_238 = arith.constant 4 : i32
      %add3A_239 = arith.addi %mul3A_32, %add3A_238 : i32
      %get3A_240 = arith.index_cast %add3A_239 : i32 to index
      %get3A_241 = arith.constant 16 : index
      %get3A_242 = tpu.vector_load %arg6[%get3A_240, %get3A_241] {strides = array<i32>} : memref<80x128xf32, #tpu.memory_space<vmem>>, vector<1x16xf32>,
      %get3A_243 = vector.shape_cast %get3A_242 : vector<1x16xf32> to vector<16xf32>
      %max3A_244 = arith.maximumf %max3A_188, %get3A_243 : vector<16xf32>
      %add3A_245 = arith.constant 4 : i32
      %add3A_246 = arith.addi %mul3A_32, %add3A_245 : i32
      %get3A_247 = arith.index_cast %add3A_246 : i32 to index
      %get3A_248 = arith.constant 32 : index
      %get3A_249 = tpu.vector_load %arg6[%get3A_247, %get3A_248] {strides = array<i32>} : memref<80x128xf32, #tpu.memory_space<vmem>>, vector<1x16xf32>,
      %get3A_250 = vector.shape_cast %get3A_249 : vector<1x16xf32> to vector<16xf32>
      %max3A_251 = arith.maximumf %max3A_195, %get3A_250 : vector<16xf32>
      %add3A_252 = arith.constant 4 : i32
      %add3A_253 = arith.addi %mul3A_32, %add3A_252 : i32
      %get3A_254 = arith.index_cast %add3A_253 : i32 to index
      %get3A_255 = arith.constant 48 : index
      %get3A_256 = tpu.vector_load %arg6[%get3A_254, %get3A_255] {strides = array<i32>} : memref<80x128xf32, #tpu.memory_space<vmem>>, vector<1x16xf32>,
      %get3A_257 = vector.shape_cast %get3A_256 : vector<1x16xf32> to vector<16xf32>
      %max3A_258 = arith.maximumf %max3A_202, %get3A_257 : vector<16xf32>
      %add3A_259 = arith.constant 4 : i32
      %add3A_260 = arith.addi %mul3A_32, %add3A_259 : i32
      %get3A_261 = arith.index_cast %add3A_260 : i32 to index
      %get3A_262 = arith.constant 64 : index
      %get3A_263 = tpu.vector_load %arg6[%get3A_261, %get3A_262] {strides = array<i32>} : memref<80x128xf32, #tpu.memory_space<vmem>>, vector<1x16xf32>,
      %get3A_264 = vector.shape_cast %get3A_263 : vector<1x16xf32> to vector<16xf32>
      %max3A_265 = arith.maximumf %max3A_209, %get3A_264 : vector<16xf32>
      %add3A_266 = arith.constant 4 : i32
      %add3A_267 = arith.addi %mul3A_32, %add3A_266 : i32
      %get3A_268 = arith.index_cast %add3A_267 : i32 to index
      %get3A_269 = arith.constant 80 : index
      %get3A_270 = tpu.vector_load %arg6[%get3A_268, %get3A_269] {strides = array<i32>} : memref<80x128xf32, #tpu.memory_space<vmem>>, vector<1x16xf32>,
      %get3A_271 = vector.shape_cast %get3A_270 : vector<1x16xf32> to vector<16xf32>
      %max3A_272 = arith.maximumf %max3A_216, %get3A_271 : vector<16xf32>
      %add3A_273 = arith.constant 4 : i32
      %add3A_274 = arith.addi %mul3A_32, %add3A_273 : i32
      %get3A_275 = arith.index_cast %add3A_274 : i32 to index
      %get3A_276 = arith.constant 96 : index
      %get3A_277 = tpu.vector_load %arg6[%get3A_275, %get3A_276] {strides = array<i32>} : memref<80x128xf32, #tpu.memory_space<vmem>>, vector<1x16xf32>,
      %get3A_278 = vector.shape_cast %get3A_277 : vector<1x16xf32> to vector<16xf32>
      %max3A_279 = arith.maximumf %max3A_223, %get3A_278 : vector<16xf32>
      %add3A_280 = arith.constant 4 : i32
      %add3A_281 = arith.addi %mul3A_32, %add3A_280 : i32
      %get3A_282 = arith.index_cast %add3A_281 : i32 to index
      %get3A_283 = arith.constant 112 : index
      %get3A_284 = tpu.vector_load %arg6[%get3A_282, %get3A_283] {strides = array<i32>} : memref<80x128xf32, #tpu.memory_space<vmem>>, vector<1x16xf32>,
      %get3A_285 = vector.shape_cast %get3A_284 : vector<1x16xf32> to vector<16xf32>
      %max3A_286 = arith.maximumf %max3A_230, %get3A_285 : vector<16xf32>
      %add3A_287 = arith.constant 5 : i32
      %add3A_288 = arith.addi %mul3A_32, %add3A_287 : i32
      %get3A_289 = arith.index_cast %add3A_288 : i32 to index
      %get3A_290 = arith.constant 0 : index
      %get3A_291 = tpu.vector_load %arg6[%get3A_289, %get3A_290] {strides = array<i32>} : memref<80x128xf32, #tpu.memory_space<vmem>>, vector<1x16xf32>,
      %get3A_292 = vector.shape_cast %get3A_291 : vector<1x16xf32> to vector<16xf32>
      %max3A_293 = arith.maximumf %max3A_237, %get3A_292 : vector<16xf32>
      %add3A_294 = arith.constant 5 : i32
      %add3A_295 = arith.addi %mul3A_32, %add3A_294 : i32
      %get3A_296 = arith.index_cast %add3A_295 : i32 to index
      %get3A_297 = arith.constant 16 : index
      %get3A_298 = tpu.vector_load %arg6[%get3A_296, %get3A_297] {strides = array<i32>} : memref<80x128xf32, #tpu.memory_space<vmem>>, vector<1x16xf32>,
      %get3A_299 = vector.shape_cast %get3A_298 : vector<1x16xf32> to vector<16xf32>
      %max3A_300 = arith.maximumf %max3A_244, %get3A_299 : vector<16xf32>
      %add3A_301 = arith.constant 5 : i32
      %add3A_302 = arith.addi %mul3A_32, %add3A_301 : i32
      %get3A_303 = arith.index_cast %add3A_302 : i32 to index
      %get3A_304 = arith.constant 32 : index
      %get3A_305 = tpu.vector_load %arg6[%get3A_303, %get3A_304] {strides = array<i32>} : memref<80x128xf32, #tpu.memory_space<vmem>>, vector<1x16xf32>,
      %get3A_306 = vector.shape_cast %get3A_305 : vector<1x16xf32> to vector<16xf32>
      %max3A_307 = arith.maximumf %max3A_251, %get3A_306 : vector<16xf32>
      %add3A_308 = arith.constant 5 : i32
      %add3A_309 = arith.addi %mul3A_32, %add3A_308 : i32
      %get3A_310 = arith.index_cast %add3A_309 : i32 to index
      %get3A_311 = arith.constant 48 : index
      %get3A_312 = tpu.vector_load %arg6[%get3A_310, %get3A_311] {strides = array<i32>} : memref<80x128xf32, #tpu.memory_space<vmem>>, vector<1x16xf32>,
      %get3A_313 = vector.shape_cast %get3A_312 : vector<1x16xf32> to vector<16xf32>
      %max3A_314 = arith.maximumf %max3A_258, %get3A_313 : vector<16xf32>
      %add3A_315 = arith.constant 5 : i32
      %add3A_316 = arith.addi %mul3A_32, %add3A_315 : i32
      %get3A_317 = arith.index_cast %add3A_316 : i32 to index
      %get3A_318 = arith.constant 64 : index
      %get3A_319 = tpu.vector_load %arg6[%get3A_317, %get3A_318] {strides = array<i32>} : memref<80x128xf32, #tpu.memory_space<vmem>>, vector<1x16xf32>,
      %get3A_320 = vector.shape_cast %get3A_319 : vector<1x16xf32> to vector<16xf32>
      %max3A_321 = arith.maximumf %max3A_265, %get3A_320 : vector<16xf32>
      %add3A_322 = arith.constant 5 : i32
      %add3A_323 = arith.addi %mul3A_32, %add3A_322 : i32
      %get3A_324 = arith.index_cast %add3A_323 : i32 to index
      %get3A_325 = arith.constant 80 : index
      %get3A_326 = tpu.vector_load %arg6[%get3A_324, %get3A_325] {strides = array<i32>} : memref<80x128xf32, #tpu.memory_space<vmem>>, vector<1x16xf32>,
      %get3A_327 = vector.shape_cast %get3A_326 : vector<1x16xf32> to vector<16xf32>
      %max3A_328 = arith.maximumf %max3A_272, %get3A_327 : vector<16xf32>
      %add3A_329 = arith.constant 5 : i32
      %add3A_330 = arith.addi %mul3A_32, %add3A_329 : i32
      %get3A_331 = arith.index_cast %add3A_330 : i32 to index
      %get3A_332 = arith.constant 96 : index
      %get3A_333 = tpu.vector_load %arg6[%get3A_331, %get3A_332] {strides = array<i32>} : memref<80x128xf32, #tpu.memory_space<vmem>>, vector<1x16xf32>,
      %get3A_334 = vector.shape_cast %get3A_333 : vector<1x16xf32> to vector<16xf32>
      %max3A_335 = arith.maximumf %max3A_279, %get3A_334 : vector<16xf32>
      %add3A_336 = arith.constant 5 : i32
      %add3A_337 = arith.addi %mul3A_32, %add3A_336 : i32
      %get3A_338 = arith.index_cast %add3A_337 : i32 to index
      %get3A_339 = arith.constant 112 : index
      %get3A_340 = tpu.vector_load %arg6[%get3A_338, %get3A_339] {strides = array<i32>} : memref<80x128xf32, #tpu.memory_space<vmem>>, vector<1x16xf32>,
      %get3A_341 = vector.shape_cast %get3A_340 : vector<1x16xf32> to vector<16xf32>
      %max3A_342 = arith.maximumf %max3A_286, %get3A_341 : vector<16xf32>
      %add3A_343 = arith.constant 6 : i32
      %add3A_344 = arith.addi %mul3A_32, %add3A_343 : i32
      %get3A_345 = arith.index_cast %add3A_344 : i32 to index
      %get3A_346 = arith.constant 0 : index
      %get3A_347 = tpu.vector_load %arg6[%get3A_345, %get3A_346] {strides = array<i32>} : memref<80x128xf32, #tpu.memory_space<vmem>>, vector<1x16xf32>,
      %get3A_348 = vector.shape_cast %get3A_347 : vector<1x16xf32> to vector<16xf32>
      %max3A_349 = arith.maximumf %max3A_293, %get3A_348 : vector<16xf32>
      %add3A_350 = arith.constant 6 : i32
      %add3A_351 = arith.addi %mul3A_32, %add3A_350 : i32
      %get3A_352 = arith.index_cast %add3A_351 : i32 to index
      %get3A_353 = arith.constant 16 : index
      %get3A_354 = tpu.vector_load %arg6[%get3A_352, %get3A_353] {strides = array<i32>} : memref<80x128xf32, #tpu.memory_space<vmem>>, vector<1x16xf32>,
      %get3A_355 = vector.shape_cast %get3A_354 : vector<1x16xf32> to vector<16xf32>
      %max3A_356 = arith.maximumf %max3A_300, %get3A_355 : vector<16xf32>
      %add3A_357 = arith.constant 6 : i32
      %add3A_358 = arith.addi %mul3A_32, %add3A_357 : i32
      %get3A_359 = arith.index_cast %add3A_358 : i32 to index
      %get3A_360 = arith.constant 32 : index
      %get3A_361 = tpu.vector_load %arg6[%get3A_359, %get3A_360] {strides = array<i32>} : memref<80x128xf32, #tpu.memory_space<vmem>>, vector<1x16xf32>,
      %get3A_362 = vector.shape_cast %get3A_361 : vector<1x16xf32> to vector<16xf32>
      %max3A_363 = arith.maximumf %max3A_307, %get3A_362 : vector<16xf32>
      %add3A_364 = arith.constant 6 : i32
      %add3A_365 = arith.addi %mul3A_32, %add3A_364 : i32
      %get3A_366 = arith.index_cast %add3A_365 : i32 to index
      %get3A_367 = arith.constant 48 : index
      %get3A_368 = tpu.vector_load %arg6[%get3A_366, %get3A_367] {strides = array<i32>} : memref<80x128xf32, #tpu.memory_space<vmem>>, vector<1x16xf32>,
      %get3A_369 = vector.shape_cast %get3A_368 : vector<1x16xf32> to vector<16xf32>
      %max3A_370 = arith.maximumf %max3A_314, %get3A_369 : vector<16xf32>
      %add3A_371 = arith.constant 6 : i32
      %add3A_372 = arith.addi %mul3A_32, %add3A_371 : i32
      %get3A_373 = arith.index_cast %add3A_372 : i32 to index
      %get3A_374 = arith.constant 64 : index
      %get3A_375 = tpu.vector_load %arg6[%get3A_373, %get3A_374] {strides = array<i32>} : memref<80x128xf32, #tpu.memory_space<vmem>>, vector<1x16xf32>,
      %get3A_376 = vector.shape_cast %get3A_375 : vector<1x16xf32> to vector<16xf32>
      %max3A_377 = arith.maximumf %max3A_321, %get3A_376 : vector<16xf32>
      %add3A_378 = arith.constant 6 : i32
      %add3A_379 = arith.addi %mul3A_32, %add3A_378 : i32
      %get3A_380 = arith.index_cast %add3A_379 : i32 to index
      %get3A_381 = arith.constant 80 : index
      %get3A_382 = tpu.vector_load %arg6[%get3A_380, %get3A_381] {strides = array<i32>} : memref<80x128xf32, #tpu.memory_space<vmem>>, vector<1x16xf32>,
      %get3A_383 = vector.shape_cast %get3A_382 : vector<1x16xf32> to vector<16xf32>
      %max3A_384 = arith.maximumf %max3A_328, %get3A_383 : vector<16xf32>
      %add3A_385 = arith.constant 6 : i32
      %add3A_386 = arith.addi %mul3A_32, %add3A_385 : i32
      %get3A_387 = arith.index_cast %add3A_386 : i32 to index
      %get3A_388 = arith.constant 96 : index
      %get3A_389 = tpu.vector_load %arg6[%get3A_387, %get3A_388] {strides = array<i32>} : memref<80x128xf32, #tpu.memory_space<vmem>>, vector<1x16xf32>,
      %get3A_390 = vector.shape_cast %get3A_389 : vector<1x16xf32> to vector<16xf32>
      %max3A_391 = arith.maximumf %max3A_335, %get3A_390 : vector<16xf32>
      %add3A_392 = arith.constant 6 : i32
      %add3A_393 = arith.addi %mul3A_32, %add3A_392 : i32
      %get3A_394 = arith.index_cast %add3A_393 : i32 to index
      %get3A_395 = arith.constant 112 : index
      %get3A_396 = tpu.vector_load %arg6[%get3A_394, %get3A_395] {strides = array<i32>} : memref<80x128xf32, #tpu.memory_space<vmem>>, vector<1x16xf32>,
      %get3A_397 = vector.shape_cast %get3A_396 : vector<1x16xf32> to vector<16xf32>
      %max3A_398 = arith.maximumf %max3A_342, %get3A_397 : vector<16xf32>
      %add3A_399 = arith.constant 7 : i32
      %add3A_400 = arith.addi %mul3A_32, %add3A_399 : i32
      %get3A_401 = arith.index_cast %add3A_400 : i32 to index
      %get3A_402 = arith.constant 0 : index
      %get3A_403 = tpu.vector_load %arg6[%get3A_401, %get3A_402] {strides = array<i32>} : memref<80x128xf32, #tpu.memory_space<vmem>>, vector<1x16xf32>,
      %get3A_404 = vector.shape_cast %get3A_403 : vector<1x16xf32> to vector<16xf32>
      %max3A_405 = arith.maximumf %max3A_349, %get3A_404 : vector<16xf32>
      %add3A_406 = arith.constant 7 : i32
      %add3A_407 = arith.addi %mul3A_32, %add3A_406 : i32
      %get3A_408 = arith.index_cast %add3A_407 : i32 to index
      %get3A_409 = arith.constant 16 : index
      %get3A_410 = tpu.vector_load %arg6[%get3A_408, %get3A_409] {strides = array<i32>} : memref<80x128xf32, #tpu.memory_space<vmem>>, vector<1x16xf32>,
      %get3A_411 = vector.shape_cast %get3A_410 : vector<1x16xf32> to vector<16xf32>
      %max3A_412 = arith.maximumf %max3A_356, %get3A_411 : vector<16xf32>
      %add3A_413 = arith.constant 7 : i32
      %add3A_414 = arith.addi %mul3A_32, %add3A_413 : i32
      %get3A_415 = arith.index_cast %add3A_414 : i32 to index
      %get3A_416 = arith.constant 32 : index
      %get3A_417 = tpu.vector_load %arg6[%get3A_415, %get3A_416] {strides = array<i32>} : memref<80x128xf32, #tpu.memory_space<vmem>>, vector<1x16xf32>,
      %get3A_418 = vector.shape_cast %get3A_417 : vector<1x16xf32> to vector<16xf32>
      %max3A_419 = arith.maximumf %max3A_363, %get3A_418 : vector<16xf32>
      %add3A_420 = arith.constant 7 : i32
      %add3A_421 = arith.addi %mul3A_32, %add3A_420 : i32
      %get3A_422 = arith.index_cast %add3A_421 : i32 to index
      %get3A_423 = arith.constant 48 : index
      %get3A_424 = tpu.vector_load %arg6[%get3A_422, %get3A_423] {strides = array<i32>} : memref<80x128xf32, #tpu.memory_space<vmem>>, vector<1x16xf32>,
      %get3A_425 = vector.shape_cast %get3A_424 : vector<1x16xf32> to vector<16xf32>
      %max3A_426 = arith.maximumf %max3A_370, %get3A_425 : vector<16xf32>
      %add3A_427 = arith.constant 7 : i32
      %add3A_428 = arith.addi %mul3A_32, %add3A_427 : i32
      %get3A_429 = arith.index_cast %add3A_428 : i32 to index
      %get3A_430 = arith.constant 64 : index
      %get3A_431 = tpu.vector_load %arg6[%get3A_429, %get3A_430] {strides = array<i32>} : memref<80x128xf32, #tpu.memory_space<vmem>>, vector<1x16xf32>,
      %get3A_432 = vector.shape_cast %get3A_431 : vector<1x16xf32> to vector<16xf32>
      %max3A_433 = arith.maximumf %max3A_377, %get3A_432 : vector<16xf32>
      %add3A_434 = arith.constant 7 : i32
      %add3A_435 = arith.addi %mul3A_32, %add3A_434 : i32
      %get3A_436 = arith.index_cast %add3A_435 : i32 to index
      %get3A_437 = arith.constant 80 : index
      %get3A_438 = tpu.vector_load %arg6[%get3A_436, %get3A_437] {strides = array<i32>} : memref<80x128xf32, #tpu.memory_space<vmem>>, vector<1x16xf32>,
      %get3A_439 = vector.shape_cast %get3A_438 : vector<1x16xf32> to vector<16xf32>
      %max3A_440 = arith.maximumf %max3A_384, %get3A_439 : vector<16xf32>
      %add3A_441 = arith.constant 7 : i32
      %add3A_442 = arith.addi %mul3A_32, %add3A_441 : i32
      %get3A_443 = arith.index_cast %add3A_442 : i32 to index
      %get3A_444 = arith.constant 96 : index
      %get3A_445 = tpu.vector_load %arg6[%get3A_443, %get3A_444] {strides = array<i32>} : memref<80x128xf32, #tpu.memory_space<vmem>>, vector<1x16xf32>,
      %get3A_446 = vector.shape_cast %get3A_445 : vector<1x16xf32> to vector<16xf32>
      %max3A_447 = arith.maximumf %max3A_391, %get3A_446 : vector<16xf32>
      %add3A_448 = arith.constant 7 : i32
      %add3A_449 = arith.addi %mul3A_32, %add3A_448 : i32
      %get3A_450 = arith.index_cast %add3A_449 : i32 to index
      %get3A_451 = arith.constant 112 : index
      %get3A_452 = tpu.vector_load %arg6[%get3A_450, %get3A_451] {strides = array<i32>} : memref<80x128xf32, #tpu.memory_space<vmem>>, vector<1x16xf32>,
      %get3A_453 = vector.shape_cast %get3A_452 : vector<1x16xf32> to vector<16xf32>
      %max3A_454 = arith.maximumf %max3A_398, %get3A_453 : vector<16xf32>
      %add3A_455 = arith.constant 8 : i32
      %add3A_456 = arith.addi %mul3A_32, %add3A_455 : i32
      %get3A_457 = arith.index_cast %add3A_456 : i32 to index
      %get3A_458 = arith.constant 0 : index
      %get3A_459 = tpu.vector_load %arg6[%get3A_457, %get3A_458] {strides = array<i32>} : memref<80x128xf32, #tpu.memory_space<vmem>>, vector<1x16xf32>,
      %get3A_460 = vector.shape_cast %get3A_459 : vector<1x16xf32> to vector<16xf32>
      %max3A_461 = arith.maximumf %max3A_405, %get3A_460 : vector<16xf32>
      %add3A_462 = arith.constant 8 : i32
      %add3A_463 = arith.addi %mul3A_32, %add3A_462 : i32
      %get3A_464 = arith.index_cast %add3A_463 : i32 to index
      %get3A_465 = arith.constant 16 : index
      %get3A_466 = tpu.vector_load %arg6[%get3A_464, %get3A_465] {strides = array<i32>} : memref<80x128xf32, #tpu.memory_space<vmem>>, vector<1x16xf32>,
      %get3A_467 = vector.shape_cast %get3A_466 : vector<1x16xf32> to vector<16xf32>
      %max3A_468 = arith.maximumf %max3A_412, %get3A_467 : vector<16xf32>
      %add3A_469 = arith.constant 8 : i32
      %add3A_470 = arith.addi %mul3A_32, %add3A_469 : i32
      %get3A_471 = arith.index_cast %add3A_470 : i32 to index
      %get3A_472 = arith.constant 32 : index
      %get3A_473 = tpu.vector_load %arg6[%get3A_471, %get3A_472] {strides = array<i32>} : memref<80x128xf32, #tpu.memory_space<vmem>>, vector<1x16xf32>,
      %get3A_474 = vector.shape_cast %get3A_473 : vector<1x16xf32> to vector<16xf32>
      %max3A_475 = arith.maximumf %max3A_419, %get3A_474 : vector<16xf32>
      %add3A_476 = arith.constant 8 : i32
      %add3A_477 = arith.addi %mul3A_32, %add3A_476 : i32
      %get3A_478 = arith.index_cast %add3A_477 : i32 to index
      %get3A_479 = arith.constant 48 : index
      %get3A_480 = tpu.vector_load %arg6[%get3A_478, %get3A_479] {strides = array<i32>} : memref<80x128xf32, #tpu.memory_space<vmem>>, vector<1x16xf32>,
      %get3A_481 = vector.shape_cast %get3A_480 : vector<1x16xf32> to vector<16xf32>
      %max3A_482 = arith.maximumf %max3A_426, %get3A_481 : vector<16xf32>
      %add3A_483 = arith.constant 8 : i32
      %add3A_484 = arith.addi %mul3A_32, %add3A_483 : i32
      %get3A_485 = arith.index_cast %add3A_484 : i32 to index
      %get3A_486 = arith.constant 64 : index
      %get3A_487 = tpu.vector_load %arg6[%get3A_485, %get3A_486] {strides = array<i32>} : memref<80x128xf32, #tpu.memory_space<vmem>>, vector<1x16xf32>,
      %get3A_488 = vector.shape_cast %get3A_487 : vector<1x16xf32> to vector<16xf32>
      %max3A_489 = arith.maximumf %max3A_433, %get3A_488 : vector<16xf32>
      %add3A_490 = arith.constant 8 : i32
      %add3A_491 = arith.addi %mul3A_32, %add3A_490 : i32
      %get3A_492 = arith.index_cast %add3A_491 : i32 to index
      %get3A_493 = arith.constant 80 : index
      %get3A_494 = tpu.vector_load %arg6[%get3A_492, %get3A_493] {strides = array<i32>} : memref<80x128xf32, #tpu.memory_space<vmem>>, vector<1x16xf32>,
      %get3A_495 = vector.shape_cast %get3A_494 : vector<1x16xf32> to vector<16xf32>
      %max3A_496 = arith.maximumf %max3A_440, %get3A_495 : vector<16xf32>
      %add3A_497 = arith.constant 8 : i32
      %add3A_498 = arith.addi %mul3A_32, %add3A_497 : i32
      %get3A_499 = arith.index_cast %add3A_498 : i32 to index
      %get3A_500 = arith.constant 96 : index
      %get3A_501 = tpu.vector_load %arg6[%get3A_499, %get3A_500] {strides = array<i32>} : memref<80x128xf32, #tpu.memory_space<vmem>>, vector<1x16xf32>,
      %get3A_502 = vector.shape_cast %get3A_501 : vector<1x16xf32> to vector<16xf32>
      %max3A_503 = arith.maximumf %max3A_447, %get3A_502 : vector<16xf32>
      %add3A_504 = arith.constant 8 : i32
      %add3A_505 = arith.addi %mul3A_32, %add3A_504 : i32
      %get3A_506 = arith.index_cast %add3A_505 : i32 to index
      %get3A_507 = arith.constant 112 : index
      %get3A_508 = tpu.vector_load %arg6[%get3A_506, %get3A_507] {strides = array<i32>} : memref<80x128xf32, #tpu.memory_space<vmem>>, vector<1x16xf32>,
      %get3A_509 = vector.shape_cast %get3A_508 : vector<1x16xf32> to vector<16xf32>
      %max3A_510 = arith.maximumf %max3A_454, %get3A_509 : vector<16xf32>
      %add3A_511 = arith.constant 9 : i32
      %add3A_512 = arith.addi %mul3A_32, %add3A_511 : i32
      %get3A_513 = arith.index_cast %add3A_512 : i32 to index
      %get3A_514 = arith.constant 0 : index
      %get3A_515 = tpu.vector_load %arg6[%get3A_513, %get3A_514] {strides = array<i32>} : memref<80x128xf32, #tpu.memory_space<vmem>>, vector<1x16xf32>,
      %get3A_516 = vector.shape_cast %get3A_515 : vector<1x16xf32> to vector<16xf32>
      %max3A_517 = arith.maximumf %max3A_461, %get3A_516 : vector<16xf32>
      %add3A_518 = arith.constant 9 : i32
      %add3A_519 = arith.addi %mul3A_32, %add3A_518 : i32
      %get3A_520 = arith.index_cast %add3A_519 : i32 to index
      %get3A_521 = arith.constant 16 : index
      %get3A_522 = tpu.vector_load %arg6[%get3A_520, %get3A_521] {strides = array<i32>} : memref<80x128xf32, #tpu.memory_space<vmem>>, vector<1x16xf32>,
      %get3A_523 = vector.shape_cast %get3A_522 : vector<1x16xf32> to vector<16xf32>
      %max3A_524 = arith.maximumf %max3A_468, %get3A_523 : vector<16xf32>
      %add3A_525 = arith.constant 9 : i32
      %add3A_526 = arith.addi %mul3A_32, %add3A_525 : i32
      %get3A_527 = arith.index_cast %add3A_526 : i32 to index
      %get3A_528 = arith.constant 32 : index
      %get3A_529 = tpu.vector_load %arg6[%get3A_527, %get3A_528] {strides = array<i32>} : memref<80x128xf32, #tpu.memory_space<vmem>>, vector<1x16xf32>,
      %get3A_530 = vector.shape_cast %get3A_529 : vector<1x16xf32> to vector<16xf32>
      %max3A_531 = arith.maximumf %max3A_475, %get3A_530 : vector<16xf32>
      %add3A_532 = arith.constant 9 : i32
      %add3A_533 = arith.addi %mul3A_32, %add3A_532 : i32
      %get3A_534 = arith.index_cast %add3A_533 : i32 to index
      %get3A_535 = arith.constant 48 : index
      %get3A_536 = tpu.vector_load %arg6[%get3A_534, %get3A_535] {strides = array<i32>} : memref<80x128xf32, #tpu.memory_space<vmem>>, vector<1x16xf32>,
      %get3A_537 = vector.shape_cast %get3A_536 : vector<1x16xf32> to vector<16xf32>
      %max3A_538 = arith.maximumf %max3A_482, %get3A_537 : vector<16xf32>
      %add3A_539 = arith.constant 9 : i32
      %add3A_540 = arith.addi %mul3A_32, %add3A_539 : i32
      %get3A_541 = arith.index_cast %add3A_540 : i32 to index
      %get3A_542 = arith.constant 64 : index
      %get3A_543 = tpu.vector_load %arg6[%get3A_541, %get3A_542] {strides = array<i32>} : memref<80x128xf32, #tpu.memory_space<vmem>>, vector<1x16xf32>,
      %get3A_544 = vector.shape_cast %get3A_543 : vector<1x16xf32> to vector<16xf32>
      %max3A_545 = arith.maximumf %max3A_489, %get3A_544 : vector<16xf32>
      %add3A_546 = arith.constant 9 : i32
      %add3A_547 = arith.addi %mul3A_32, %add3A_546 : i32
      %get3A_548 = arith.index_cast %add3A_547 : i32 to index
      %get3A_549 = arith.constant 80 : index
      %get3A_550 = tpu.vector_load %arg6[%get3A_548, %get3A_549] {strides = array<i32>} : memref<80x128xf32, #tpu.memory_space<vmem>>, vector<1x16xf32>,
      %get3A_551 = vector.shape_cast %get3A_550 : vector<1x16xf32> to vector<16xf32>
      %max3A_552 = arith.maximumf %max3A_496, %get3A_551 : vector<16xf32>
      %add3A_553 = arith.constant 9 : i32
      %add3A_554 = arith.addi %mul3A_32, %add3A_553 : i32
      %get3A_555 = arith.index_cast %add3A_554 : i32 to index
      %get3A_556 = arith.constant 96 : index
      %get3A_557 = tpu.vector_load %arg6[%get3A_555, %get3A_556] {strides = array<i32>} : memref<80x128xf32, #tpu.memory_space<vmem>>, vector<1x16xf32>,
      %get3A_558 = vector.shape_cast %get3A_557 : vector<1x16xf32> to vector<16xf32>
      %max3A_559 = arith.maximumf %max3A_503, %get3A_558 : vector<16xf32>
      %add3A_560 = arith.constant 9 : i32
      %add3A_561 = arith.addi %mul3A_32, %add3A_560 : i32
      %get3A_562 = arith.index_cast %add3A_561 : i32 to index
      %get3A_563 = arith.constant 112 : index
      %get3A_564 = tpu.vector_load %arg6[%get3A_562, %get3A_563] {strides = array<i32>} : memref<80x128xf32, #tpu.memory_space<vmem>>, vector<1x16xf32>,
      %get3A_565 = vector.shape_cast %get3A_564 : vector<1x16xf32> to vector<16xf32>
      %max3A_566 = arith.maximumf %max3A_510, %get3A_565 : vector<16xf32>
      %add3A_567 = arith.constant 10 : i32
      %add3A_568 = arith.addi %mul3A_32, %add3A_567 : i32
      %get3A_569 = arith.index_cast %add3A_568 : i32 to index
      %get3A_570 = arith.constant 0 : index
      %get3A_571 = tpu.vector_load %arg6[%get3A_569, %get3A_570] {strides = array<i32>} : memref<80x128xf32, #tpu.memory_space<vmem>>, vector<1x16xf32>,
      %get3A_572 = vector.shape_cast %get3A_571 : vector<1x16xf32> to vector<16xf32>
      %max3A_573 = arith.maximumf %max3A_517, %get3A_572 : vector<16xf32>
      %add3A_574 = arith.constant 10 : i32
      %add3A_575 = arith.addi %mul3A_32, %add3A_574 : i32
      %get3A_576 = arith.index_cast %add3A_575 : i32 to index
      %get3A_577 = arith.constant 16 : index
      %get3A_578 = tpu.vector_load %arg6[%get3A_576, %get3A_577] {strides = array<i32>} : memref<80x128xf32, #tpu.memory_space<vmem>>, vector<1x16xf32>,
      %get3A_579 = vector.shape_cast %get3A_578 : vector<1x16xf32> to vector<16xf32>
      %max3A_580 = arith.maximumf %max3A_524, %get3A_579 : vector<16xf32>
      %add3A_581 = arith.constant 10 : i32
      %add3A_582 = arith.addi %mul3A_32, %add3A_581 : i32
      %get3A_583 = arith.index_cast %add3A_582 : i32 to index
      %get3A_584 = arith.constant 32 : index
      %get3A_585 = tpu.vector_load %arg6[%get3A_583, %get3A_584] {strides = array<i32>} : memref<80x128xf32, #tpu.memory_space<vmem>>, vector<1x16xf32>,
      %get3A_586 = vector.shape_cast %get3A_585 : vector<1x16xf32> to vector<16xf32>
      %max3A_587 = arith.maximumf %max3A_531, %get3A_586 : vector<16xf32>
      %add3A_588 = arith.constant 10 : i32
      %add3A_589 = arith.addi %mul3A_32, %add3A_588 : i32
      %get3A_590 = arith.index_cast %add3A_589 : i32 to index
      %get3A_591 = arith.constant 48 : index
      %get3A_592 = tpu.vector_load %arg6[%get3A_590, %get3A_591] {strides = array<i32>} : memref<80x128xf32, #tpu.memory_space<vmem>>, vector<1x16xf32>,
      %get3A_593 = vector.shape_cast %get3A_592 : vector<1x16xf32> to vector<16xf32>
      %max3A_594 = arith.maximumf %max3A_538, %get3A_593 : vector<16xf32>
      %add3A_595 = arith.constant 10 : i32
      %add3A_596 = arith.addi %mul3A_32, %add3A_595 : i32
      %get3A_597 = arith.index_cast %add3A_596 : i32 to index
      %get3A_598 = arith.constant 64 : index
      %get3A_599 = tpu.vector_load %arg6[%get3A_597, %get3A_598] {strides = array<i32>} : memref<80x128xf32, #tpu.memory_space<vmem>>, vector<1x16xf32>,
      %get3A_600 = vector.shape_cast %get3A_599 : vector<1x16xf32> to vector<16xf32>
      %max3A_601 = arith.maximumf %max3A_545, %get3A_600 : vector<16xf32>
      %add3A_602 = arith.constant 10 : i32
      %add3A_603 = arith.addi %mul3A_32, %add3A_602 : i32
      %get3A_604 = arith.index_cast %add3A_603 : i32 to index
      %get3A_605 = arith.constant 80 : index
      %get3A_606 = tpu.vector_load %arg6[%get3A_604, %get3A_605] {strides = array<i32>} : memref<80x128xf32, #tpu.memory_space<vmem>>, vector<1x16xf32>,
      %get3A_607 = vector.shape_cast %get3A_606 : vector<1x16xf32> to vector<16xf32>
      %max3A_608 = arith.maximumf %max3A_552, %get3A_607 : vector<16xf32>
      %add3A_609 = arith.constant 10 : i32
      %add3A_610 = arith.addi %mul3A_32, %add3A_609 : i32
      %get3A_611 = arith.index_cast %add3A_610 : i32 to index
      %get3A_612 = arith.constant 96 : index
      %get3A_613 = tpu.vector_load %arg6[%get3A_611, %get3A_612] {strides = array<i32>} : memref<80x128xf32, #tpu.memory_space<vmem>>, vector<1x16xf32>,
      %get3A_614 = vector.shape_cast %get3A_613 : vector<1x16xf32> to vector<16xf32>
      %max3A_615 = arith.maximumf %max3A_559, %get3A_614 : vector<16xf32>
      %add3A_616 = arith.constant 10 : i32
      %add3A_617 = arith.addi %mul3A_32, %add3A_616 : i32
      %get3A_618 = arith.index_cast %add3A_617 : i32 to index
      %get3A_619 = arith.constant 112 : index
      %get3A_620 = tpu.vector_load %arg6[%get3A_618, %get3A_619] {strides = array<i32>} : memref<80x128xf32, #tpu.memory_space<vmem>>, vector<1x16xf32>,
      %get3A_621 = vector.shape_cast %get3A_620 : vector<1x16xf32> to vector<16xf32>
      %max3A_622 = arith.maximumf %max3A_566, %get3A_621 : vector<16xf32>
      %add3A_623 = arith.constant 11 : i32
      %add3A_624 = arith.addi %mul3A_32, %add3A_623 : i32
      %get3A_625 = arith.index_cast %add3A_624 : i32 to index
      %get3A_626 = arith.constant 0 : index
      %get3A_627 = tpu.vector_load %arg6[%get3A_625, %get3A_626] {strides = array<i32>} : memref<80x128xf32, #tpu.memory_space<vmem>>, vector<1x16xf32>,
      %get3A_628 = vector.shape_cast %get3A_627 : vector<1x16xf32> to vector<16xf32>
      %max3A_629 = arith.maximumf %max3A_573, %get3A_628 : vector<16xf32>
      %add3A_630 = arith.constant 11 : i32
      %add3A_631 = arith.addi %mul3A_32, %add3A_630 : i32
      %get3A_632 = arith.index_cast %add3A_631 : i32 to index
      %get3A_633 = arith.constant 16 : index
      %get3A_634 = tpu.vector_load %arg6[%get3A_632, %get3A_633] {strides = array<i32>} : memref<80x128xf32, #tpu.memory_space<vmem>>, vector<1x16xf32>,
      %get3A_635 = vector.shape_cast %get3A_634 : vector<1x16xf32> to vector<16xf32>
      %max3A_636 = arith.maximumf %max3A_580, %get3A_635 : vector<16xf32>
      %add3A_637 = arith.constant 11 : i32
      %add3A_638 = arith.addi %mul3A_32, %add3A_637 : i32
      %get3A_639 = arith.index_cast %add3A_638 : i32 to index
      %get3A_640 = arith.constant 32 : index
      %get3A_641 = tpu.vector_load %arg6[%get3A_639, %get3A_640] {strides = array<i32>} : memref<80x128xf32, #tpu.memory_space<vmem>>, vector<1x16xf32>,
      %get3A_642 = vector.shape_cast %get3A_641 : vector<1x16xf32> to vector<16xf32>
      %max3A_643 = arith.maximumf %max3A_587, %get3A_642 : vector<16xf32>
      %add3A_644 = arith.constant 11 : i32
      %add3A_645 = arith.addi %mul3A_32, %add3A_644 : i32
      %get3A_646 = arith.index_cast %add3A_645 : i32 to index
      %get3A_647 = arith.constant 48 : index
      %get3A_648 = tpu.vector_load %arg6[%get3A_646, %get3A_647] {strides = array<i32>} : memref<80x128xf32, #tpu.memory_space<vmem>>, vector<1x16xf32>,
      %get3A_649 = vector.shape_cast %get3A_648 : vector<1x16xf32> to vector<16xf32>
      %max3A_650 = arith.maximumf %max3A_594, %get3A_649 : vector<16xf32>
      %add3A_651 = arith.constant 11 : i32
      %add3A_652 = arith.addi %mul3A_32, %add3A_651 : i32
      %get3A_653 = arith.index_cast %add3A_652 : i32 to index
      %get3A_654 = arith.constant 64 : index
      %get3A_655 = tpu.vector_load %arg6[%get3A_653, %get3A_654] {strides = array<i32>} : memref<80x128xf32, #tpu.memory_space<vmem>>, vector<1x16xf32>,
      %get3A_656 = vector.shape_cast %get3A_655 : vector<1x16xf32> to vector<16xf32>
      %max3A_657 = arith.maximumf %max3A_601, %get3A_656 : vector<16xf32>
      %add3A_658 = arith.constant 11 : i32
      %add3A_659 = arith.addi %mul3A_32, %add3A_658 : i32
      %get3A_660 = arith.index_cast %add3A_659 : i32 to index
      %get3A_661 = arith.constant 80 : index
      %get3A_662 = tpu.vector_load %arg6[%get3A_660, %get3A_661] {strides = array<i32>} : memref<80x128xf32, #tpu.memory_space<vmem>>, vector<1x16xf32>,
      %get3A_663 = vector.shape_cast %get3A_662 : vector<1x16xf32> to vector<16xf32>
      %max3A_664 = arith.maximumf %max3A_608, %get3A_663 : vector<16xf32>
      %add3A_665 = arith.constant 11 : i32
      %add3A_666 = arith.addi %mul3A_32, %add3A_665 : i32
      %get3A_667 = arith.index_cast %add3A_666 : i32 to index
      %get3A_668 = arith.constant 96 : index
      %get3A_669 = tpu.vector_load %arg6[%get3A_667, %get3A_668] {strides = array<i32>} : memref<80x128xf32, #tpu.memory_space<vmem>>, vector<1x16xf32>,
      %get3A_670 = vector.shape_cast %get3A_669 : vector<1x16xf32> to vector<16xf32>
      %max3A_671 = arith.maximumf %max3A_615, %get3A_670 : vector<16xf32>
      %add3A_672 = arith.constant 11 : i32
      %add3A_673 = arith.addi %mul3A_32, %add3A_672 : i32
      %get3A_674 = arith.index_cast %add3A_673 : i32 to index
      %get3A_675 = arith.constant 112 : index
      %get3A_676 = tpu.vector_load %arg6[%get3A_674, %get3A_675] {strides = array<i32>} : memref<80x128xf32, #tpu.memory_space<vmem>>, vector<1x16xf32>,
      %get3A_677 = vector.shape_cast %get3A_676 : vector<1x16xf32> to vector<16xf32>
      %max3A_678 = arith.maximumf %max3A_622, %get3A_677 : vector<16xf32>
      %add3A_679 = arith.constant 12 : i32
      %add3A_680 = arith.addi %mul3A_32, %add3A_679 : i32
      %get3A_681 = arith.index_cast %add3A_680 : i32 to index
      %get3A_682 = arith.constant 0 : index
      %get3A_683 = tpu.vector_load %arg6[%get3A_681, %get3A_682] {strides = array<i32>} : memref<80x128xf32, #tpu.memory_space<vmem>>, vector<1x16xf32>,
      %get3A_684 = vector.shape_cast %get3A_683 : vector<1x16xf32> to vector<16xf32>
      %max3A_685 = arith.maximumf %max3A_629, %get3A_684 : vector<16xf32>
      %add3A_686 = arith.constant 12 : i32
      %add3A_687 = arith.addi %mul3A_32, %add3A_686 : i32
      %get3A_688 = arith.index_cast %add3A_687 : i32 to index
      %get3A_689 = arith.constant 16 : index
      %get3A_690 = tpu.vector_load %arg6[%get3A_688, %get3A_689] {strides = array<i32>} : memref<80x128xf32, #tpu.memory_space<vmem>>, vector<1x16xf32>,
      %get3A_691 = vector.shape_cast %get3A_690 : vector<1x16xf32> to vector<16xf32>
      %max3A_692 = arith.maximumf %max3A_636, %get3A_691 : vector<16xf32>
      %add3A_693 = arith.constant 12 : i32
      %add3A_694 = arith.addi %mul3A_32, %add3A_693 : i32
      %get3A_695 = arith.index_cast %add3A_694 : i32 to index
      %get3A_696 = arith.constant 32 : index
      %get3A_697 = tpu.vector_load %arg6[%get3A_695, %get3A_696] {strides = array<i32>} : memref<80x128xf32, #tpu.memory_space<vmem>>, vector<1x16xf32>,
      %get3A_698 = vector.shape_cast %get3A_697 : vector<1x16xf32> to vector<16xf32>
      %max3A_699 = arith.maximumf %max3A_643, %get3A_698 : vector<16xf32>
      %add3A_700 = arith.constant 12 : i32
      %add3A_701 = arith.addi %mul3A_32, %add3A_700 : i32
      %get3A_702 = arith.index_cast %add3A_701 : i32 to index
      %get3A_703 = arith.constant 48 : index
      %get3A_704 = tpu.vector_load %arg6[%get3A_702, %get3A_703] {strides = array<i32>} : memref<80x128xf32, #tpu.memory_space<vmem>>, vector<1x16xf32>,
      %get3A_705 = vector.shape_cast %get3A_704 : vector<1x16xf32> to vector<16xf32>
      %max3A_706 = arith.maximumf %max3A_650, %get3A_705 : vector<16xf32>
      %add3A_707 = arith.constant 12 : i32
      %add3A_708 = arith.addi %mul3A_32, %add3A_707 : i32
      %get3A_709 = arith.index_cast %add3A_708 : i32 to index
      %get3A_710 = arith.constant 64 : index
      %get3A_711 = tpu.vector_load %arg6[%get3A_709, %get3A_710] {strides = array<i32>} : memref<80x128xf32, #tpu.memory_space<vmem>>, vector<1x16xf32>,
      %get3A_712 = vector.shape_cast %get3A_711 : vector<1x16xf32> to vector<16xf32>
      %max3A_713 = arith.maximumf %max3A_657, %get3A_712 : vector<16xf32>
      %add3A_714 = arith.constant 12 : i32
      %add3A_715 = arith.addi %mul3A_32, %add3A_714 : i32
      %get3A_716 = arith.index_cast %add3A_715 : i32 to index
      %get3A_717 = arith.constant 80 : index
      %get3A_718 = tpu.vector_load %arg6[%get3A_716, %get3A_717] {strides = array<i32>} : memref<80x128xf32, #tpu.memory_space<vmem>>, vector<1x16xf32>,
      %get3A_719 = vector.shape_cast %get3A_718 : vector<1x16xf32> to vector<16xf32>
      %max3A_720 = arith.maximumf %max3A_664, %get3A_719 : vector<16xf32>
      %add3A_721 = arith.constant 12 : i32
      %add3A_722 = arith.addi %mul3A_32, %add3A_721 : i32
      %get3A_723 = arith.index_cast %add3A_722 : i32 to index
      %get3A_724 = arith.constant 96 : index
      %get3A_725 = tpu.vector_load %arg6[%get3A_723, %get3A_724] {strides = array<i32>} : memref<80x128xf32, #tpu.memory_space<vmem>>, vector<1x16xf32>,
      %get3A_726 = vector.shape_cast %get3A_725 : vector<1x16xf32> to vector<16xf32>
      %max3A_727 = arith.maximumf %max3A_671, %get3A_726 : vector<16xf32>
      %add3A_728 = arith.constant 12 : i32
      %add3A_729 = arith.addi %mul3A_32, %add3A_728 : i32
      %get3A_730 = arith.index_cast %add3A_729 : i32 to index
      %get3A_731 = arith.constant 112 : index
      %get3A_732 = tpu.vector_load %arg6[%get3A_730, %get3A_731] {strides = array<i32>} : memref<80x128xf32, #tpu.memory_space<vmem>>, vector<1x16xf32>,
      %get3A_733 = vector.shape_cast %get3A_732 : vector<1x16xf32> to vector<16xf32>
      %max3A_734 = arith.maximumf %max3A_678, %get3A_733 : vector<16xf32>
      %add3A_735 = arith.constant 13 : i32
      %add3A_736 = arith.addi %mul3A_32, %add3A_735 : i32
      %get3A_737 = arith.index_cast %add3A_736 : i32 to index
      %get3A_738 = arith.constant 0 : index
      %get3A_739 = tpu.vector_load %arg6[%get3A_737, %get3A_738] {strides = array<i32>} : memref<80x128xf32, #tpu.memory_space<vmem>>, vector<1x16xf32>,
      %get3A_740 = vector.shape_cast %get3A_739 : vector<1x16xf32> to vector<16xf32>
      %max3A_741 = arith.maximumf %max3A_685, %get3A_740 : vector<16xf32>
      %add3A_742 = arith.constant 13 : i32
      %add3A_743 = arith.addi %mul3A_32, %add3A_742 : i32
      %get3A_744 = arith.index_cast %add3A_743 : i32 to index
      %get3A_745 = arith.constant 16 : index
      %get3A_746 = tpu.vector_load %arg6[%get3A_744, %get3A_745] {strides = array<i32>} : memref<80x128xf32, #tpu.memory_space<vmem>>, vector<1x16xf32>,
      %get3A_747 = vector.shape_cast %get3A_746 : vector<1x16xf32> to vector<16xf32>
      %max3A_748 = arith.maximumf %max3A_692, %get3A_747 : vector<16xf32>
      %add3A_749 = arith.constant 13 : i32
      %add3A_750 = arith.addi %mul3A_32, %add3A_749 : i32
      %get3A_751 = arith.index_cast %add3A_750 : i32 to index
      %get3A_752 = arith.constant 32 : index
      %get3A_753 = tpu.vector_load %arg6[%get3A_751, %get3A_752] {strides = array<i32>} : memref<80x128xf32, #tpu.memory_space<vmem>>, vector<1x16xf32>,
      %get3A_754 = vector.shape_cast %get3A_753 : vector<1x16xf32> to vector<16xf32>
      %max3A_755 = arith.maximumf %max3A_699, %get3A_754 : vector<16xf32>
      %add3A_756 = arith.constant 13 : i32
      %add3A_757 = arith.addi %mul3A_32, %add3A_756 : i32
      %get3A_758 = arith.index_cast %add3A_757 : i32 to index
      %get3A_759 = arith.constant 48 : index
      %get3A_760 = tpu.vector_load %arg6[%get3A_758, %get3A_759] {strides = array<i32>} : memref<80x128xf32, #tpu.memory_space<vmem>>, vector<1x16xf32>,
      %get3A_761 = vector.shape_cast %get3A_760 : vector<1x16xf32> to vector<16xf32>
      %max3A_762 = arith.maximumf %max3A_706, %get3A_761 : vector<16xf32>
      %add3A_763 = arith.constant 13 : i32
      %add3A_764 = arith.addi %mul3A_32, %add3A_763 : i32
      %get3A_765 = arith.index_cast %add3A_764 : i32 to index
      %get3A_766 = arith.constant 64 : index
      %get3A_767 = tpu.vector_load %arg6[%get3A_765, %get3A_766] {strides = array<i32>} : memref<80x128xf32, #tpu.memory_space<vmem>>, vector<1x16xf32>,
      %get3A_768 = vector.shape_cast %get3A_767 : vector<1x16xf32> to vector<16xf32>
      %max3A_769 = arith.maximumf %max3A_713, %get3A_768 : vector<16xf32>
      %add3A_770 = arith.constant 13 : i32
      %add3A_771 = arith.addi %mul3A_32, %add3A_770 : i32
      %get3A_772 = arith.index_cast %add3A_771 : i32 to index
      %get3A_773 = arith.constant 80 : index
      %get3A_774 = tpu.vector_load %arg6[%get3A_772, %get3A_773] {strides = array<i32>} : memref<80x128xf32, #tpu.memory_space<vmem>>, vector<1x16xf32>,
      %get3A_775 = vector.shape_cast %get3A_774 : vector<1x16xf32> to vector<16xf32>
      %max3A_776 = arith.maximumf %max3A_720, %get3A_775 : vector<16xf32>
      %add3A_777 = arith.constant 13 : i32
      %add3A_778 = arith.addi %mul3A_32, %add3A_777 : i32
      %get3A_779 = arith.index_cast %add3A_778 : i32 to index
      %get3A_780 = arith.constant 96 : index
      %get3A_781 = tpu.vector_load %arg6[%get3A_779, %get3A_780] {strides = array<i32>} : memref<80x128xf32, #tpu.memory_space<vmem>>, vector<1x16xf32>,
      %get3A_782 = vector.shape_cast %get3A_781 : vector<1x16xf32> to vector<16xf32>
      %max3A_783 = arith.maximumf %max3A_727, %get3A_782 : vector<16xf32>
      %add3A_784 = arith.constant 13 : i32
      %add3A_785 = arith.addi %mul3A_32, %add3A_784 : i32
      %get3A_786 = arith.index_cast %add3A_785 : i32 to index
      %get3A_787 = arith.constant 112 : index
      %get3A_788 = tpu.vector_load %arg6[%get3A_786, %get3A_787] {strides = array<i32>} : memref<80x128xf32, #tpu.memory_space<vmem>>, vector<1x16xf32>,
      %get3A_789 = vector.shape_cast %get3A_788 : vector<1x16xf32> to vector<16xf32>
      %max3A_790 = arith.maximumf %max3A_734, %get3A_789 : vector<16xf32>
      %add3A_791 = arith.constant 14 : i32
      %add3A_792 = arith.addi %mul3A_32, %add3A_791 : i32
      %get3A_793 = arith.index_cast %add3A_792 : i32 to index
      %get3A_794 = arith.constant 0 : index
      %get3A_795 = tpu.vector_load %arg6[%get3A_793, %get3A_794] {strides = array<i32>} : memref<80x128xf32, #tpu.memory_space<vmem>>, vector<1x16xf32>,
      %get3A_796 = vector.shape_cast %get3A_795 : vector<1x16xf32> to vector<16xf32>
      %max3A_797 = arith.maximumf %max3A_741, %get3A_796 : vector<16xf32>
      %add3A_798 = arith.constant 14 : i32
      %add3A_799 = arith.addi %mul3A_32, %add3A_798 : i32
      %get3A_800 = arith.index_cast %add3A_799 : i32 to index
      %get3A_801 = arith.constant 16 : index
      %get3A_802 = tpu.vector_load %arg6[%get3A_800, %get3A_801] {strides = array<i32>} : memref<80x128xf32, #tpu.memory_space<vmem>>, vector<1x16xf32>,
      %get3A_803 = vector.shape_cast %get3A_802 : vector<1x16xf32> to vector<16xf32>
      %max3A_804 = arith.maximumf %max3A_748, %get3A_803 : vector<16xf32>
      %add3A_805 = arith.constant 14 : i32
      %add3A_806 = arith.addi %mul3A_32, %add3A_805 : i32
      %get3A_807 = arith.index_cast %add3A_806 : i32 to index
      %get3A_808 = arith.constant 32 : index
      %get3A_809 = tpu.vector_load %arg6[%get3A_807, %get3A_808] {strides = array<i32>} : memref<80x128xf32, #tpu.memory_space<vmem>>, vector<1x16xf32>,
      %get3A_810 = vector.shape_cast %get3A_809 : vector<1x16xf32> to vector<16xf32>
      %max3A_811 = arith.maximumf %max3A_755, %get3A_810 : vector<16xf32>
      %add3A_812 = arith.constant 14 : i32
      %add3A_813 = arith.addi %mul3A_32, %add3A_812 : i32
      %get3A_814 = arith.index_cast %add3A_813 : i32 to index
      %get3A_815 = arith.constant 48 : index
      %get3A_816 = tpu.vector_load %arg6[%get3A_814, %get3A_815] {strides = array<i32>} : memref<80x128xf32, #tpu.memory_space<vmem>>, vector<1x16xf32>,
      %get3A_817 = vector.shape_cast %get3A_816 : vector<1x16xf32> to vector<16xf32>
      %max3A_818 = arith.maximumf %max3A_762, %get3A_817 : vector<16xf32>
      %add3A_819 = arith.constant 14 : i32
      %add3A_820 = arith.addi %mul3A_32, %add3A_819 : i32
      %get3A_821 = arith.index_cast %add3A_820 : i32 to index
      %get3A_822 = arith.constant 64 : index
      %get3A_823 = tpu.vector_load %arg6[%get3A_821, %get3A_822] {strides = array<i32>} : memref<80x128xf32, #tpu.memory_space<vmem>>, vector<1x16xf32>,
      %get3A_824 = vector.shape_cast %get3A_823 : vector<1x16xf32> to vector<16xf32>
      %max3A_825 = arith.maximumf %max3A_769, %get3A_824 : vector<16xf32>
      %add3A_826 = arith.constant 14 : i32
      %add3A_827 = arith.addi %mul3A_32, %add3A_826 : i32
      %get3A_828 = arith.index_cast %add3A_827 : i32 to index
      %get3A_829 = arith.constant 80 : index
      %get3A_830 = tpu.vector_load %arg6[%get3A_828, %get3A_829] {strides = array<i32>} : memref<80x128xf32, #tpu.memory_space<vmem>>, vector<1x16xf32>,
      %get3A_831 = vector.shape_cast %get3A_830 : vector<1x16xf32> to vector<16xf32>
      %max3A_832 = arith.maximumf %max3A_776, %get3A_831 : vector<16xf32>
      %add3A_833 = arith.constant 14 : i32
      %add3A_834 = arith.addi %mul3A_32, %add3A_833 : i32
      %get3A_835 = arith.index_cast %add3A_834 : i32 to index
      %get3A_836 = arith.constant 96 : index
      %get3A_837 = tpu.vector_load %arg6[%get3A_835, %get3A_836] {strides = array<i32>} : memref<80x128xf32, #tpu.memory_space<vmem>>, vector<1x16xf32>,
      %get3A_838 = vector.shape_cast %get3A_837 : vector<1x16xf32> to vector<16xf32>
      %max3A_839 = arith.maximumf %max3A_783, %get3A_838 : vector<16xf32>
      %add3A_840 = arith.constant 14 : i32
      %add3A_841 = arith.addi %mul3A_32, %add3A_840 : i32
      %get3A_842 = arith.index_cast %add3A_841 : i32 to index
      %get3A_843 = arith.constant 112 : index
      %get3A_844 = tpu.vector_load %arg6[%get3A_842, %get3A_843] {strides = array<i32>} : memref<80x128xf32, #tpu.memory_space<vmem>>, vector<1x16xf32>,
      %get3A_845 = vector.shape_cast %get3A_844 : vector<1x16xf32> to vector<16xf32>
      %max3A_846 = arith.maximumf %max3A_790, %get3A_845 : vector<16xf32>
      %add3A_847 = arith.constant 15 : i32
      %add3A_848 = arith.addi %mul3A_32, %add3A_847 : i32
      %get3A_849 = arith.index_cast %add3A_848 : i32 to index
      %get3A_850 = arith.constant 0 : index
      %get3A_851 = tpu.vector_load %arg6[%get3A_849, %get3A_850] {strides = array<i32>} : memref<80x128xf32, #tpu.memory_space<vmem>>, vector<1x16xf32>,
      %get3A_852 = vector.shape_cast %get3A_851 : vector<1x16xf32> to vector<16xf32>
      %max3A_853 = arith.maximumf %max3A_797, %get3A_852 : vector<16xf32>
      %add3A_854 = arith.constant 15 : i32
      %add3A_855 = arith.addi %mul3A_32, %add3A_854 : i32
      %get3A_856 = arith.index_cast %add3A_855 : i32 to index
      %get3A_857 = arith.constant 16 : index
      %get3A_858 = tpu.vector_load %arg6[%get3A_856, %get3A_857] {strides = array<i32>} : memref<80x128xf32, #tpu.memory_space<vmem>>, vector<1x16xf32>,
      %get3A_859 = vector.shape_cast %get3A_858 : vector<1x16xf32> to vector<16xf32>
      %max3A_860 = arith.maximumf %max3A_804, %get3A_859 : vector<16xf32>
      %add3A_861 = arith.constant 15 : i32
      %add3A_862 = arith.addi %mul3A_32, %add3A_861 : i32
      %get3A_863 = arith.index_cast %add3A_862 : i32 to index
      %get3A_864 = arith.constant 32 : index
      %get3A_865 = tpu.vector_load %arg6[%get3A_863, %get3A_864] {strides = array<i32>} : memref<80x128xf32, #tpu.memory_space<vmem>>, vector<1x16xf32>,
      %get3A_866 = vector.shape_cast %get3A_865 : vector<1x16xf32> to vector<16xf32>
      %max3A_867 = arith.maximumf %max3A_811, %get3A_866 : vector<16xf32>
      %add3A_868 = arith.constant 15 : i32
      %add3A_869 = arith.addi %mul3A_32, %add3A_868 : i32
      %get3A_870 = arith.index_cast %add3A_869 : i32 to index
      %get3A_871 = arith.constant 48 : index
      %get3A_872 = tpu.vector_load %arg6[%get3A_870, %get3A_871] {strides = array<i32>} : memref<80x128xf32, #tpu.memory_space<vmem>>, vector<1x16xf32>,
      %get3A_873 = vector.shape_cast %get3A_872 : vector<1x16xf32> to vector<16xf32>
      %max3A_874 = arith.maximumf %max3A_818, %get3A_873 : vector<16xf32>
      %add3A_875 = arith.constant 15 : i32
      %add3A_876 = arith.addi %mul3A_32, %add3A_875 : i32
      %get3A_877 = arith.index_cast %add3A_876 : i32 to index
      %get3A_878 = arith.constant 64 : index
      %get3A_879 = tpu.vector_load %arg6[%get3A_877, %get3A_878] {strides = array<i32>} : memref<80x128xf32, #tpu.memory_space<vmem>>, vector<1x16xf32>,
      %get3A_880 = vector.shape_cast %get3A_879 : vector<1x16xf32> to vector<16xf32>
      %max3A_881 = arith.maximumf %max3A_825, %get3A_880 : vector<16xf32>
      %add3A_882 = arith.constant 15 : i32
      %add3A_883 = arith.addi %mul3A_32, %add3A_882 : i32
      %get3A_884 = arith.index_cast %add3A_883 : i32 to index
      %get3A_885 = arith.constant 80 : index
      %get3A_886 = tpu.vector_load %arg6[%get3A_884, %get3A_885] {strides = array<i32>} : memref<80x128xf32, #tpu.memory_space<vmem>>, vector<1x16xf32>,
      %get3A_887 = vector.shape_cast %get3A_886 : vector<1x16xf32> to vector<16xf32>
      %max3A_888 = arith.maximumf %max3A_832, %get3A_887 : vector<16xf32>
      %add3A_889 = arith.constant 15 : i32
      %add3A_890 = arith.addi %mul3A_32, %add3A_889 : i32
      %get3A_891 = arith.index_cast %add3A_890 : i32 to index
      %get3A_892 = arith.constant 96 : index
      %get3A_893 = tpu.vector_load %arg6[%get3A_891, %get3A_892] {strides = array<i32>} : memref<80x128xf32, #tpu.memory_space<vmem>>, vector<1x16xf32>,
      %get3A_894 = vector.shape_cast %get3A_893 : vector<1x16xf32> to vector<16xf32>
      %max3A_895 = arith.maximumf %max3A_839, %get3A_894 : vector<16xf32>
      %add3A_896 = arith.constant 15 : i32
      %add3A_897 = arith.addi %mul3A_32, %add3A_896 : i32
      %get3A_898 = arith.index_cast %add3A_897 : i32 to index
      %get3A_899 = arith.constant 112 : index
      %get3A_900 = tpu.vector_load %arg6[%get3A_898, %get3A_899] {strides = array<i32>} : memref<80x128xf32, #tpu.memory_space<vmem>>, vector<1x16xf32>,
      %get3A_901 = vector.shape_cast %get3A_900 : vector<1x16xf32> to vector<16xf32>
      %max3A_902 = arith.maximumf %max3A_846, %get3A_901 : vector<16xf32>
      %mul3A_903 = arith.constant 128 : i32
      %mul3A_904 = arith.muli %scan3A_30, %mul3A_903 : i32
      %add3A_905 = arith.constant 0 : i32
      %add3A_906 = arith.addi %mul3A_904, %add3A_905 : i32
      %swap3A = arith.index_cast %add3A_906 : i32 to index
      %swap3A_907 = tpu.vector_load %arg8[%swap3A] {strides = array<i32>} : memref<640xf32, #tpu.memory_space<vmem>>, vector<16xf32>,
      %swap3A_908 = vector.shape_cast %swap3A_907 : vector<16xf32> to vector<16xf32>
      %swap3A_909 = vector.shape_cast %max3A_853 : vector<16xf32> to vector<16xf32>
      tpu.vector_store %arg8[%swap3A], %swap3A_909 {strides = array<i32>} : memref<640xf32, #tpu.memory_space<vmem>>, vector<16xf32>,
      %mul3A_910 = arith.constant 128 : i32
      %mul3A_911 = arith.muli %scan3A_30, %mul3A_910 : i32
      %add3A_912 = arith.constant 16 : i32
      %add3A_913 = arith.addi %mul3A_911, %add3A_912 : i32
      %swap3A_914 = arith.index_cast %add3A_913 : i32 to index
      %swap3A_915 = tpu.vector_load %arg8[%swap3A_914] {strides = array<i32>} : memref<640xf32, #tpu.memory_space<vmem>>, vector<16xf32>,
      %swap3A_916 = vector.shape_cast %swap3A_915 : vector<16xf32> to vector<16xf32>
      %swap3A_917 = vector.shape_cast %max3A_860 : vector<16xf32> to vector<16xf32>
      tpu.vector_store %arg8[%swap3A_914], %swap3A_917 {strides = array<i32>} : memref<640xf32, #tpu.memory_space<vmem>>, vector<16xf32>,
      %mul3A_918 = arith.constant 128 : i32
      %mul3A_919 = arith.muli %scan3A_30, %mul3A_918 : i32
      %add3A_920 = arith.constant 32 : i32
      %add3A_921 = arith.addi %mul3A_919, %add3A_920 : i32
      %swap3A_922 = arith.index_cast %add3A_921 : i32 to index
      %swap3A_923 = tpu.vector_load %arg8[%swap3A_922] {strides = array<i32>} : memref<640xf32, #tpu.memory_space<vmem>>, vector<16xf32>,
      %swap3A_924 = vector.shape_cast %swap3A_923 : vector<16xf32> to vector<16xf32>
      %swap3A_925 = vector.shape_cast %max3A_867 : vector<16xf32> to vector<16xf32>
      tpu.vector_store %arg8[%swap3A_922], %swap3A_925 {strides = array<i32>} : memref<640xf32, #tpu.memory_space<vmem>>, vector<16xf32>,
      %mul3A_926 = arith.constant 128 : i32
      %mul3A_927 = arith.muli %scan3A_30, %mul3A_926 : i32
      %add3A_928 = arith.constant 48 : i32
      %add3A_929 = arith.addi %mul3A_927, %add3A_928 : i32
      %swap3A_930 = arith.index_cast %add3A_929 : i32 to index
      %swap3A_931 = tpu.vector_load %arg8[%swap3A_930] {strides = array<i32>} : memref<640xf32, #tpu.memory_space<vmem>>, vector<16xf32>,
      %swap3A_932 = vector.shape_cast %swap3A_931 : vector<16xf32> to vector<16xf32>
      %swap3A_933 = vector.shape_cast %max3A_874 : vector<16xf32> to vector<16xf32>
      tpu.vector_store %arg8[%swap3A_930], %swap3A_933 {strides = array<i32>} : memref<640xf32, #tpu.memory_space<vmem>>, vector<16xf32>,
      %mul3A_934 = arith.constant 128 : i32
      %mul3A_935 = arith.muli %scan3A_30, %mul3A_934 : i32
      %add3A_936 = arith.constant 64 : i32
      %add3A_937 = arith.addi %mul3A_935, %add3A_936 : i32
      %swap3A_938 = arith.index_cast %add3A_937 : i32 to index
      %swap3A_939 = tpu.vector_load %arg8[%swap3A_938] {strides = array<i32>} : memref<640xf32, #tpu.memory_space<vmem>>, vector<16xf32>,
      %swap3A_940 = vector.shape_cast %swap3A_939 : vector<16xf32> to vector<16xf32>
      %swap3A_941 = vector.shape_cast %max3A_881 : vector<16xf32> to vector<16xf32>
      tpu.vector_store %arg8[%swap3A_938], %swap3A_941 {strides = array<i32>} : memref<640xf32, #tpu.memory_space<vmem>>, vector<16xf32>,
      %mul3A_942 = arith.constant 128 : i32
      %mul3A_943 = arith.muli %scan3A_30, %mul3A_942 : i32
      %add3A_944 = arith.constant 80 : i32
      %add3A_945 = arith.addi %mul3A_943, %add3A_944 : i32
      %swap3A_946 = arith.index_cast %add3A_945 : i32 to index
      %swap3A_947 = tpu.vector_load %arg8[%swap3A_946] {strides = array<i32>} : memref<640xf32, #tpu.memory_space<vmem>>, vector<16xf32>,
      %swap3A_948 = vector.shape_cast %swap3A_947 : vector<16xf32> to vector<16xf32>
      %swap3A_949 = vector.shape_cast %max3A_888 : vector<16xf32> to vector<16xf32>
      tpu.vector_store %arg8[%swap3A_946], %swap3A_949 {strides = array<i32>} : memref<640xf32, #tpu.memory_space<vmem>>, vector<16xf32>,
      %mul3A_950 = arith.constant 128 : i32
      %mul3A_951 = arith.muli %scan3A_30, %mul3A_950 : i32
      %add3A_952 = arith.constant 96 : i32
      %add3A_953 = arith.addi %mul3A_951, %add3A_952 : i32
      %swap3A_954 = arith.index_cast %add3A_953 : i32 to index
      %swap3A_955 = tpu.vector_load %arg8[%swap3A_954] {strides = array<i32>} : memref<640xf32, #tpu.memory_space<vmem>>, vector<16xf32>,
      %swap3A_956 = vector.shape_cast %swap3A_955 : vector<16xf32> to vector<16xf32>
      %swap3A_957 = vector.shape_cast %max3A_895 : vector<16xf32> to vector<16xf32>
      tpu.vector_store %arg8[%swap3A_954], %swap3A_957 {strides = array<i32>} : memref<640xf32, #tpu.memory_space<vmem>>, vector<16xf32>,
      %mul3A_958 = arith.constant 128 : i32
      %mul3A_959 = arith.muli %scan3A_30, %mul3A_958 : i32
      %add3A_960 = arith.constant 112 : i32
      %add3A_961 = arith.addi %mul3A_959, %add3A_960 : i32
      %swap3A_962 = arith.index_cast %add3A_961 : i32 to index
      %swap3A_963 = tpu.vector_load %arg8[%swap3A_962] {strides = array<i32>} : memref<640xf32, #tpu.memory_space<vmem>>, vector<16xf32>,
      %swap3A_964 = vector.shape_cast %swap3A_963 : vector<16xf32> to vector<16xf32>
      %swap3A_965 = vector.shape_cast %max3A_902 : vector<16xf32> to vector<16xf32>
      tpu.vector_store %arg8[%swap3A_962], %swap3A_965 {strides = array<i32>} : memref<640xf32, #tpu.memory_space<vmem>>, vector<16xf32>,
    }
    %scan3A_25 = arith.constant 5 : i32
    %add3A_26 = arith.constant 620 : i32
    %add3A_27 = arith.addi %add3A, %add3A_26 : i32
    %mul3A_28 = arith.constant 128 : i32
    %mul3A_29 = arith.muli %add3A_27, %mul3A_28 : i32
    "tpu.region"() ({
      %run_scoped3A = tpu.sem_alloc : memref<!tpu.dma_semaphore, #tpu.memory_space<semaphore_mem>>
      %dma_start3A_30 = tpu.memref_slice %arg4[%mul3A_29] : memref<2560000xf32, #tpu.memory_space<hbm>> -> memref<640xf32, #tpu.memory_space<hbm>>
      %dma_start3A_31 = tpu.memref_slice %arg4[%mul3A_29] : memref<2560000xf32, #tpu.memory_space<hbm>> -> memref<640xf32, #tpu.memory_space<hbm>>
      tpu.enqueue_dma source(%arg8 : memref<640xf32, #tpu.memory_space<vmem>>) target(%dma_start3A_31 : memref<640xf32, #tpu.memory_space<hbm>>) target_semaphore(%run_scoped3A : memref<!tpu.dma_semaphore, #tpu.memory_space<semaphore_mem>>)
      %dma_wait3A_32 = tpu.memref_slice %arg4[%mul3A_29] : memref<2560000xf32, #tpu.memory_space<hbm>> -> memref<640xf32, #tpu.memory_space<hbm>>
      %dma_wait3A_33 = tpu.memref_slice %arg4[%mul3A_29] : memref<2560000xf32, #tpu.memory_space<hbm>> -> memref<640xf32, #tpu.memory_space<hbm>>
      tpu.wait_dma2 semaphore(%run_scoped3A : memref<!tpu.dma_semaphore, #tpu.memory_space<semaphore_mem>>) src(%arg8 : memref<640xf32, #tpu.memory_space<vmem>>) dst(%dma_wait3A_33 : memref<640xf32, #tpu.memory_space<hbm>>)
      tpu.yield
    }) : () -> ()
    return
  }
}

module attributes {stable_mosaic.version = 14 : i64} {
  func.func @_mm_bn_kernel(%arg0: i32, %arg1: i32, %arg2: memref<2000x128xf32, #tpu.memory_space<vmem>>, %arg3: memref<128x128xf32, #tpu.memory_space<vmem>>, %arg4: memref<1x128xf32, #tpu.memory_space<vmem>>, %arg5: memref<1x128xf32, #tpu.memory_space<vmem>>, %arg6: memref<2000x128xf32, #tpu.memory_space<vmem>>, %arg7: memref<20000x128xf32, #tpu.memory_space<vmem>>, %arg8: memref<8x128xf32, #tpu.memory_space<vmem>>) attributes {dimension_semantics = [#tpu.dimension_semantics<arbitrary>, #tpu.dimension_semantics<arbitrary>], iteration_bounds = array<i64: 2, 10>, scalar_prefetch = 0 : i64, scratch_operands = 2 : i64, tpu.core_type = #tpu.core_type<tc>, window_params = [{transform_indices = @transform_0, window_bounds = array<i64: 2000, 128>}, {pipeline_mode = #tpu.pipeline_mode<synchronous>, transform_indices = @transform_1, window_bounds = array<i64: 128, 128>}, {pipeline_mode = #tpu.pipeline_mode<synchronous>, transform_indices = @transform_2, window_bounds = array<i64: 1, 128>}, {pipeline_mode = #tpu.pipeline_mode<synchronous>, transform_indices = @transform_3, window_bounds = array<i64: 1, 128>}, {transform_indices = @transform_4, window_bounds = array<i64: 2000, 128>}]} {
    %eq3A = arith.constant 0 : i32
    %eq3A_0 = arith.cmpi eq, %arg0, %eq3A : i32
    %convert_element_type3A = arith.extui %eq3A_0 : i1 to i32
    %cond3A = arith.constant 0 : i32
    %cond3A_1 = arith.cmpi ne, %convert_element_type3A, %cond3A : i32
    scf.if %cond3A_1 {
      %get3A = arith.constant 0 : index
      %get3A_7 = arith.constant 0 : index
      %get3A_8 = vector.load %arg2[%get3A, %get3A_7] : memref<2000x128xf32, #tpu.memory_space<vmem>>, vector<2000x128xf32>
      %max3A = arith.constant 0.000000e+00 : f32
      %max3A_9 = vector.broadcast %max3A : f32 to vector<2000x128xf32>
      %max3A_10 = arith.maximumf %get3A_8, %max3A_9 : vector<2000x128xf32>
      %get3A_11 = arith.constant 0 : index
      %get3A_12 = arith.constant 0 : index
      %get3A_13 = vector.load %arg3[%get3A_11, %get3A_12] : memref<128x128xf32, #tpu.memory_space<vmem>>, vector<128x128xf32>
      %dot_general3A = arith.constant dense<0.000000e+00> : vector<2000x128xf32>
      %dot_general3A_14 = tpu.matmul %max3A_10, %get3A_13, %dot_general3A {dimension_numbers = #tpu.dot_dimension_numbers<[1], [1], [0], [0], [0, 0, 1, 0], [], []>, transpose_lhs_hint = false} : vector<2000x128xf32>, vector<128x128xf32>, vector<2000x128xf32> -> vector<2000x128xf32>
      %mul3A = arith.constant 2000 : i32
      %mul3A_15 = arith.muli %arg1, %mul3A : i32
      %swap3A = arith.index_cast %mul3A_15 : i32 to index
      %swap3A_16 = arith.constant 0 : index
      %swap3A_17 = vector.load %arg7[%swap3A, %swap3A_16] : memref<20000x128xf32, #tpu.memory_space<vmem>>, vector<2000x128xf32>
      tpu.vector_store %arg7[%swap3A, %swap3A_16], %dot_general3A_14 {strides = array<i32>} : memref<20000x128xf32, #tpu.memory_space<vmem>>, vector<2000x128xf32>,
      %eq3A_18 = arith.constant 0 : i32
      %eq3A_19 = arith.cmpi eq, %arg1, %eq3A_18 : i32
      %convert_element_type3A_20 = arith.extui %eq3A_19 : i1 to i32
      %cond3A_21 = arith.constant 0 : i32
      %cond3A_22 = arith.cmpi ne, %convert_element_type3A_20, %cond3A_21 : i32
      scf.if %cond3A_22 {
        %broadcast_in_dim3A_41 = arith.constant 0.000000e+00 : f32
        %broadcast_in_dim3A_42 = vector.broadcast %broadcast_in_dim3A_41 : f32 to vector<8x128xf32>
        %swap3A_43 = arith.constant 0 : index
        %swap3A_44 = arith.constant 0 : index
        %swap3A_45 = vector.load %arg8[%swap3A_43, %swap3A_44] : memref<8x128xf32, #tpu.memory_space<vmem>>, vector<8x128xf32>
        tpu.vector_store %arg8[%swap3A_43, %swap3A_44], %broadcast_in_dim3A_42 {strides = array<i32>} : memref<8x128xf32, #tpu.memory_space<vmem>>, vector<8x128xf32>,
      } else {
      }
      %get3A_23 = arith.constant 0 : index
      %get3A_24 = arith.constant 0 : index
      %get3A_25 = vector.load %arg8[%get3A_23, %get3A_24] : memref<8x128xf32, #tpu.memory_space<vmem>>, vector<1x128xf32>
      %reduce_sum3A = arith.constant dense<0.000000e+00> : vector<128xf32>
      %reduce_sum3A_26 = vector.multi_reduction <add>, %dot_general3A_14, %reduce_sum3A [0] : vector<2000x128xf32> to vector<128xf32>
      %broadcast_in_dim3A = vector.shape_cast %reduce_sum3A_26 : vector<128xf32> to vector<1x128xf32>
      %add3A = arith.addf %get3A_25, %broadcast_in_dim3A : vector<1x128xf32>
      %swap3A_27 = arith.constant 0 : index
      %swap3A_28 = arith.constant 0 : index
      %swap3A_29 = vector.load %arg8[%swap3A_27, %swap3A_28] : memref<8x128xf32, #tpu.memory_space<vmem>>, vector<1x128xf32>
      tpu.vector_store %arg8[%swap3A_27, %swap3A_28], %add3A {strides = array<i32>} : memref<8x128xf32, #tpu.memory_space<vmem>>, vector<1x128xf32>,
      %get3A_30 = arith.constant 1 : index
      %get3A_31 = arith.constant 0 : index
      %get3A_32 = vector.load %arg8[%get3A_30, %get3A_31] : memref<8x128xf32, #tpu.memory_space<vmem>>, vector<1x128xf32>
      %mul3A_33 = arith.mulf %dot_general3A_14, %dot_general3A_14 : vector<2000x128xf32>
      %reduce_sum3A_34 = arith.constant dense<0.000000e+00> : vector<128xf32>
      %reduce_sum3A_35 = vector.multi_reduction <add>, %mul3A_33, %reduce_sum3A_34 [0] : vector<2000x128xf32> to vector<128xf32>
      %broadcast_in_dim3A_36 = vector.shape_cast %reduce_sum3A_35 : vector<128xf32> to vector<1x128xf32>
      %add3A_37 = arith.addf %get3A_32, %broadcast_in_dim3A_36 : vector<1x128xf32>
      %swap3A_38 = arith.constant 1 : index
      %swap3A_39 = arith.constant 0 : index
      %swap3A_40 = vector.load %arg8[%swap3A_38, %swap3A_39] : memref<8x128xf32, #tpu.memory_space<vmem>>, vector<1x128xf32>
      tpu.vector_store %arg8[%swap3A_38, %swap3A_39], %add3A_37 {strides = array<i32>} : memref<8x128xf32, #tpu.memory_space<vmem>>, vector<1x128xf32>,
    } else {
    }
    %eq3A_2 = arith.constant 1 : i32
    %eq3A_3 = arith.cmpi eq, %arg0, %eq3A_2 : i32
    %convert_element_type3A_4 = arith.extui %eq3A_3 : i1 to i32
    %cond3A_5 = arith.constant 0 : i32
    %cond3A_6 = arith.cmpi ne, %convert_element_type3A_4, %cond3A_5 : i32
    scf.if %cond3A_6 {
      %get3A = arith.constant 0 : index
      %get3A_7 = arith.constant 0 : index
      %get3A_8 = vector.load %arg8[%get3A, %get3A_7] : memref<8x128xf32, #tpu.memory_space<vmem>>, vector<1x128xf32>
      %mul3A = arith.constant 5.000000e-05 : f32
      %mul3A_9 = vector.broadcast %mul3A : f32 to vector<1x128xf32>
      %mul3A_10 = arith.mulf %get3A_8, %mul3A_9 : vector<1x128xf32>
      %get3A_11 = arith.constant 1 : index
      %get3A_12 = arith.constant 0 : index
      %get3A_13 = vector.load %arg8[%get3A_11, %get3A_12] : memref<8x128xf32, #tpu.memory_space<vmem>>, vector<1x128xf32>
      %mul3A_14 = arith.constant 5.000000e-05 : f32
      %mul3A_15 = vector.broadcast %mul3A_14 : f32 to vector<1x128xf32>
      %mul3A_16 = arith.mulf %get3A_13, %mul3A_15 : vector<1x128xf32>
      %mul3A_17 = arith.mulf %mul3A_10, %mul3A_10 : vector<1x128xf32>
      %sub3A = arith.subf %mul3A_16, %mul3A_17 : vector<1x128xf32>
      %add3A = arith.constant 9.99999974E-6 : f32
      %add3A_18 = vector.broadcast %add3A : f32 to vector<1x128xf32>
      %add3A_19 = arith.addf %sub3A, %add3A_18 : vector<1x128xf32>
      %rsqrt3A = math.rsqrt %add3A_19 : vector<1x128xf32>
      %get3A_20 = arith.constant 0 : index
      %get3A_21 = arith.constant 0 : index
      %get3A_22 = vector.load %arg4[%get3A_20, %get3A_21] : memref<1x128xf32, #tpu.memory_space<vmem>>, vector<1x128xf32>
      %mul3A_23 = arith.mulf %rsqrt3A, %get3A_22 : vector<1x128xf32>
      %mul3A_24 = arith.constant 2000 : i32
      %mul3A_25 = arith.muli %arg1, %mul3A_24 : i32
      %get3A_26 = arith.index_cast %mul3A_25 : i32 to index
      %get3A_27 = arith.constant 0 : index
      %get3A_28 = vector.load %arg7[%get3A_26, %get3A_27] : memref<20000x128xf32, #tpu.memory_space<vmem>>, vector<2000x128xf32>
      %sub3A_29 = vector.broadcast %mul3A_10 : vector<1x128xf32> to vector<2000x128xf32>
      %sub3A_30 = arith.subf %get3A_28, %sub3A_29 : vector<2000x128xf32>
      %mul3A_31 = vector.broadcast %mul3A_23 : vector<1x128xf32> to vector<2000x128xf32>
      %mul3A_32 = arith.mulf %sub3A_30, %mul3A_31 : vector<2000x128xf32>
      %get3A_33 = arith.constant 0 : index
      %get3A_34 = arith.constant 0 : index
      %get3A_35 = vector.load %arg5[%get3A_33, %get3A_34] : memref<1x128xf32, #tpu.memory_space<vmem>>, vector<1x128xf32>
      %add3A_36 = vector.broadcast %get3A_35 : vector<1x128xf32> to vector<2000x128xf32>
      %add3A_37 = arith.addf %mul3A_32, %add3A_36 : vector<2000x128xf32>
      %swap3A = arith.constant 0 : index
      %swap3A_38 = arith.constant 0 : index
      %swap3A_39 = vector.load %arg6[%swap3A, %swap3A_38] : memref<2000x128xf32, #tpu.memory_space<vmem>>, vector<2000x128xf32>
      tpu.vector_store %arg6[%swap3A, %swap3A_38], %add3A_37 {strides = array<i32>} : memref<2000x128xf32, #tpu.memory_space<vmem>>, vector<2000x128xf32>,
    } else {
    }
    return
  }
  func.func @transform_0(%arg0: i32, %arg1: i32) -> (i32, i32) {
    %sub3A = arith.constant 1 : i32
    %sub3A_0 = arith.subi %sub3A, %arg0 : i32
    %mul3A = arith.muli %arg1, %sub3A_0 : i32
    %c0_i32 = arith.constant 0 : i32
    %c0_i32_1 = arith.constant 0 : i32
    return %mul3A, %c0_i32 : i32, i32
  }
  func.func @transform_1(%arg0: i32, %arg1: i32) -> (i32, i32) {
    %c0_i32 = arith.constant 0 : i32
    %c0_i32_0 = arith.constant 0 : i32
    %c0_i32_1 = arith.constant 0 : i32
    return %c0_i32, %c0_i32_0 : i32, i32
  }
  func.func @transform_2(%arg0: i32, %arg1: i32) -> (i32, i32) {
    %c0_i32 = arith.constant 0 : i32
    %c0_i32_0 = arith.constant 0 : i32
    %c0_i32_1 = arith.constant 0 : i32
    return %c0_i32, %c0_i32_0 : i32, i32
  }
  func.func @transform_3(%arg0: i32, %arg1: i32) -> (i32, i32) {
    %c0_i32 = arith.constant 0 : i32
    %c0_i32_0 = arith.constant 0 : i32
    %c0_i32_1 = arith.constant 0 : i32
    return %c0_i32, %c0_i32_0 : i32, i32
  }
  func.func @transform_4(%arg0: i32, %arg1: i32) -> (i32, i32) {
    %mul3A = arith.muli %arg1, %arg0 : i32
    %c0_i32 = arith.constant 0 : i32
    %c0_i32_0 = arith.constant 0 : i32
    return %mul3A, %c0_i32 : i32, i32
  }
}

</mosaic_0001>

<sc_bundles>
// kernel: kernel.4.cloned.1.call-start
scs
__scs_entry_jumppad:
0x0: {  	(pc) =	sbr.rel $0x88, $3  }
0x1: {  	(tag) =	ssettag $0x0;
	lr =	simm.s32 $0x1  }
0x2: {  	[smem:$0x3F9C] =	sst lr;
	_ =	strace $0xD0000000  }
0x3: {  	_ = 	snop  }
0x4: {  	_ = 	snop  }
0x5: {  	_ = 	snop  }
0x6: {  	_ = 	snop  }
0x7: {  	_ = 	snop  }
__scs_overlays_trampoline_lowered:
0x8: {  	[smem:$0x3FAB] =	sst s0  }
0x9: {  	[smem:$0x3FAC] =	sst s1  }
0xa: {  	[smem:$0x3FAD] =	sst s2  }
0xb: {  	[smem:$0x3FAE] =	sst s3  }
0xc: {  	[smem:$0x3FAF] =	sst s4  }
0xd: {  	[smem:$0x3FB0] =	sst s5  }
0xe: {  	[smem:$0x3FB1] =	sst s6  }
0xf: {  	[smem:$0x3FB2] =	sst s7  }
0x10: {  	[smem:$0x3FB3] =	sst s8  }
0x11: {  	[smem:$0x3FB4] =	sst s9;
	s0 =	simm.s32 @!p0 $0x0  }
0x12: {  	s1 =	sld [smem:$0x3F9A];
	s0 =	simm.s32 @p0 $0x1  }
0x13: {  	[smem:$0x3FB5] =	sst s0;
	s0 =	simm.s32 @!p1 $0x0  }
0x14: {  	s2 =	sld [smem:$0x3F99];
	s0 =	simm.s32 @p1 $0x1  }
0x15: {  	[smem:$0x3FB6] =	sst s0;
	s0 =	simm.s32 @!p2 $0x0  }
0x16: {  	s3 =	sld [smem:$0x3FDB];
	s0 =	simm.s32 @p2 $0x1  }
0x17: {  	s4 =	simm.s32 $0x1BF5;
	[smem:$0x3FB8] =	sst s0  }
0x18: {  	s0 =	sld [smem:$0x3F9B];
	_ =	swait.ge [sflag:s4], $0x0  }
0x19: {  	s7 =	sld [smem:$0x3F9C]  }
0x1a: {  	s8 =	sadd.s32 $0xFFFFE003, lr  }
0x1b: {  	s9 =	sadd.s32 $0xFFFFFEF7, lr;
	s5 =	simm.s32 $0xFFFFFFFF;
	p2 =	slt.u32 s8, $0xFFFFF086  }
0x1c: {  	p1 =	slt.u32 s9, $0xF7A;
	s5 =	simm.s32 @!p2 $0x0  }
0x1d: {  	s5 =	simm.s32 @p1 $0x1;
	p0 =	seq.s32 s7, s2  }
0x1e: {  	s7 =	smul.u32 @!p0 $0xF7A, s2;
	p2 =	seq.s32 @!p0 s5, $0x0  }
0x1f: {  	s9 =	smul.u32 $0xF7A, s1;
	s8 =	simm.s32 @!p0 $0x1BF5;
	p2 =	por !p2, p0  }
0x20: {  	[sflag:s8] =	ssyncset.s32 @!p0 $0xFFFFF086;
	s6 =	sadd.s32 @!p0 s3, s7;
	s7 =	simm.s32 @!p0 $0x108  }
0x21: {  	s3 =	sadd.s32 s3, s9;
	s6 =	sadd.s32 @!p0 $0x88, s6;
	s7 =	simm.s32 @p2 $0x1082  }
0x22: {  	[simem:s7], [sflag:s8] =	dma.local @!p0 [hbm:s6], $0xF7A  }
0x23: {  	s9 =	sor.u32 $0xD0000000, s2;
	s6 =	simm.s32 $0x108;
	_ =	swait.ge @!p0 [sflag:s8], $0x0  }
0x24: {  	s3 =	sadd.s32 $0x88, s3;
	s6 =	simm.s32 @!p1 $0x1082;
	[sflag:s4] =	ssyncset.s32 $0xFFFFF086  }
0x25: {  	[simem:s6], [sflag:s4] =	dma.local [hbm:s3], $0xF7A  }
0x26: {  	[smem:$0x3F9C] =	sst s1;
	(tag) =	ssettag s2;
	_ =	strace s9  }
0x27: {  	s1 =	sld [smem:$0x3FAC]  }
0x28: {  	s2 =	sld [smem:$0x3FAD]  }
0x29: {  	s4 =	sld [smem:$0x3FAF]  }
0x2a: {  	p0 =	seq.s32 s5, $0x0;
	s5 =	sld [smem:$0x3FB0]  }
0x2b: {  	s6 =	sld [smem:$0x3FB1]  }
0x2c: {  	s7 =	sld [smem:$0x3FB2]  }
0x2d: {  	s3 =	simm.s32 $0x108;
	s8 =	sld [smem:$0x3FB3]  }
0x2e: {  	s3 =	simm.s32 @!p0 $0x1082;
	s9 =	sld [smem:$0x3FB4]  }
0x2f: {  	lr =	sadd.s32 s0, s3;
	s0 =	sld [smem:$0x3FAB]  }
0x30: {  	s3 =	sld [smem:$0x3FAE]  }
0x31: {  	[smem:$0x3FB7] =	sst s10  }
0x32: {  	s10 =	sld [smem:$0x3FB5];
	_ =	sdelay $0x3  }
0x33: {  	p0 =	seq.s32 s10, $0x1;
	s10 =	sld [smem:$0x3FB7];
	_ =	sdelay $0x3  }
0x34: {  	[smem:$0x3FB7] =	sst s10  }
0x35: {  	s10 =	sld [smem:$0x3FB6];
	_ =	sdelay $0x3  }
0x36: {  	p1 =	seq.s32 s10, $0x1;
	s10 =	sld [smem:$0x3FB7];
	_ =	sdelay $0x3  }
0x37: {  	[smem:$0x3FB7] =	sst s10  }
0x38: {  	s10 =	sld [smem:$0x3FB8]  }
0x39: {  	_ = 	snop;
	(pc) =	sbr.ind lr, $3  }
0x3a: {  	_ = 	snop  }
0x3b: {  	_ = 	snop  }
0x3c: {  	p2 =	seq.s32 s10, $0x1;
	s10 =	sld [smem:$0x3FB7]  }
0x3d: {  	_ =	shalt  }
0x3e: {  	_ =	shalt  }
0x3f: {  	_ =	shalt  }
0x40: {  	_ =	shalt  }
0x41: {  	_ =	shalt  }
0x42: {  	_ =	shalt  }
0x43: {  	_ =	shalt  }
0x44: {  	_ =	shalt  }
0x45: {  	_ =	shalt  }
0x46: {  	_ =	shalt  }
0x47: {  	_ =	shalt  }
0x48: {  	_ =	shalt  }
0x49: {  	_ =	shalt  }
0x4a: {  	_ =	shalt  }
0x4b: {  	_ =	shalt  }
0x4c: {  	_ =	shalt  }
0x4d: {  	_ =	shalt  }
0x4e: {  	_ =	shalt  }
0x4f: {  	_ =	shalt  }
0x50: {  	_ =	shalt  }
0x51: {  	_ =	shalt  }
0x52: {  	_ =	shalt  }
0x53: {  	_ =	shalt  }
0x54: {  	_ =	shalt  }
0x55: {  	_ =	shalt  }
0x56: {  	_ =	shalt  }
0x57: {  	_ =	shalt  }
0x58: {  	_ =	shalt  }
0x59: {  	_ =	shalt  }
0x5a: {  	_ =	shalt  }
0x5b: {  	_ =	shalt  }
0x5c: {  	_ =	shalt  }
0x5d: {  	_ =	shalt  }
0x5e: {  	_ =	shalt  }
0x5f: {  	_ =	shalt  }
0x60: {  	_ =	shalt  }
0x61: {  	_ =	shalt  }
0x62: {  	_ =	shalt  }
0x63: {  	_ =	shalt  }
0x64: {  	_ =	shalt  }
0x65: {  	_ =	shalt  }
0x66: {  	_ =	shalt  }
0x67: {  	_ =	shalt  }
0x68: {  	_ =	shalt  }
0x69: {  	_ =	shalt  }
0x6a: {  	_ =	shalt  }
0x6b: {  	_ =	shalt  }
0x6c: {  	_ =	shalt  }
0x6d: {  	_ =	shalt  }
0x6e: {  	_ =	shalt  }
0x6f: {  	_ =	shalt  }
0x70: {  	_ =	shalt  }
0x71: {  	_ =	shalt  }
0x72: {  	_ =	shalt  }
0x73: {  	_ =	shalt  }
0x74: {  	_ =	shalt  }
0x75: {  	_ =	shalt  }
0x76: {  	_ =	shalt  }
0x77: {  	_ =	shalt  }
0x78: {  	_ =	shalt  }
0x79: {  	_ =	shalt  }
0x7a: {  	_ =	shalt  }
0x7b: {  	_ =	shalt  }
0x7c: {  	_ =	shalt  }
0x7d: {  	_ =	shalt  }
0x7e: {  	_ =	shalt  }
0x7f: {  	_ =	shalt  }
0x80: {  	_ =	shalt  }
0x81: {  	_ =	shalt  }
0x82: {  	_ =	shalt  }
0x83: {  	_ =	shalt  }
0x84: {  	_ =	shalt  }
0x85: {  	_ =	shalt  }
0x86: {  	_ =	shalt  }
0x87: {  	_ =	shalt  }
.Lfunc_end0:
.L_simem_size_0:
called_computation_lowered:
.L_overlay_start_0:
0x88: {  	s2 =	sld [smem:$0x3FD9]  }
0x89: {  	s3 =	sld [smem:$0x3FFE];
	_ =	sdelay $0x1  }
0x8a: {  	s1 =	srdreg.scid  }
0x8b: {  	s0 =	sand.u32 $0x1, s1  }
0x8c: {  	s17 =	sshll.u32 s0, $0xA;
	s2 =	sadd.s32 s3, s2  }
0x8d: {  	s2 =	sadd.s32 s2, s17  }
0x8e: {  	[smem:$0x3FC3] =	sst s2  }
0x8f: {  	_ = 	snop  }
0x90: {  	s2 =	sld [smem:$0x3FC9]  }
0x91: {  	s18 =	sld [smem:$0x3FD0];
	(tm) =	ssettm $0x1  }
0x92: {  	s4 =	sld [smem:$0x3FFB];
	_ =	sdelay $0x3  }
0x93: {  	_ =	strace s4  }
0x94: {  	s4 =	sld [smem:$0x3FFC];
	_ =	sdelay $0x3  }
0x95: {  	_ =	strace s4  }
0x96: {  	s4 =	sld [smem:$0x3FFD];
	_ =	sdelay $0x3  }
0x97: {  	_ =	strace s4  }
0x98: {  	_ =	strace $0x8FFFFFFF  }
0x99: {  	s19 =	sld [smem:$0x3FDB];
	_ =	sdelay $0x1  }
0x9a: {  	s5 =	simm.s32 $_scs_section_size  }
0x9b: {  	s6 =	simm.s32 $_size__tile_overlayer_lowered;
	s7 =	simm.s32 $_tile_overlayer_lowered  }
0x9c: {  	s22 =	simm.s32 $0x1BFF;
	s21 =	sshll.u32 s7, $0x1;
	s4 =	sadd.s32 s5, s19  }
0x9d: {  	s8 =	simm.s32 $0x0;
	s20 =	sshll.u32 s6, $0x1;
	s6 =	sadd.s32 s21, s4  }
0x9e: {  	[timem:s8], [sflag:s22] =	dma.local [hbm:s6], s20  }
0x9f: {  	_ =	swait.ge [sflag:s22], s20  }
0xa0: {  	s5 =	ssub.s32 $0x0, s20;
	[sflag:s22] =	ssyncset.done $0x0  }
0xa1: {  	[sflag:s22] =	ssyncadd.s32 s5;
	_ =	sdelay $0x1  }
0xa2: {  	s23 =	simm.s32 $0x1B8B  }
0xa3: {  	_ =	swait.ge [sflag:s23], $0x1  }
0xa4: {  	[sflag:s23] =	ssyncset.done $0x0  }
0xa5: {  	s25 =	simm.s32 $0x1B8E;
	s24 =	sld [smem:$0x3FFE];
	[sflag:s23] =	ssyncadd.s32 $0xFFFFFFFF  }
0xa6: {  	s26 =	simm.s32 $execute0_lowered;
	[smem:$0x3FD2] =	sst s25  }
0xa7: {  	s6 =	sshll.u32 s26, $0x1;
	_ =	strace $0x80000046;
	[dreg:$0x1] =	wrdreg $0xFFFFFFFF  }
0xa8: {  	s28 =	simm.s32 $_size_execute0_lowered;
	s4 =	sadd.s32 s4, s6;
	[dreg:$0x0] =	wrdreg $0x0  }
0xa9: {  	s6 =	sshll.u32 s28, $0x1;
	[dreg:$0x2] =	wrdreg s4  }
0xaa: {  	[dreg:$0x3] =	wrdreg s6  }
0xab: {  	[dreg:$0x4] =	wrdreg $0xC0  }
0xac: {  	_ =	task [dreg:s8], $0x5FFFF  }
0xad: {  	[dreg:$0x1] =	wrdreg $0xFFFFFFFF  }
0xae: {  	[dreg:$0x0] =	wrdreg $0x60  }
0xaf: {  	[dreg:$0x2] =	wrdreg s2  }
0xb0: {  	[dreg:$0x3] =	wrdreg s24  }
0xb1: {  	[dreg:$0x4] =	wrdreg s18  }
0xb2: {  	[dreg:$0x5] =	wrdreg $0x7A000  }
0xb3: {  	[dreg:$0x6] =	wrdreg $0x9  }
0xb4: {  	_ =	task.clear_ibuf [dreg:s8], $0x7FFFF;
	_ =	strace $0x90000046  }
0xb5: {  	s29 =	simm.s32 $0x9;
	_ =	strace $0x80000048  }
0xb6: {  	_ =	swait.ge [sflag:s29], $0x1  }
0xb7: {  	[sflag:s29] =	ssyncadd.s32 $0xFFFFFFFF  }
0xb8: {  	_ =	strace $0x90000048  }
0xb9: {  	_ =	sfence  }
0xba: {  	s30 =	sld [smem:$0x0];
	_ =	sdelay $0x2  }
0xbb: {  	s31 =	sshll.u32 s1, $0xD;
	s1 =	sshrl.u32 s1, $0x2  }
0xbc: {  	s3 =	sand.u32 $0x4000, s31;
	s1 =	sadd.s32 s1, s30  }
0xbd: {  	s0 =	sor.u32 s3, s0;
	s1 =	sshll.u32 s1, $0x11  }
0xbe: {  	s0 =	sor.u32 s1, s0  }
0xbf: {  	s0 =	sadd.s32 $0x8F2B, s0  }
0xc0: {  	[sflag:s0] =	ssyncadd.remote.s32 $0x1  }
0xc1: {  	_ =	sfence.sel $0xFFFF  }
0xc2: {  	[dreg:$0x0] =	wrdreg $0xFFFFFFFF;
	(pc) =	sbr.abs _section_cstart, $3  }
0xc3: {  	[dreg:$0x1] =	wrdreg $0xFFFFFFFF  }
0xc4: {  	_ =	task.clear_ibuf [dreg:s8], $0x2FFFF;
	_ =	strace $0x9FFFFFFF  }
0xc5: {  	(tm) =	ssettm $0x7FFFFFFF  }
tec
execute0_lowered:
.L_overlay_start_1:
0x0: {  	(tag) =	ssettag $0x1  }
0x1: {  	s7 =	rddreg [dreg:$0x0]  }
0x2: {  	s6 =	rddreg [dreg:$0x1]  }
0x3: {  	s2 =	rddreg [dreg:$0x2]  }
0x4: {  	s3 =	rddreg [dreg:$0x3]  }
0x5: {  	s0 =	srdreg.scid;
	s1 =	rddreg [dreg:$0x4];
	s4 =	simm.s32 $0x0  }
0x6: {  	s13 =	simm.s32 $0x50;
	s14 =	simm.s32 $0x2780;
	s8 =	sand.u32 $0x1, s0  }
0x7: {  	s15 =	simm.s32 $0x4F80;
	s0 =	stileid.u32;
	s9 =	smul.u32 $0x2710, s8  }
0x8: {  	s16 =	simm.s32 $0x1;
	s17 =	simm.s32 $0x7780;
	s5 =	smul.u32 $0x271, s0  }
0x9: {  	s18 =	simm.s32 $0x2;
	s19 =	simm.s32 $0x0;
	s11 =	smul.u32 $0x7D000, s0  }
0xa: {  	[smem:$0x7FF] =	sst s4;
	s8 =	ssub.s32 $0x2, s8;
	s12 =	smul.u32 $0x3E8, s0  }
0xb: {  	_ =	strace $0x80000047;
	p0 =	sgt.u32 s0, $0x9;
	s26 =	sshrl.u32 s8, $0x1  }
0xc: {  	s5 =	sadd.s32 s5, s9;
	s28 =	sshrl.u32 s11, $0x2;
	s9 =	sadd.s32 s12, s9  }
0xd: {  	s11 =	sshll.u32 @!p0 s0, $0x6;
	s10 =	sshll.u32 s5, $0x1;
	s29 =	sshll.u32 s5, $0x4  }
0xe: {  	s12 =	sadd.s32 s28, s3;
	s30 =	sshll.u32 s9, $0x4;
	s11 =	sor.u32 @!p0 $0x1C03, s11  }
0xf: {  	s6 =	sadd.s32 s10, s6;
	s10 =	ssub.s32 s8, s26;
	s31 =	sadd.s32 s29, s2  }
0x10: {  	s7 =	sadd.s32 s7, s30;
	s12 =	sshrl.u32 @!p0 s12, $0x3;
	s6 =	sadd.s32 $0xC00, s6  }
0x11: {  	s8 =	sadd.s32 $0x26C0, s31;
	s9 =	smax.u32 s10, $0x1;
	s10 =	simm.s32 $0x3  }
.LBB2_1:
0x12: {  	[tilespmem:s4], [sflag:$0x3] =	stream.linear.gather [hbm4b:s6+s4], $0x2710, $0x38;
	[tilespmem:$0x1B280] =	vst v63  }
0x13: {  	_ =	swait.ge [sflag:s10], $0x2710  }
0x14: {  	[sflag:s10] =	ssyncset.done $0x0  }
0x15: {  	s20 =	simm.s32 @!p0 $0x3;
	[sflag:s10] =	ssyncadd.s32 $0xFFFFD8F0  }
0x16: {  	[spmem:s12], [sflag:s11] =	dma.local @!p0 [hbm:s7], $0x3E80  }
0x17: {  	_ =	swait.ge @!p0 [sflag:s20], $0x3E80  }
0x18: {  	[sflag:s20] =	ssyncset.done @!p0 $0x0  }
0x19: {  	[sflag:s20] =	ssyncadd.s32 @!p0 $0xFFFFC180  }
0x1a: {  	s20 =	simm.s32 $0x0;
	[bflag:$0x0] =	sbarrier.arrive $0xFFFF  }
0x1b: {  	[tilespmem:s14], [sflag:$0x1] =	stream.indirect.gather [spmem:s3], $0x80, s4, s13, $0xb8;
	[tilespmem:$0x1B280] =	vst v63  }
.LBB2_2:
0x1c: {  	s21 =	sshllo.u32 s20, $0x1  }
0x1d: {  	s22 =	smul.u32 $0x140, s21;
	_ =	sdelay $0x1  }
0x1e: {  	s22 =	sshra.s32 s22, $0x2  }
0x1f: {  	[tilespmem:s15], [sflag:$0x2] =	stream.indirect.gather [spmem:s3], $0x80, s22, s13, $0xb8;
	[tilespmem:$0x1B280] =	vst v63  }
0x20: {  	_ =	swait.ge [sflag:s16], $0x2800  }
0x21: {  	[sflag:s16] =	ssyncset.done $0x0  }
0x22: {  	s23 =	simm.s32 $0x2B80;
	s22 =	simm.s32 $0x0;
	[sflag:s16] =	ssyncadd.s32 $0xFFFFD800  }
.LBB2_3:
0x23: {  	v0 =	vld [tilespmem:s23+$0xFFFFFC00]  }
0x24: {  	v1 =	vld [tilespmem:s23+$0xFFFFFC10]  }
0x25: {  	v2 =	vld [tilespmem:s23+$0xFFFFFC20]  }
0x26: {  	v62 =	vld [tilespmem:s23+$0xFFFFFFE0]  }
0x27: {  	v3 =	vld [tilespmem:s23+$0xFFFFFC30]  }
0x28: {  	v4 =	vld [tilespmem:s23+$0xFFFFFC40]  }
0x29: {  	v5 =	vld [tilespmem:s23+$0xFFFFFC50]  }
0x2a: {  	v6 =	vld [tilespmem:s23+$0xFFFFFC60]  }
0x2b: {  	[tilespmem:$0x1FE20] =	vst v62;
	v62 =	vld [tilespmem:s23+$0x0]  }
0x2c: {  	v7 =	vld [tilespmem:s23+$0xFFFFFC70]  }
0x2d: {  	v8 =	vld [tilespmem:s23+$0xFFFFFC80]  }
0x2e: {  	v9 =	vld [tilespmem:s23+$0xFFFFFC90]  }
0x2f: {  	v10 =	vld [tilespmem:s23+$0xFFFFFCA0]  }
0x30: {  	[tilespmem:$0x1FE30] =	vst v62;
	v62 =	vld [tilespmem:s23+$0x10]  }
0x31: {  	v11 =	vld [tilespmem:s23+$0xFFFFFCB0]  }
0x32: {  	v12 =	vld [tilespmem:s23+$0xFFFFFCC0]  }
0x33: {  	v13 =	vld [tilespmem:s23+$0xFFFFFCD0]  }
0x34: {  	v14 =	vld [tilespmem:s23+$0xFFFFFCE0]  }
0x35: {  	[tilespmem:$0x1FE40] =	vst v62;
	v62 =	vld [tilespmem:s23+$0x20]  }
0x36: {  	v15 =	vld [tilespmem:s23+$0xFFFFFCF0]  }
0x37: {  	v16 =	vld [tilespmem:s23+$0xFFFFFD00]  }
0x38: {  	v17 =	vld [tilespmem:s23+$0xFFFFFD10]  }
0x39: {  	v18 =	vld [tilespmem:s23+$0xFFFFFD20]  }
0x3a: {  	[tilespmem:$0x1FE50] =	vst v62;
	v62 =	vld [tilespmem:s23+$0x30]  }
0x3b: {  	v19 =	vld [tilespmem:s23+$0xFFFFFD30]  }
0x3c: {  	v20 =	vld [tilespmem:s23+$0xFFFFFD40]  }
0x3d: {  	v21 =	vld [tilespmem:s23+$0xFFFFFD50]  }
0x3e: {  	v22 =	vld [tilespmem:s23+$0xFFFFFD60]  }
0x3f: {  	[tilespmem:$0x1FE60] =	vst v62;
	v62 =	vld [tilespmem:s23+$0x40]  }
0x40: {  	v23 =	vld [tilespmem:s23+$0xFFFFFD70]  }
0x41: {  	v24 =	vld [tilespmem:s23+$0xFFFFFD80]  }
0x42: {  	v25 =	vld [tilespmem:s23+$0xFFFFFD90]  }
0x43: {  	v26 =	vld [tilespmem:s23+$0xFFFFFDA0]  }
0x44: {  	[tilespmem:$0x1FE70] =	vst v62;
	v62 =	vld [tilespmem:s23+$0x50]  }
0x45: {  	v27 =	vld [tilespmem:s23+$0xFFFFFDB0]  }
0x46: {  	v28 =	vld [tilespmem:s23+$0xFFFFFDC0]  }
0x47: {  	v29 =	vld [tilespmem:s23+$0xFFFFFDD0]  }
0x48: {  	v30 =	vld [tilespmem:s23+$0xFFFFFDE0]  }
0x49: {  	[tilespmem:$0x1FE80] =	vst v62;
	v62 =	vld [tilespmem:s23+$0x60]  }
0x4a: {  	v31 =	vld [tilespmem:s23+$0xFFFFFDF0]  }
0x4b: {  	v32 =	vld [tilespmem:s23+$0xFFFFFE00]  }
0x4c: {  	v33 =	vld [tilespmem:s23+$0xFFFFFE10]  }
0x4d: {  	v34 =	vld [tilespmem:s23+$0xFFFFFE20]  }
0x4e: {  	[tilespmem:$0x1FE90] =	vst v62;
	v62 =	vld [tilespmem:s23+$0x70]  }
0x4f: {  	v35 =	vld [tilespmem:s23+$0xFFFFFE30]  }
0x50: {  	v36 =	vld [tilespmem:s23+$0xFFFFFE40]  }
0x51: {  	v37 =	vld [tilespmem:s23+$0xFFFFFE50]  }
0x52: {  	v38 =	vld [tilespmem:s23+$0xFFFFFE60]  }
0x53: {  	[tilespmem:$0x1FEA0] =	vst v62;
	v62 =	vld [tilespmem:s23+$0x80]  }
0x54: {  	v39 =	vld [tilespmem:s23+$0xFFFFFE70]  }
0x55: {  	v40 =	vld [tilespmem:s23+$0xFFFFFE80]  }
0x56: {  	v41 =	vld [tilespmem:s23+$0xFFFFFE90]  }
0x57: {  	v42 =	vld [tilespmem:s23+$0xFFFFFEA0]  }
0x58: {  	[tilespmem:$0x1FEB0] =	vst v62;
	v62 =	vld [tilespmem:s23+$0x90]  }
0x59: {  	v43 =	vld [tilespmem:s23+$0xFFFFFEB0]  }
0x5a: {  	v44 =	vld [tilespmem:s23+$0xFFFFFEC0]  }
0x5b: {  	v45 =	vld [tilespmem:s23+$0xFFFFFED0]  }
0x5c: {  	v46 =	vld [tilespmem:s23+$0xFFFFFEE0]  }
0x5d: {  	[tilespmem:$0x1FEC0] =	vst v62;
	v62 =	vld [tilespmem:s23+$0xA0]  }
0x5e: {  	v47 =	vld [tilespmem:s23+$0xFFFFFEF0]  }
0x5f: {  	v48 =	vld [tilespmem:s23+$0xFFFFFF00]  }
0x60: {  	v49 =	vld [tilespmem:s23+$0xFFFFFF10]  }
0x61: {  	v50 =	vld [tilespmem:s23+$0xFFFFFF20]  }
0x62: {  	[tilespmem:$0x1FED0] =	vst v62;
	v62 =	vld [tilespmem:s23+$0xB0]  }
0x63: {  	v51 =	vld [tilespmem:s23+$0xFFFFFF30]  }
0x64: {  	v52 =	vld [tilespmem:s23+$0xFFFFFF40]  }
0x65: {  	v53 =	vld [tilespmem:s23+$0xFFFFFF50]  }
0x66: {  	v54 =	vld [tilespmem:s23+$0xFFFFFF60]  }
0x67: {  	[tilespmem:$0x1FEE0] =	vst v62;
	v62 =	vld [tilespmem:s23+$0xC0]  }
0x68: {  	v55 =	vld [tilespmem:s23+$0xFFFFFF70]  }
0x69: {  	v56 =	vld [tilespmem:s23+$0xFFFFFF80]  }
0x6a: {  	v57 =	vld [tilespmem:s23+$0xFFFFFF90]  }
0x6b: {  	v58 =	vld [tilespmem:s23+$0xFFFFFFA0]  }
0x6c: {  	[tilespmem:$0x1FEF0] =	vst v62;
	v62 =	vld [tilespmem:s23+$0xD0]  }
0x6d: {  	v59 =	vld [tilespmem:s23+$0xFFFFFFB0]  }
0x6e: {  	v60 =	vld [tilespmem:s23+$0xFFFFFFC0]  }
0x6f: {  	v61 =	vld [tilespmem:s23+$0xFFFFFFD0]  }
0x70: {  	v63 =	vld [tilespmem:s23+$0xFFFFFFF0]  }
0x71: {  	[tilespmem:$0x1FF00] =	vst v62;
	v62 =	vld [tilespmem:s23+$0xE0]  }
0x72: {  	v0 =	vmax.f32 v0, v8;
	v8 =	vld [tilespmem:s23+$0x1E0]  }
0x73: {  	v1 =	vmax.f32 v1, v9;
	v9 =	vld [tilespmem:s23+$0x1F0]  }
0x74: {  	v2 =	vmax.f32 v2, v10;
	v10 =	vld [tilespmem:s23+$0x200]  }
0x75: {  	v3 =	vmax.f32 v3, v11;
	v11 =	vld [tilespmem:s23+$0x210]  }
0x76: {  	[tilespmem:$0x1FF10] =	vst v62;
	v62 =	vld [tilespmem:s23+$0xF0]  }
0x77: {  	v4 =	vmax.f32 v4, v12;
	v12 =	vld [tilespmem:s23+$0x220]  }
0x78: {  	v5 =	vmax.f32 v5, v13;
	v13 =	vld [tilespmem:s23+$0x230]  }
0x79: {  	v6 =	vmax.f32 v6, v14;
	v14 =	vld [tilespmem:s23+$0x240]  }
0x7a: {  	v7 =	vmax.f32 v7, v15;
	v15 =	vld [tilespmem:s23+$0x250]  }
0x7b: {  	[tilespmem:$0x1FF20] =	vst v62;
	v62 =	vld [tilespmem:s23+$0x100]  }
0x7c: {  	v0 =	vmax.f32 v0, v16;
	v16 =	vld [tilespmem:s23+$0x260]  }
0x7d: {  	v1 =	vmax.f32 v1, v17;
	v17 =	vld [tilespmem:s23+$0x270]  }
0x7e: {  	v2 =	vmax.f32 v2, v18;
	v18 =	vld [tilespmem:s23+$0x280]  }
0x7f: {  	v3 =	vmax.f32 v3, v19;
	v19 =	vld [tilespmem:s23+$0x290]  }
0x80: {  	[tilespmem:$0x1FF30] =	vst v62;
	v62 =	vld [tilespmem:s23+$0x110]  }
0x81: {  	v4 =	vmax.f32 v4, v20;
	v20 =	vld [tilespmem:s23+$0x2A0]  }
0x82: {  	v5 =	vmax.f32 v5, v21;
	v21 =	vld [tilespmem:s23+$0x2B0]  }
0x83: {  	v6 =	vmax.f32 v6, v22;
	v22 =	vld [tilespmem:s23+$0x2C0]  }
0x84: {  	v7 =	vmax.f32 v7, v23;
	v23 =	vld [tilespmem:s23+$0x2D0]  }
0x85: {  	[tilespmem:$0x1FF40] =	vst v62;
	v62 =	vld [tilespmem:s23+$0x120]  }
0x86: {  	v0 =	vmax.f32 v0, v24;
	v24 =	vld [tilespmem:s23+$0x2E0]  }
0x87: {  	v1 =	vmax.f32 v1, v25;
	v25 =	vld [tilespmem:s23+$0x2F0]  }
0x88: {  	v2 =	vmax.f32 v2, v26;
	v26 =	vld [tilespmem:s23+$0x300]  }
0x89: {  	v3 =	vmax.f32 v3, v27;
	v27 =	vld [tilespmem:s23+$0x310]  }
0x8a: {  	[tilespmem:$0x1FF50] =	vst v62;
	v62 =	vld [tilespmem:s23+$0x130]  }
0x8b: {  	v4 =	vmax.f32 v4, v28;
	v28 =	vld [tilespmem:s23+$0x320]  }
0x8c: {  	v5 =	vmax.f32 v5, v29;
	v29 =	vld [tilespmem:s23+$0x330]  }
0x8d: {  	v6 =	vmax.f32 v6, v30;
	v30 =	vld [tilespmem:s23+$0x340]  }
0x8e: {  	v7 =	vmax.f32 v7, v31;
	v31 =	vld [tilespmem:s23+$0x350]  }
0x8f: {  	v3 =	vmax.f32 v3, v35;
	v7 =	vmax.f32 v7, v39;
	[tilespmem:$0x1FF60] =	vst v62;
	v62 =	vld [tilespmem:s23+$0x140]  }
0x90: {  	v2 =	vmax.f32 v2, v34;
	v3 =	vmax.f32 v3, v43;
	v7 =	vmax.f32 v7, v47;
	v43 =	vld [tilespmem:$0x1FE30]  }
0x91: {  	v0 =	vmax.f32 v0, v32;
	v2 =	vmax.f32 v2, v42;
	v42 =	vld [tilespmem:$0x1FE20];
	v7 =	vmax.f32 v7, v55  }
0x92: {  	v4 =	vmax.f32 v4, v36;
	v0 =	vmax.f32 v0, v40;
	v7 =	vmax.f32 v7, v63;
	v63 =	vld [tilespmem:s23+$0x360]  }
0x93: {  	v4 =	vmax.f32 v4, v44;
	v0 =	vmax.f32 v0, v48;
	v44 =	vld [tilespmem:$0x1FE40]  }
0x94: {  	v0 =	vmax.f32 v0, v56;
	[tilespmem:$0x1FF70] =	vst v62;
	v62 =	vld [tilespmem:s23+$0x150]  }
0x95: {  	v0 =	vmax.f32 v0, v43;
	v43 =	vld [tilespmem:s23+$0x370]  }
0x96: {  	v5 =	vmax.f32 v5, v37;
	v47 =	vld [tilespmem:$0x1FE70]  }
0x97: {  	v6 =	vmax.f32 v6, v38;
	v5 =	vmax.f32 v5, v45;
	v45 =	vld [tilespmem:$0x1FE50]  }
0x98: {  	v6 =	vmax.f32 v6, v46;
	v46 =	vld [tilespmem:$0x1FE60]  }
0x99: {  	v4 =	vmax.f32 v4, v52;
	[tilespmem:$0x1FF80] =	vst v62;
	v62 =	vld [tilespmem:s23+$0x160]  }
0x9a: {  	v4 =	vmax.f32 v4, v60;
	v48 =	vld [tilespmem:$0x1FE80]  }
0x9b: {  	v1 =	vmax.f32 v1, v33;
	v4 =	vmax.f32 v4, v47;
	v47 =	vld [tilespmem:s23+$0x380]  }
0x9c: {  	v1 =	vmax.f32 v1, v41;
	v3 =	vmax.f32 v3, v51;
	v51 =	vld [tilespmem:$0x1FEB0]  }
0x9d: {  	v1 =	vmax.f32 v1, v49;
	v49 =	vld [tilespmem:$0x1FE90]  }
0x9e: {  	[tilespmem:$0x1FF90] =	vst v62;
	v62 =	vld [tilespmem:s23+$0x170]  }
0x9f: {  	v2 =	vmax.f32 v2, v50;
	v50 =	vld [tilespmem:$0x1FEA0]  }
0xa0: {  	v52 =	vld [tilespmem:$0x1FEC0]  }
0xa1: {  	v0 =	vmax.f32 v0, v51;
	v51 =	vld [tilespmem:s23+$0x390]  }
0xa2: {  	v5 =	vmax.f32 v5, v53;
	v53 =	vld [tilespmem:$0x1FED0]  }
0xa3: {  	[tilespmem:$0x1FFA0] =	vst v62;
	v62 =	vld [tilespmem:s23+$0x180]  }
0xa4: {  	v6 =	vmax.f32 v6, v54;
	v54 =	vld [tilespmem:$0x1FEE0]  }
0xa5: {  	v55 =	vld [tilespmem:$0x1FEF0]  }
0xa6: {  	v56 =	vld [tilespmem:$0x1FF00]  }
0xa7: {  	v1 =	vmax.f32 v1, v57;
	v57 =	vld [tilespmem:$0x1FF10]  }
0xa8: {  	[tilespmem:$0x1FFB0] =	vst v62;
	v62 =	vld [tilespmem:s23+$0x190]  }
0xa9: {  	v2 =	vmax.f32 v2, v58;
	v58 =	vld [tilespmem:$0x1FF20]  }
0xaa: {  	v3 =	vmax.f32 v3, v59;
	v59 =	vld [tilespmem:$0x1FF30]  }
0xab: {  	v60 =	vld [tilespmem:$0x1FF40]  }
0xac: {  	v5 =	vmax.f32 v5, v61;
	v61 =	vld [tilespmem:$0x1FF50]  }
0xad: {  	[tilespmem:$0x1FFC0] =	vst v62;
	v62 =	vld [tilespmem:s23+$0x1A0]  }
0xae: {  	v40 =	vld [tilespmem:$0x1FF60]  }
0xaf: {  	v41 =	vld [tilespmem:$0x1FF70]  }
0xb0: {  	v6 =	vmax.f32 v6, v42;
	v42 =	vld [tilespmem:$0x1FF80]  }
0xb1: {  	v1 =	vmax.f32 v1, v44;
	v44 =	vld [tilespmem:$0x1FF90]  }
0xb2: {  	[tilespmem:$0x1FFD0] =	vst v62;
	v62 =	vld [tilespmem:s23+$0x1B0]  }
0xb3: {  	v2 =	vmax.f32 v2, v45;
	v3 =	vmax.f32 v3, v46;
	v5 =	vmax.f32 v5, v48;
	v45 =	vld [tilespmem:$0x1FFA0]  }
0xb4: {  	v6 =	vmax.f32 v6, v49;
	v7 =	vmax.f32 v7, v50;
	v1 =	vmax.f32 v1, v52;
	v46 =	vld [tilespmem:$0x1FFB0]  }
0xb5: {  	v2 =	vmax.f32 v2, v53;
	v3 =	vmax.f32 v3, v54;
	v4 =	vmax.f32 v4, v55;
	v48 =	vld [tilespmem:$0x1FFC0]  }
0xb6: {  	v5 =	vmax.f32 v5, v56;
	v6 =	vmax.f32 v6, v57;
	v7 =	vmax.f32 v7, v58;
	v49 =	vld [tilespmem:$0x1FFD0]  }
0xb7: {  	v0 =	vmax.f32 v0, v59;
	v1 =	vmax.f32 v1, v60;
	v6 =	vmax.f32 v6, v44;
	[tilespmem:$0x1FFE0] =	vst v62;
	v62 =	vld [tilespmem:s23+$0x1C0]  }
0xb8: {  	v53 =	vld [tilespmem:s23+$0x3A0];
	v2 =	vmax.f32 v2, v61;
	v3 =	vmax.f32 v3, v40;
	v6 =	vmax.f32 v6, v8  }
0xb9: {  	v54 =	vld [tilespmem:s23+$0x3B0];
	v4 =	vmax.f32 v4, v41;
	v6 =	vmax.f32 v6, v16;
	v7 =	vmax.f32 v7, v45  }
0xba: {  	v57 =	vld [tilespmem:s23+$0x3E0];
	v5 =	vmax.f32 v5, v42;
	v61 =	vmax.f32 v6, v24;
	v7 =	vmax.f32 v7, v9  }
0xbb: {  	v7 =	vmax.f32 v7, v17;
	v0 =	vmax.f32 v0, v46;
	v2 =	vmax.f32 v2, v49;
	v50 =	vld [tilespmem:$0x1FFE0]  }
0xbc: {  	v0 =	vmax.f32 v0, v10;
	v1 =	vmax.f32 v1, v48;
	v2 =	vmax.f32 v2, v12;
	[tilespmem:$0x1FFF0] =	vst v62;
	v62 =	vld [tilespmem:s23+$0x1D0]  }
0xbd: {  	v0 =	vmax.f32 v0, v18;
	v1 =	vmax.f32 v1, v11;
	v2 =	vmax.f32 v2, v20;
	v52 =	vld [tilespmem:$0x1FFF0]  }
0xbe: {  	v55 =	vld [tilespmem:s23+$0x3C0];
	v0 =	vmax.f32 v0, v26;
	v1 =	vmax.f32 v1, v19;
	v2 =	vmax.f32 v2, v28  }
0xbf: {  	s24 =	sshra.s32 s22, $0x2;
	v56 =	vld [tilespmem:s23+$0x3D0];
	v0 =	vmax.f32 v0, v47;
	v1 =	vmax.f32 v1, v27;
	v2 =	vmax.f32 v2, v53  }
0xc0: {  	v58 =	vld [tilespmem:s23+$0x3F0];
	v1 =	vmax.f32 v1, v51;
	v3 =	vmax.f32 v3, v50;
	[tilespmem:s24+$0x77A0] =	vst v2;
	v2 =	vmax.f32 v61, v63  }
0xc1: {  	v3 =	vmax.f32 v3, v13;
	v2 =	vmax.f32 v2, v57;
	v5 =	vmax.f32 v5, v62  }
0xc2: {  	[tilespmem:s24+$0x7780] =	vst v0;
	v3 =	vmax.f32 v3, v21;
	v4 =	vmax.f32 v4, v52;
	v5 =	vmax.f32 v5, v15  }
0xc3: {  	p1 =	sne.s32 s22, $0x800;
	[tilespmem:s24+$0x7790] =	vst v1;
	v3 =	vmax.f32 v3, v29;
	v4 =	vmax.f32 v4, v14;
	v60 =	vmax.f32 v5, v23  }
.Ltmp0:
0xc4: {  	[tilespmem:s24+$0x77E0] =	vst v2;
	v3 =	vmax.f32 v3, v54;
	v59 =	vmax.f32 v4, v22;
	v1 =	vmax.f32 v60, v31;
	(pc) =	sbr.rel @p1 .LBB2_3-.Ltmp0, $4  }
0xc5: {  	v62 =	vmax.f32 v7, v25;
	[tilespmem:s24+$0x77B0] =	vst v3;
	v0 =	vmax.f32 v59, v30;
	v1 =	vmax.f32 v1, v56  }
0xc6: {  	v63 =	vmax.f32 v62, v43;
	v0 =	vmax.f32 v0, v55;
	[tilespmem:s24+$0x77D0] =	vst v1  }
0xc7: {  	[tilespmem:s24+$0x77C0] =	vst v0;
	v0 =	vmax.f32 v63, v58  }
0xc8: {  	s22 =	sadd.s32 $0x200, s22;
	s23 =	sadd.s32 $0x800, s23;
	[tilespmem:s24+$0x77F0] =	vst v0  }
0xc9: {  	s22 =	smul.u32 $0xA, s20;
	_ =	sdelay $0x1  }
0xca: {  	s22 =	sadd.s32 s5, s22  }
0xcb: {  	s22 =	sshll.u32 s22, $0x4  }
0xcc: {  	s31 =	smul.u32 $0x280, s20;
	s23 =	sadd.s32 s2, s22;
	s22 =	simm.s32 $0x0  }
0xcd: {  	[hbm4b:s23+s22] =	stream.linear.scatter [tilespmem:s17], [sflag:$0x3], $0x280, $0x38;
	[tilespmem:$0x1B280] =	vst v63  }
0xce: {  	_ =	swait.ge [sflag:s10], $0x280  }
0xcf: {  	s23 =	sshra.s32 s31, $0x2;
	[sflag:s10] =	ssyncset.done $0x0  }
0xd0: {  	s23 =	sadd.s32 $0xA0, s23;
	[sflag:s10] =	ssyncadd.s32 $0xFFFFFD80  }
0xd1: {  	[tilespmem:s14], [sflag:$0x1] =	stream.indirect.gather [spmem:s3], $0x80, s23, s13, $0xb8;
	[tilespmem:$0x1B280] =	vst v63  }
0xd2: {  	_ =	swait.ge [sflag:s18], $0x2800  }
0xd3: {  	[sflag:s18] =	ssyncset.done $0x0  }
0xd4: {  	s23 =	simm.s32 $0x5380;
	[sflag:s18] =	ssyncadd.s32 $0xFFFFD800  }
.LBB2_5:
0xd5: {  	v0 =	vld [tilespmem:s23+$0xFFFFFC00]  }
0xd6: {  	v1 =	vld [tilespmem:s23+$0xFFFFFC10]  }
0xd7: {  	v2 =	vld [tilespmem:s23+$0xFFFFFC20]  }
0xd8: {  	v62 =	vld [tilespmem:s23+$0xFFFFFFE0]  }
0xd9: {  	v3 =	vld [tilespmem:s23+$0xFFFFFC30]  }
0xda: {  	v4 =	vld [tilespmem:s23+$0xFFFFFC40]  }
0xdb: {  	v5 =	vld [tilespmem:s23+$0xFFFFFC50]  }
0xdc: {  	v6 =	vld [tilespmem:s23+$0xFFFFFC60]  }
0xdd: {  	[tilespmem:$0x1FC40] =	vst v62;
	v62 =	vld [tilespmem:s23+$0x0]  }
0xde: {  	v7 =	vld [tilespmem:s23+$0xFFFFFC70]  }
0xdf: {  	v8 =	vld [tilespmem:s23+$0xFFFFFC80]  }
0xe0: {  	v9 =	vld [tilespmem:s23+$0xFFFFFC90]  }
0xe1: {  	v10 =	vld [tilespmem:s23+$0xFFFFFCA0]  }
0xe2: {  	[tilespmem:$0x1FC50] =	vst v62;
	v62 =	vld [tilespmem:s23+$0x10]  }
0xe3: {  	v11 =	vld [tilespmem:s23+$0xFFFFFCB0]  }
0xe4: {  	v12 =	vld [tilespmem:s23+$0xFFFFFCC0]  }
0xe5: {  	v13 =	vld [tilespmem:s23+$0xFFFFFCD0]  }
0xe6: {  	v14 =	vld [tilespmem:s23+$0xFFFFFCE0]  }
0xe7: {  	[tilespmem:$0x1FC60] =	vst v62;
	v62 =	vld [tilespmem:s23+$0x20]  }
0xe8: {  	v15 =	vld [tilespmem:s23+$0xFFFFFCF0]  }
0xe9: {  	v16 =	vld [tilespmem:s23+$0xFFFFFD00]  }
0xea: {  	v17 =	vld [tilespmem:s23+$0xFFFFFD10]  }
0xeb: {  	v18 =	vld [tilespmem:s23+$0xFFFFFD20]  }
0xec: {  	[tilespmem:$0x1FC70] =	vst v62;
	v62 =	vld [tilespmem:s23+$0x30]  }
0xed: {  	v19 =	vld [tilespmem:s23+$0xFFFFFD30]  }
0xee: {  	v20 =	vld [tilespmem:s23+$0xFFFFFD40]  }
0xef: {  	v21 =	vld [tilespmem:s23+$0xFFFFFD50]  }
0xf0: {  	v22 =	vld [tilespmem:s23+$0xFFFFFD60]  }
0xf1: {  	[tilespmem:$0x1FC80] =	vst v62;
	v62 =	vld [tilespmem:s23+$0x40]  }
0xf2: {  	v23 =	vld [tilespmem:s23+$0xFFFFFD70]  }
0xf3: {  	v24 =	vld [tilespmem:s23+$0xFFFFFD80]  }
0xf4: {  	v25 =	vld [tilespmem:s23+$0xFFFFFD90]  }
0xf5: {  	v26 =	vld [tilespmem:s23+$0xFFFFFDA0]  }
0xf6: {  	[tilespmem:$0x1FC90] =	vst v62;
	v62 =	vld [tilespmem:s23+$0x50]  }
0xf7: {  	v27 =	vld [tilespmem:s23+$0xFFFFFDB0]  }
0xf8: {  	v28 =	vld [tilespmem:s23+$0xFFFFFDC0]  }
0xf9: {  	v29 =	vld [tilespmem:s23+$0xFFFFFDD0]  }
0xfa: {  	v30 =	vld [tilespmem:s23+$0xFFFFFDE0]  }
0xfb: {  	[tilespmem:$0x1FCA0] =	vst v62;
	v62 =	vld [tilespmem:s23+$0x60]  }
0xfc: {  	v31 =	vld [tilespmem:s23+$0xFFFFFDF0]  }
0xfd: {  	v32 =	vld [tilespmem:s23+$0xFFFFFE00]  }
0xfe: {  	v33 =	vld [tilespmem:s23+$0xFFFFFE10]  }
0xff: {  	v34 =	vld [tilespmem:s23+$0xFFFFFE20]  }
0x100: {  	[tilespmem:$0x1FCB0] =	vst v62;
	v62 =	vld [tilespmem:s23+$0x70]  }
0x101: {  	v35 =	vld [tilespmem:s23+$0xFFFFFE30]  }
0x102: {  	v36 =	vld [tilespmem:s23+$0xFFFFFE40]  }
0x103: {  	v37 =	vld [tilespmem:s23+$0xFFFFFE50]  }
0x104: {  	v38 =	vld [tilespmem:s23+$0xFFFFFE60]  }
0x105: {  	[tilespmem:$0x1FCC0] =	vst v62;
	v62 =	vld [tilespmem:s23+$0x80]  }
0x106: {  	v39 =	vld [tilespmem:s23+$0xFFFFFE70]  }
0x107: {  	v40 =	vld [tilespmem:s23+$0xFFFFFE80]  }
0x108: {  	v41 =	vld [tilespmem:s23+$0xFFFFFE90]  }
0x109: {  	v42 =	vld [tilespmem:s23+$0xFFFFFEA0]  }
0x10a: {  	[tilespmem:$0x1FCD0] =	vst v62;
	v62 =	vld [tilespmem:s23+$0x90]  }
0x10b: {  	v43 =	vld [tilespmem:s23+$0xFFFFFEB0]  }
0x10c: {  	v44 =	vld [tilespmem:s23+$0xFFFFFEC0]  }
0x10d: {  	v45 =	vld [tilespmem:s23+$0xFFFFFED0]  }
0x10e: {  	v46 =	vld [tilespmem:s23+$0xFFFFFEE0]  }
0x10f: {  	[tilespmem:$0x1FCE0] =	vst v62;
	v62 =	vld [tilespmem:s23+$0xA0]  }
0x110: {  	v47 =	vld [tilespmem:s23+$0xFFFFFEF0]  }
0x111: {  	v48 =	vld [tilespmem:s23+$0xFFFFFF00]  }
0x112: {  	v49 =	vld [tilespmem:s23+$0xFFFFFF10]  }
0x113: {  	v50 =	vld [tilespmem:s23+$0xFFFFFF20]  }
0x114: {  	[tilespmem:$0x1FCF0] =	vst v62;
	v62 =	vld [tilespmem:s23+$0xB0]  }
0x115: {  	v51 =	vld [tilespmem:s23+$0xFFFFFF30]  }
0x116: {  	v52 =	vld [tilespmem:s23+$0xFFFFFF40]  }
0x117: {  	v53 =	vld [tilespmem:s23+$0xFFFFFF50]  }
0x118: {  	v54 =	vld [tilespmem:s23+$0xFFFFFF60]  }
0x119: {  	[tilespmem:$0x1FD00] =	vst v62;
	v62 =	vld [tilespmem:s23+$0xC0]  }
0x11a: {  	v55 =	vld [tilespmem:s23+$0xFFFFFF70]  }
0x11b: {  	v56 =	vld [tilespmem:s23+$0xFFFFFF80]  }
0x11c: {  	v57 =	vld [tilespmem:s23+$0xFFFFFF90]  }
0x11d: {  	v58 =	vld [tilespmem:s23+$0xFFFFFFA0]  }
0x11e: {  	[tilespmem:$0x1FD10] =	vst v62;
	v62 =	vld [tilespmem:s23+$0xD0]  }
0x11f: {  	v59 =	vld [tilespmem:s23+$0xFFFFFFB0]  }
0x120: {  	v60 =	vld [tilespmem:s23+$0xFFFFFFC0]  }
0x121: {  	v61 =	vld [tilespmem:s23+$0xFFFFFFD0]  }
0x122: {  	v63 =	vld [tilespmem:s23+$0xFFFFFFF0]  }
0x123: {  	[tilespmem:$0x1FD20] =	vst v62;
	v62 =	vld [tilespmem:s23+$0xE0]  }
0x124: {  	v0 =	vmax.f32 v0, v8;
	v8 =	vld [tilespmem:s23+$0x1E0]  }
0x125: {  	v1 =	vmax.f32 v1, v9;
	v9 =	vld [tilespmem:s23+$0x1F0]  }
0x126: {  	v2 =	vmax.f32 v2, v10;
	v10 =	vld [tilespmem:s23+$0x200]  }
0x127: {  	v3 =	vmax.f32 v3, v11;
	v11 =	vld [tilespmem:s23+$0x210]  }
0x128: {  	[tilespmem:$0x1FD30] =	vst v62;
	v62 =	vld [tilespmem:s23+$0xF0]  }
0x129: {  	v4 =	vmax.f32 v4, v12;
	v12 =	vld [tilespmem:s23+$0x220]  }
0x12a: {  	v5 =	vmax.f32 v5, v13;
	v13 =	vld [tilespmem:s23+$0x230]  }
0x12b: {  	v6 =	vmax.f32 v6, v14;
	v14 =	vld [tilespmem:s23+$0x240]  }
0x12c: {  	v7 =	vmax.f32 v7, v15;
	v15 =	vld [tilespmem:s23+$0x250]  }
0x12d: {  	[tilespmem:$0x1FD40] =	vst v62;
	v62 =	vld [tilespmem:s23+$0x100]  }
0x12e: {  	v0 =	vmax.f32 v0, v16;
	v16 =	vld [tilespmem:s23+$0x260]  }
0x12f: {  	v1 =	vmax.f32 v1, v17;
	v17 =	vld [tilespmem:s23+$0x270]  }
0x130: {  	v2 =	vmax.f32 v2, v18;
	v18 =	vld [tilespmem:s23+$0x280]  }
0x131: {  	v3 =	vmax.f32 v3, v19;
	v19 =	vld [tilespmem:s23+$0x290]  }
0x132: {  	[tilespmem:$0x1FD50] =	vst v62;
	v62 =	vld [tilespmem:s23+$0x110]  }
0x133: {  	v4 =	vmax.f32 v4, v20;
	v20 =	vld [tilespmem:s23+$0x2A0]  }
0x134: {  	v5 =	vmax.f32 v5, v21;
	v21 =	vld [tilespmem:s23+$0x2B0]  }
0x135: {  	v6 =	vmax.f32 v6, v22;
	v22 =	vld [tilespmem:s23+$0x2C0]  }
0x136: {  	v7 =	vmax.f32 v7, v23;
	v23 =	vld [tilespmem:s23+$0x2D0]  }
0x137: {  	[tilespmem:$0x1FD60] =	vst v62;
	v62 =	vld [tilespmem:s23+$0x120]  }
0x138: {  	v0 =	vmax.f32 v0, v24;
	v24 =	vld [tilespmem:s23+$0x2E0]  }
0x139: {  	v1 =	vmax.f32 v1, v25;
	v25 =	vld [tilespmem:s23+$0x2F0]  }
0x13a: {  	v2 =	vmax.f32 v2, v26;
	v26 =	vld [tilespmem:s23+$0x300]  }
0x13b: {  	v3 =	vmax.f32 v3, v27;
	v27 =	vld [tilespmem:s23+$0x310]  }
0x13c: {  	[tilespmem:$0x1FD70] =	vst v62;
	v62 =	vld [tilespmem:s23+$0x130]  }
0x13d: {  	v4 =	vmax.f32 v4, v28;
	v28 =	vld [tilespmem:s23+$0x320]  }
0x13e: {  	v5 =	vmax.f32 v5, v29;
	v29 =	vld [tilespmem:s23+$0x330]  }
0x13f: {  	v6 =	vmax.f32 v6, v30;
	v30 =	vld [tilespmem:s23+$0x340]  }
0x140: {  	v7 =	vmax.f32 v7, v31;
	v31 =	vld [tilespmem:s23+$0x350]  }
0x141: {  	v3 =	vmax.f32 v3, v35;
	v7 =	vmax.f32 v7, v39;
	[tilespmem:$0x1FD80] =	vst v62;
	v62 =	vld [tilespmem:s23+$0x140]  }
0x142: {  	v2 =	vmax.f32 v2, v34;
	v3 =	vmax.f32 v3, v43;
	v7 =	vmax.f32 v7, v47;
	v43 =	vld [tilespmem:$0x1FC50]  }
0x143: {  	v0 =	vmax.f32 v0, v32;
	v2 =	vmax.f32 v2, v42;
	v42 =	vld [tilespmem:$0x1FC40];
	v7 =	vmax.f32 v7, v55  }
0x144: {  	v4 =	vmax.f32 v4, v36;
	v0 =	vmax.f32 v0, v40;
	v7 =	vmax.f32 v7, v63;
	v63 =	vld [tilespmem:s23+$0x360]  }
0x145: {  	v4 =	vmax.f32 v4, v44;
	v0 =	vmax.f32 v0, v48;
	v44 =	vld [tilespmem:$0x1FC60]  }
0x146: {  	v0 =	vmax.f32 v0, v56;
	[tilespmem:$0x1FD90] =	vst v62;
	v62 =	vld [tilespmem:s23+$0x150]  }
0x147: {  	v0 =	vmax.f32 v0, v43;
	v43 =	vld [tilespmem:s23+$0x370]  }
0x148: {  	v5 =	vmax.f32 v5, v37;
	v47 =	vld [tilespmem:$0x1FC90]  }
0x149: {  	v6 =	vmax.f32 v6, v38;
	v5 =	vmax.f32 v5, v45;
	v45 =	vld [tilespmem:$0x1FC70]  }
0x14a: {  	v6 =	vmax.f32 v6, v46;
	v46 =	vld [tilespmem:$0x1FC80]  }
0x14b: {  	v4 =	vmax.f32 v4, v52;
	[tilespmem:$0x1FDA0] =	vst v62;
	v62 =	vld [tilespmem:s23+$0x160]  }
0x14c: {  	v4 =	vmax.f32 v4, v60;
	v48 =	vld [tilespmem:$0x1FCA0]  }
0x14d: {  	v1 =	vmax.f32 v1, v33;
	v4 =	vmax.f32 v4, v47;
	v47 =	vld [tilespmem:s23+$0x380]  }
0x14e: {  	v1 =	vmax.f32 v1, v41;
	v3 =	vmax.f32 v3, v51;
	v51 =	vld [tilespmem:$0x1FCD0]  }
0x14f: {  	v1 =	vmax.f32 v1, v49;
	v49 =	vld [tilespmem:$0x1FCB0]  }
0x150: {  	[tilespmem:$0x1FDB0] =	vst v62;
	v62 =	vld [tilespmem:s23+$0x170]  }
0x151: {  	v2 =	vmax.f32 v2, v50;
	v50 =	vld [tilespmem:$0x1FCC0]  }
0x152: {  	v52 =	vld [tilespmem:$0x1FCE0]  }
0x153: {  	v0 =	vmax.f32 v0, v51;
	v51 =	vld [tilespmem:s23+$0x390]  }
0x154: {  	v5 =	vmax.f32 v5, v53;
	v53 =	vld [tilespmem:$0x1FCF0]  }
0x155: {  	[tilespmem:$0x1FDC0] =	vst v62;
	v62 =	vld [tilespmem:s23+$0x180]  }
0x156: {  	v6 =	vmax.f32 v6, v54;
	v54 =	vld [tilespmem:$0x1FD00]  }
0x157: {  	v55 =	vld [tilespmem:$0x1FD10]  }
0x158: {  	v56 =	vld [tilespmem:$0x1FD20]  }
0x159: {  	v1 =	vmax.f32 v1, v57;
	v57 =	vld [tilespmem:$0x1FD30]  }
0x15a: {  	[tilespmem:$0x1FDD0] =	vst v62;
	v62 =	vld [tilespmem:s23+$0x190]  }
0x15b: {  	v2 =	vmax.f32 v2, v58;
	v58 =	vld [tilespmem:$0x1FD40]  }
0x15c: {  	v3 =	vmax.f32 v3, v59;
	v59 =	vld [tilespmem:$0x1FD50]  }
0x15d: {  	v60 =	vld [tilespmem:$0x1FD60]  }
0x15e: {  	v5 =	vmax.f32 v5, v61;
	v61 =	vld [tilespmem:$0x1FD70]  }
0x15f: {  	[tilespmem:$0x1FDE0] =	vst v62;
	v62 =	vld [tilespmem:s23+$0x1A0]  }
0x160: {  	v40 =	vld [tilespmem:$0x1FD80]  }
0x161: {  	v41 =	vld [tilespmem:$0x1FD90]  }
0x162: {  	v6 =	vmax.f32 v6, v42;
	v42 =	vld [tilespmem:$0x1FDA0]  }
0x163: {  	v1 =	vmax.f32 v1, v44;
	v44 =	vld [tilespmem:$0x1FDB0]  }
0x164: {  	[tilespmem:$0x1FDF0] =	vst v62;
	v62 =	vld [tilespmem:s23+$0x1B0]  }
0x165: {  	v2 =	vmax.f32 v2, v45;
	v3 =	vmax.f32 v3, v46;
	v5 =	vmax.f32 v5, v48;
	v45 =	vld [tilespmem:$0x1FDC0]  }
0x166: {  	v6 =	vmax.f32 v6, v49;
	v7 =	vmax.f32 v7, v50;
	v1 =	vmax.f32 v1, v52;
	v46 =	vld [tilespmem:$0x1FDD0]  }
0x167: {  	v2 =	vmax.f32 v2, v53;
	v3 =	vmax.f32 v3, v54;
	v4 =	vmax.f32 v4, v55;
	v48 =	vld [tilespmem:$0x1FDE0]  }
0x168: {  	v5 =	vmax.f32 v5, v56;
	v6 =	vmax.f32 v6, v57;
	v7 =	vmax.f32 v7, v58;
	v49 =	vld [tilespmem:$0x1FDF0]  }
0x169: {  	v0 =	vmax.f32 v0, v59;
	v1 =	vmax.f32 v1, v60;
	v6 =	vmax.f32 v6, v44;
	[tilespmem:$0x1FE00] =	vst v62;
	v62 =	vld [tilespmem:s23+$0x1C0]  }
0x16a: {  	v53 =	vld [tilespmem:s23+$0x3A0];
	v2 =	vmax.f32 v2, v61;
	v3 =	vmax.f32 v3, v40;
	v6 =	vmax.f32 v6, v8  }
0x16b: {  	v54 =	vld [tilespmem:s23+$0x3B0];
	v4 =	vmax.f32 v4, v41;
	v6 =	vmax.f32 v6, v16;
	v7 =	vmax.f32 v7, v45  }
0x16c: {  	v57 =	vld [tilespmem:s23+$0x3E0];
	v5 =	vmax.f32 v5, v42;
	v61 =	vmax.f32 v6, v24;
	v7 =	vmax.f32 v7, v9  }
0x16d: {  	v7 =	vmax.f32 v7, v17;
	v0 =	vmax.f32 v0, v46;
	v2 =	vmax.f32 v2, v49;
	v50 =	vld [tilespmem:$0x1FE00]  }
0x16e: {  	v0 =	vmax.f32 v0, v10;
	v1 =	vmax.f32 v1, v48;
	v2 =	vmax.f32 v2, v12;
	[tilespmem:$0x1FE10] =	vst v62;
	v62 =	vld [tilespmem:s23+$0x1D0]  }
0x16f: {  	v0 =	vmax.f32 v0, v18;
	v1 =	vmax.f32 v1, v11;
	v2 =	vmax.f32 v2, v20;
	v52 =	vld [tilespmem:$0x1FE10]  }
0x170: {  	v55 =	vld [tilespmem:s23+$0x3C0];
	v0 =	vmax.f32 v0, v26;
	v1 =	vmax.f32 v1, v19;
	v2 =	vmax.f32 v2, v28  }
0x171: {  	s24 =	sshra.s32 s22, $0x2;
	v56 =	vld [tilespmem:s23+$0x3D0];
	v0 =	vmax.f32 v0, v47;
	v1 =	vmax.f32 v1, v27;
	v2 =	vmax.f32 v2, v53  }
0x172: {  	v58 =	vld [tilespmem:s23+$0x3F0];
	v1 =	vmax.f32 v1, v51;
	v3 =	vmax.f32 v3, v50;
	[tilespmem:s24+$0x77A0] =	vst v2;
	v2 =	vmax.f32 v61, v63  }
0x173: {  	v3 =	vmax.f32 v3, v13;
	v2 =	vmax.f32 v2, v57;
	v5 =	vmax.f32 v5, v62  }
0x174: {  	[tilespmem:s24+$0x7780] =	vst v0;
	v3 =	vmax.f32 v3, v21;
	v4 =	vmax.f32 v4, v52;
	v5 =	vmax.f32 v5, v15  }
0x175: {  	p1 =	sne.s32 s22, $0x800;
	[tilespmem:s24+$0x7790] =	vst v1;
	v3 =	vmax.f32 v3, v29;
	v4 =	vmax.f32 v4, v14;
	v60 =	vmax.f32 v5, v23  }
.Ltmp1:
0x176: {  	[tilespmem:s24+$0x77E0] =	vst v2;
	v3 =	vmax.f32 v3, v54;
	v59 =	vmax.f32 v4, v22;
	v1 =	vmax.f32 v60, v31;
	(pc) =	sbr.rel @p1 .LBB2_5-.Ltmp1, $4  }
0x177: {  	v62 =	vmax.f32 v7, v25;
	[tilespmem:s24+$0x77B0] =	vst v3;
	v0 =	vmax.f32 v59, v30;
	v1 =	vmax.f32 v1, v56  }
0x178: {  	v63 =	vmax.f32 v62, v43;
	v0 =	vmax.f32 v0, v55;
	[tilespmem:s24+$0x77D0] =	vst v1  }
0x179: {  	[tilespmem:s24+$0x77C0] =	vst v0;
	v0 =	vmax.f32 v63, v58  }
0x17a: {  	s22 =	sadd.s32 $0x200, s22;
	s23 =	sadd.s32 $0x800, s23;
	[tilespmem:s24+$0x77F0] =	vst v0  }
0x17b: {  	s21 =	smul.u32 $0x5, s21;
	_ =	sdelay $0x1  }
0x17c: {  	s21 =	sadd.s32 s5, s21  }
0x17d: {  	s20 =	sadd.s32 $0x1, s20;
	s21 =	sshll.u32 s21, $0x4  }
0x17e: {  	p1 =	sne.s32 s20, $0x3E;
	s21 =	sand.u32 $0x1FFFFFF0, s21  }
.Ltmp2:
0x17f: {  	s21 =	sadd.s32 s2, s21;
	(pc) =	sbr.rel @p1 .LBB2_2-.Ltmp2, $4  }
0x180: {  	[hbm4b:s21+s4] =	stream.linear.scatter [tilespmem:s17], [sflag:$0x3], $0x280, $0x38;
	[tilespmem:$0x1B280] =	vst v63  }
0x181: {  	_ =	swait.ge [sflag:s10], $0x280  }
0x182: {  	[sflag:s10] =	ssyncset.done $0x0  }
0x183: {  	[sflag:s10] =	ssyncadd.s32 $0xFFFFFD80  }
0x184: {  	_ =	swait.ge [sflag:s16], $0x2800  }
0x185: {  	[sflag:s16] =	ssyncset.done $0x0  }
0x186: {  	s20 =	simm.s32 $0x0;
	s21 =	simm.s32 $0x2B80;
	[sflag:s16] =	ssyncadd.s32 $0xFFFFD800  }
.LBB2_8:
0x187: {  	v0 =	vld [tilespmem:s21+$0xFFFFFC00]  }
0x188: {  	v1 =	vld [tilespmem:s21+$0xFFFFFC10]  }
0x189: {  	v2 =	vld [tilespmem:s21+$0xFFFFFC20]  }
0x18a: {  	v62 =	vld [tilespmem:s21+$0xFFFFFFE0]  }
0x18b: {  	v3 =	vld [tilespmem:s21+$0xFFFFFC30]  }
0x18c: {  	v4 =	vld [tilespmem:s21+$0xFFFFFC40]  }
0x18d: {  	v5 =	vld [tilespmem:s21+$0xFFFFFC50]  }
0x18e: {  	v6 =	vld [tilespmem:s21+$0xFFFFFC60]  }
0x18f: {  	[tilespmem:$0x1FA60] =	vst v62;
	v62 =	vld [tilespmem:s21+$0x0]  }
0x190: {  	v7 =	vld [tilespmem:s21+$0xFFFFFC70]  }
0x191: {  	v8 =	vld [tilespmem:s21+$0xFFFFFC80]  }
0x192: {  	v9 =	vld [tilespmem:s21+$0xFFFFFC90]  }
0x193: {  	v10 =	vld [tilespmem:s21+$0xFFFFFCA0]  }
0x194: {  	[tilespmem:$0x1FA70] =	vst v62;
	v62 =	vld [tilespmem:s21+$0x10]  }
0x195: {  	v11 =	vld [tilespmem:s21+$0xFFFFFCB0]  }
0x196: {  	v12 =	vld [tilespmem:s21+$0xFFFFFCC0]  }
0x197: {  	v13 =	vld [tilespmem:s21+$0xFFFFFCD0]  }
0x198: {  	v14 =	vld [tilespmem:s21+$0xFFFFFCE0]  }
0x199: {  	[tilespmem:$0x1FA80] =	vst v62;
	v62 =	vld [tilespmem:s21+$0x20]  }
0x19a: {  	v15 =	vld [tilespmem:s21+$0xFFFFFCF0]  }
0x19b: {  	v16 =	vld [tilespmem:s21+$0xFFFFFD00]  }
0x19c: {  	v17 =	vld [tilespmem:s21+$0xFFFFFD10]  }
0x19d: {  	v18 =	vld [tilespmem:s21+$0xFFFFFD20]  }
0x19e: {  	[tilespmem:$0x1FA90] =	vst v62;
	v62 =	vld [tilespmem:s21+$0x30]  }
0x19f: {  	v19 =	vld [tilespmem:s21+$0xFFFFFD30]  }
0x1a0: {  	v20 =	vld [tilespmem:s21+$0xFFFFFD40]  }
0x1a1: {  	v21 =	vld [tilespmem:s21+$0xFFFFFD50]  }
0x1a2: {  	v22 =	vld [tilespmem:s21+$0xFFFFFD60]  }
0x1a3: {  	[tilespmem:$0x1FAA0] =	vst v62;
	v62 =	vld [tilespmem:s21+$0x40]  }
0x1a4: {  	v23 =	vld [tilespmem:s21+$0xFFFFFD70]  }
0x1a5: {  	v24 =	vld [tilespmem:s21+$0xFFFFFD80]  }
0x1a6: {  	v25 =	vld [tilespmem:s21+$0xFFFFFD90]  }
0x1a7: {  	v26 =	vld [tilespmem:s21+$0xFFFFFDA0]  }
0x1a8: {  	[tilespmem:$0x1FAB0] =	vst v62;
	v62 =	vld [tilespmem:s21+$0x50]  }
0x1a9: {  	v27 =	vld [tilespmem:s21+$0xFFFFFDB0]  }
0x1aa: {  	v28 =	vld [tilespmem:s21+$0xFFFFFDC0]  }
0x1ab: {  	v29 =	vld [tilespmem:s21+$0xFFFFFDD0]  }
0x1ac: {  	v30 =	vld [tilespmem:s21+$0xFFFFFDE0]  }
0x1ad: {  	[tilespmem:$0x1FAC0] =	vst v62;
	v62 =	vld [tilespmem:s21+$0x60]  }
0x1ae: {  	v31 =	vld [tilespmem:s21+$0xFFFFFDF0]  }
0x1af: {  	v32 =	vld [tilespmem:s21+$0xFFFFFE00]  }
0x1b0: {  	v33 =	vld [tilespmem:s21+$0xFFFFFE10]  }
0x1b1: {  	v34 =	vld [tilespmem:s21+$0xFFFFFE20]  }
0x1b2: {  	[tilespmem:$0x1FAD0] =	vst v62;
	v62 =	vld [tilespmem:s21+$0x70]  }
0x1b3: {  	v35 =	vld [tilespmem:s21+$0xFFFFFE30]  }
0x1b4: {  	v36 =	vld [tilespmem:s21+$0xFFFFFE40]  }
0x1b5: {  	v37 =	vld [tilespmem:s21+$0xFFFFFE50]  }
0x1b6: {  	v38 =	vld [tilespmem:s21+$0xFFFFFE60]  }
0x1b7: {  	[tilespmem:$0x1FAE0] =	vst v62;
	v62 =	vld [tilespmem:s21+$0x80]  }
0x1b8: {  	v39 =	vld [tilespmem:s21+$0xFFFFFE70]  }
0x1b9: {  	v40 =	vld [tilespmem:s21+$0xFFFFFE80]  }
0x1ba: {  	v41 =	vld [tilespmem:s21+$0xFFFFFE90]  }
0x1bb: {  	v42 =	vld [tilespmem:s21+$0xFFFFFEA0]  }
0x1bc: {  	[tilespmem:$0x1FAF0] =	vst v62;
	v62 =	vld [tilespmem:s21+$0x90]  }
0x1bd: {  	v43 =	vld [tilespmem:s21+$0xFFFFFEB0]  }
0x1be: {  	v44 =	vld [tilespmem:s21+$0xFFFFFEC0]  }
0x1bf: {  	v45 =	vld [tilespmem:s21+$0xFFFFFED0]  }
0x1c0: {  	v46 =	vld [tilespmem:s21+$0xFFFFFEE0]  }
0x1c1: {  	[tilespmem:$0x1FB00] =	vst v62;
	v62 =	vld [tilespmem:s21+$0xA0]  }
0x1c2: {  	v47 =	vld [tilespmem:s21+$0xFFFFFEF0]  }
0x1c3: {  	v48 =	vld [tilespmem:s21+$0xFFFFFF00]  }
0x1c4: {  	v49 =	vld [tilespmem:s21+$0xFFFFFF10]  }
0x1c5: {  	v50 =	vld [tilespmem:s21+$0xFFFFFF20]  }
0x1c6: {  	[tilespmem:$0x1FB10] =	vst v62;
	v62 =	vld [tilespmem:s21+$0xB0]  }
0x1c7: {  	v51 =	vld [tilespmem:s21+$0xFFFFFF30]  }
0x1c8: {  	v52 =	vld [tilespmem:s21+$0xFFFFFF40]  }
0x1c9: {  	v53 =	vld [tilespmem:s21+$0xFFFFFF50]  }
0x1ca: {  	v54 =	vld [tilespmem:s21+$0xFFFFFF60]  }
0x1cb: {  	[tilespmem:$0x1FB20] =	vst v62;
	v62 =	vld [tilespmem:s21+$0xC0]  }
0x1cc: {  	v55 =	vld [tilespmem:s21+$0xFFFFFF70]  }
0x1cd: {  	v56 =	vld [tilespmem:s21+$0xFFFFFF80]  }
0x1ce: {  	v57 =	vld [tilespmem:s21+$0xFFFFFF90]  }
0x1cf: {  	v58 =	vld [tilespmem:s21+$0xFFFFFFA0]  }
0x1d0: {  	[tilespmem:$0x1FB30] =	vst v62;
	v62 =	vld [tilespmem:s21+$0xD0]  }
0x1d1: {  	v59 =	vld [tilespmem:s21+$0xFFFFFFB0]  }
0x1d2: {  	v60 =	vld [tilespmem:s21+$0xFFFFFFC0]  }
0x1d3: {  	v61 =	vld [tilespmem:s21+$0xFFFFFFD0]  }
0x1d4: {  	v63 =	vld [tilespmem:s21+$0xFFFFFFF0]  }
0x1d5: {  	[tilespmem:$0x1FB40] =	vst v62;
	v62 =	vld [tilespmem:s21+$0xE0]  }
0x1d6: {  	v0 =	vmax.f32 v0, v8;
	v8 =	vld [tilespmem:s21+$0x1E0]  }
0x1d7: {  	v1 =	vmax.f32 v1, v9;
	v9 =	vld [tilespmem:s21+$0x1F0]  }
0x1d8: {  	v2 =	vmax.f32 v2, v10;
	v10 =	vld [tilespmem:s21+$0x200]  }
0x1d9: {  	v3 =	vmax.f32 v3, v11;
	v11 =	vld [tilespmem:s21+$0x210]  }
0x1da: {  	[tilespmem:$0x1FB50] =	vst v62;
	v62 =	vld [tilespmem:s21+$0xF0]  }
0x1db: {  	v4 =	vmax.f32 v4, v12;
	v12 =	vld [tilespmem:s21+$0x220]  }
0x1dc: {  	v5 =	vmax.f32 v5, v13;
	v13 =	vld [tilespmem:s21+$0x230]  }
0x1dd: {  	v6 =	vmax.f32 v6, v14;
	v14 =	vld [tilespmem:s21+$0x240]  }
0x1de: {  	v7 =	vmax.f32 v7, v15;
	v15 =	vld [tilespmem:s21+$0x250]  }
0x1df: {  	[tilespmem:$0x1FB60] =	vst v62;
	v62 =	vld [tilespmem:s21+$0x100]  }
0x1e0: {  	v0 =	vmax.f32 v0, v16;
	v16 =	vld [tilespmem:s21+$0x260]  }
0x1e1: {  	v1 =	vmax.f32 v1, v17;
	v17 =	vld [tilespmem:s21+$0x270]  }
0x1e2: {  	v2 =	vmax.f32 v2, v18;
	v18 =	vld [tilespmem:s21+$0x280]  }
0x1e3: {  	v3 =	vmax.f32 v3, v19;
	v19 =	vld [tilespmem:s21+$0x290]  }
0x1e4: {  	[tilespmem:$0x1FB70] =	vst v62;
	v62 =	vld [tilespmem:s21+$0x110]  }
0x1e5: {  	v4 =	vmax.f32 v4, v20;
	v20 =	vld [tilespmem:s21+$0x2A0]  }
0x1e6: {  	v5 =	vmax.f32 v5, v21;
	v21 =	vld [tilespmem:s21+$0x2B0]  }
0x1e7: {  	v6 =	vmax.f32 v6, v22;
	v22 =	vld [tilespmem:s21+$0x2C0]  }
0x1e8: {  	v7 =	vmax.f32 v7, v23;
	v23 =	vld [tilespmem:s21+$0x2D0]  }
0x1e9: {  	[tilespmem:$0x1FB80] =	vst v62;
	v62 =	vld [tilespmem:s21+$0x120]  }
0x1ea: {  	v0 =	vmax.f32 v0, v24;
	v24 =	vld [tilespmem:s21+$0x2E0]  }
0x1eb: {  	v1 =	vmax.f32 v1, v25;
	v25 =	vld [tilespmem:s21+$0x2F0]  }
0x1ec: {  	v2 =	vmax.f32 v2, v26;
	v26 =	vld [tilespmem:s21+$0x300]  }
0x1ed: {  	v3 =	vmax.f32 v3, v27;
	v27 =	vld [tilespmem:s21+$0x310]  }
0x1ee: {  	[tilespmem:$0x1FB90] =	vst v62;
	v62 =	vld [tilespmem:s21+$0x130]  }
0x1ef: {  	v4 =	vmax.f32 v4, v28;
	v28 =	vld [tilespmem:s21+$0x320]  }
0x1f0: {  	v5 =	vmax.f32 v5, v29;
	v29 =	vld [tilespmem:s21+$0x330]  }
0x1f1: {  	v6 =	vmax.f32 v6, v30;
	v30 =	vld [tilespmem:s21+$0x340]  }
0x1f2: {  	v7 =	vmax.f32 v7, v31;
	v31 =	vld [tilespmem:s21+$0x350]  }
0x1f3: {  	v3 =	vmax.f32 v3, v35;
	v7 =	vmax.f32 v7, v39;
	[tilespmem:$0x1FBA0] =	vst v62;
	v62 =	vld [tilespmem:s21+$0x140]  }
0x1f4: {  	v2 =	vmax.f32 v2, v34;
	v3 =	vmax.f32 v3, v43;
	v7 =	vmax.f32 v7, v47;
	v43 =	vld [tilespmem:$0x1FA70]  }
0x1f5: {  	v0 =	vmax.f32 v0, v32;
	v2 =	vmax.f32 v2, v42;
	v42 =	vld [tilespmem:$0x1FA60];
	v7 =	vmax.f32 v7, v55  }
0x1f6: {  	v4 =	vmax.f32 v4, v36;
	v0 =	vmax.f32 v0, v40;
	v7 =	vmax.f32 v7, v63;
	v63 =	vld [tilespmem:s21+$0x360]  }
0x1f7: {  	v4 =	vmax.f32 v4, v44;
	v0 =	vmax.f32 v0, v48;
	v44 =	vld [tilespmem:$0x1FA80]  }
0x1f8: {  	v0 =	vmax.f32 v0, v56;
	[tilespmem:$0x1FBB0] =	vst v62;
	v62 =	vld [tilespmem:s21+$0x150]  }
0x1f9: {  	v0 =	vmax.f32 v0, v43;
	v43 =	vld [tilespmem:s21+$0x370]  }
0x1fa: {  	v5 =	vmax.f32 v5, v37;
	v47 =	vld [tilespmem:$0x1FAB0]  }
0x1fb: {  	v6 =	vmax.f32 v6, v38;
	v5 =	vmax.f32 v5, v45;
	v45 =	vld [tilespmem:$0x1FA90]  }
0x1fc: {  	v6 =	vmax.f32 v6, v46;
	v46 =	vld [tilespmem:$0x1FAA0]  }
0x1fd: {  	v4 =	vmax.f32 v4, v52;
	[tilespmem:$0x1FBC0] =	vst v62;
	v62 =	vld [tilespmem:s21+$0x160]  }
0x1fe: {  	v4 =	vmax.f32 v4, v60;
	v48 =	vld [tilespmem:$0x1FAC0]  }
0x1ff: {  	v1 =	vmax.f32 v1, v33;
	v4 =	vmax.f32 v4, v47;
	v47 =	vld [tilespmem:s21+$0x380]  }
0x200: {  	v1 =	vmax.f32 v1, v41;
	v3 =	vmax.f32 v3, v51;
	v51 =	vld [tilespmem:$0x1FAF0]  }
0x201: {  	v1 =	vmax.f32 v1, v49;
	v49 =	vld [tilespmem:$0x1FAD0]  }
0x202: {  	[tilespmem:$0x1FBD0] =	vst v62;
	v62 =	vld [tilespmem:s21+$0x170]  }
0x203: {  	v2 =	vmax.f32 v2, v50;
	v50 =	vld [tilespmem:$0x1FAE0]  }
0x204: {  	v52 =	vld [tilespmem:$0x1FB00]  }
0x205: {  	v0 =	vmax.f32 v0, v51;
	v51 =	vld [tilespmem:s21+$0x390]  }
0x206: {  	v5 =	vmax.f32 v5, v53;
	v53 =	vld [tilespmem:$0x1FB10]  }
0x207: {  	[tilespmem:$0x1FBE0] =	vst v62;
	v62 =	vld [tilespmem:s21+$0x180]  }
0x208: {  	v6 =	vmax.f32 v6, v54;
	v54 =	vld [tilespmem:$0x1FB20]  }
0x209: {  	v55 =	vld [tilespmem:$0x1FB30]  }
0x20a: {  	v56 =	vld [tilespmem:$0x1FB40]  }
0x20b: {  	v1 =	vmax.f32 v1, v57;
	v57 =	vld [tilespmem:$0x1FB50]  }
0x20c: {  	[tilespmem:$0x1FBF0] =	vst v62;
	v62 =	vld [tilespmem:s21+$0x190]  }
0x20d: {  	v2 =	vmax.f32 v2, v58;
	v58 =	vld [tilespmem:$0x1FB60]  }
0x20e: {  	v3 =	vmax.f32 v3, v59;
	v59 =	vld [tilespmem:$0x1FB70]  }
0x20f: {  	v60 =	vld [tilespmem:$0x1FB80]  }
0x210: {  	v5 =	vmax.f32 v5, v61;
	v61 =	vld [tilespmem:$0x1FB90]  }
0x211: {  	[tilespmem:$0x1FC00] =	vst v62;
	v62 =	vld [tilespmem:s21+$0x1A0]  }
0x212: {  	v40 =	vld [tilespmem:$0x1FBA0]  }
0x213: {  	v41 =	vld [tilespmem:$0x1FBB0]  }
0x214: {  	v6 =	vmax.f32 v6, v42;
	v42 =	vld [tilespmem:$0x1FBC0]  }
0x215: {  	v1 =	vmax.f32 v1, v44;
	v44 =	vld [tilespmem:$0x1FBD0]  }
0x216: {  	[tilespmem:$0x1FC10] =	vst v62;
	v62 =	vld [tilespmem:s21+$0x1B0]  }
0x217: {  	v2 =	vmax.f32 v2, v45;
	v3 =	vmax.f32 v3, v46;
	v5 =	vmax.f32 v5, v48;
	v45 =	vld [tilespmem:$0x1FBE0]  }
0x218: {  	v6 =	vmax.f32 v6, v49;
	v7 =	vmax.f32 v7, v50;
	v1 =	vmax.f32 v1, v52;
	v46 =	vld [tilespmem:$0x1FBF0]  }
0x219: {  	v2 =	vmax.f32 v2, v53;
	v3 =	vmax.f32 v3, v54;
	v4 =	vmax.f32 v4, v55;
	v48 =	vld [tilespmem:$0x1FC00]  }
0x21a: {  	v5 =	vmax.f32 v5, v56;
	v6 =	vmax.f32 v6, v57;
	v7 =	vmax.f32 v7, v58;
	v49 =	vld [tilespmem:$0x1FC10]  }
0x21b: {  	v0 =	vmax.f32 v0, v59;
	v1 =	vmax.f32 v1, v60;
	v6 =	vmax.f32 v6, v44;
	[tilespmem:$0x1FC20] =	vst v62;
	v62 =	vld [tilespmem:s21+$0x1C0]  }
0x21c: {  	v53 =	vld [tilespmem:s21+$0x3A0];
	v2 =	vmax.f32 v2, v61;
	v3 =	vmax.f32 v3, v40;
	v6 =	vmax.f32 v6, v8  }
0x21d: {  	v54 =	vld [tilespmem:s21+$0x3B0];
	v4 =	vmax.f32 v4, v41;
	v6 =	vmax.f32 v6, v16;
	v7 =	vmax.f32 v7, v45  }
0x21e: {  	v57 =	vld [tilespmem:s21+$0x3E0];
	v5 =	vmax.f32 v5, v42;
	v61 =	vmax.f32 v6, v24;
	v7 =	vmax.f32 v7, v9  }
0x21f: {  	v7 =	vmax.f32 v7, v17;
	v0 =	vmax.f32 v0, v46;
	v2 =	vmax.f32 v2, v49;
	v50 =	vld [tilespmem:$0x1FC20]  }
0x220: {  	v0 =	vmax.f32 v0, v10;
	v1 =	vmax.f32 v1, v48;
	v2 =	vmax.f32 v2, v12;
	[tilespmem:$0x1FC30] =	vst v62;
	v62 =	vld [tilespmem:s21+$0x1D0]  }
0x221: {  	v0 =	vmax.f32 v0, v18;
	v1 =	vmax.f32 v1, v11;
	v2 =	vmax.f32 v2, v20;
	v52 =	vld [tilespmem:$0x1FC30]  }
0x222: {  	v55 =	vld [tilespmem:s21+$0x3C0];
	v0 =	vmax.f32 v0, v26;
	v1 =	vmax.f32 v1, v19;
	v2 =	vmax.f32 v2, v28  }
0x223: {  	s22 =	sshra.s32 s20, $0x2;
	v56 =	vld [tilespmem:s21+$0x3D0];
	v0 =	vmax.f32 v0, v47;
	v1 =	vmax.f32 v1, v27;
	v2 =	vmax.f32 v2, v53  }
0x224: {  	v58 =	vld [tilespmem:s21+$0x3F0];
	v1 =	vmax.f32 v1, v51;
	v3 =	vmax.f32 v3, v50;
	[tilespmem:s22+$0x77A0] =	vst v2;
	v2 =	vmax.f32 v61, v63  }
0x225: {  	v3 =	vmax.f32 v3, v13;
	v2 =	vmax.f32 v2, v57;
	v5 =	vmax.f32 v5, v62  }
0x226: {  	[tilespmem:s22+$0x7780] =	vst v0;
	v3 =	vmax.f32 v3, v21;
	v4 =	vmax.f32 v4, v52;
	v5 =	vmax.f32 v5, v15  }
0x227: {  	p1 =	sne.s32 s20, $0x800;
	[tilespmem:s22+$0x7790] =	vst v1;
	v3 =	vmax.f32 v3, v29;
	v4 =	vmax.f32 v4, v14;
	v60 =	vmax.f32 v5, v23  }
.Ltmp3:
0x228: {  	[tilespmem:s22+$0x77E0] =	vst v2;
	v3 =	vmax.f32 v3, v54;
	v59 =	vmax.f32 v4, v22;
	v1 =	vmax.f32 v60, v31;
	(pc) =	sbr.rel @p1 .LBB2_8-.Ltmp3, $4  }
0x229: {  	v62 =	vmax.f32 v7, v25;
	[tilespmem:s22+$0x77B0] =	vst v3;
	v0 =	vmax.f32 v59, v30;
	v1 =	vmax.f32 v1, v56  }
0x22a: {  	v63 =	vmax.f32 v62, v43;
	v0 =	vmax.f32 v0, v55;
	[tilespmem:s22+$0x77D0] =	vst v1  }
0x22b: {  	[tilespmem:s22+$0x77C0] =	vst v0;
	v0 =	vmax.f32 v63, v58  }
0x22c: {  	s20 =	sadd.s32 $0x200, s20;
	s21 =	sadd.s32 $0x800, s21;
	[tilespmem:s22+$0x77F0] =	vst v0  }
0x22d: {  	s19 =	sadd.s32 $0x1, s19  }
0x22e: {  	p1 =	sne.s32 s19, s9  }
.Ltmp4:
0x22f: {  	_ = 	snop;
	(pc) =	sbr.rel @p1 .LBB2_1-.Ltmp4, $4  }
0x230: {  	[hbm4b:s8+s4] =	stream.linear.scatter [tilespmem:s17], [sflag:$0x3], $0x280, $0x38;
	[tilespmem:$0x1B280] =	vst v63  }
0x231: {  	_ =	swait.ge [sflag:s10], $0x280  }
0x232: {  	[sflag:s10] =	ssyncset.done $0x0  }
0x233: {  	[sflag:s10] =	ssyncadd.s32 $0xFFFFFD80  }
0x234: {  	_ =	sfence.sel $0x180000  }
0x235: {  	[bflag:$0x0] =	sbarrier.arrive $0xFFFF  }
0x236: {  	p0 =	sne.s32 s0, $0x0;
	_ =	strace $0x90000047  }
0x237: {  	s0 =	sadd.s32 @!p0 $0x100000, s1;
	[bflag:$0x2] =	sbarrier.arrive $0xFFFF  }
0x238: {  	[sflag:s0] =	ssyncadd.tile.s32 @!p0 $0x1;
	_ =	shalt  }
.Lfunc_end2:
_tile_overlayer_lowered:
.L_overlay_start_2:
0x239: {  	(tag) =	ssettag $0x2  }
0x23a: {  	s0 =	rddreg [dreg:$0x0];
	s2 =	stileid.u32  }
0x23b: {  	s1 =	rddreg [dreg:$0x1];
	p0 =	sne.s32 s2, $0x0  }
0x23c: {  	s3 =	rddreg [dreg:$0x2];
	[bflag:$0x3] =	sbarrier.arrive $0xFFFF;
	s2 =	simm.s32 @!p0 $0x1C03  }
0x23d: {  	[timem:s3], [sflag:s2] =	dma.local @!p0 [hbm:s0], s1  }
0x23e: {  	s0 =	simm.s32 @!p0 $0x3  }
0x23f: {  	_ =	swait.ge @!p0 [sflag:s0], s1  }
0x240: {  	s1 =	ssub.s32 @!p0 $0x0, s1;
	[sflag:s0] =	ssyncset.done @!p0 $0x0  }
0x241: {  	[sflag:s0] =	ssyncadd.s32 @!p0 s1  }
0x242: {  	[bflag:$0x3] =	sbarrier.arrive $0xFFFF  }
0x243: {  	_ =	shalt  }

</sc_bundles>
